<compile_context>
chip_gen: v7x
topology: tpu7x:2x2x1
jax: 0.10.2.dev20260603
libtpu: 0.0.44.dev20260713+nightly
codegen_flags: <defaults>
</compile_context>

<pallas_src>
import functools

import jax
import jax.numpy as jnp
from jax import lax
from jax.experimental import pallas as pl
from jax.experimental.pallas import tpu as pltpu
from jax.experimental.pallas import tpu_sc as plsc

N_NODES_C = 10000
HIDDEN_C = 64
OUT_C = 128
EDGE_BLOCK = 2560

NUM_WORKERS = 32
CHUNK = 128
CHUNKS_PER_W = 40
EDGES_PER_W = CHUNK * CHUNKS_PER_W
E_PAD = NUM_WORKERS * EDGES_PER_W

_INTERPRET = False


def _sc_gather(src_idx3, node_features, nchunks):
    mesh = plsc.VectorSubcoreMesh(core_axis_name="c", subcore_axis_name="s")
    per_w = nchunks * CHUNK

    steal = 8

    @functools.partial(
        pl.kernel, mesh=mesh,
        out_type=jax.ShapeDtypeStruct((NUM_WORKERS * per_w, HIDDEN_C),
                                      jnp.float32),
        scratch_types=[
            pltpu.VMEM((nchunks + steal, CHUNK), jnp.int32),
            pltpu.VMEM((CHUNK, HIDDEN_C), jnp.float32),
            pltpu.VMEM((CHUNK, HIDDEN_C), jnp.float32),
            pltpu.SemaphoreType.DMA,
            pltpu.SemaphoreType.DMA,
        ],
        compiler_params=pltpu.CompilerParams(use_tc_tiling_on_sc=False),
    )
    def k(idx_hbm, nf_hbm, out_hbm, idx_v, rows0, rows1, sem0, sem1):
        c = lax.axis_index("c")
        s = lax.axis_index("s")
        wid = s * 2 + c
        pltpu.sync_copy(idx_hbm.at[wid], idx_v.at[pl.ds(0, nchunks)])

        @pl.when(c == 0)
        def _():
            pltpu.sync_copy(idx_hbm.at[wid + 1, pl.ds(nchunks - steal, steal)],
                            idx_v.at[pl.ds(nchunks, steal)])

        base = wid * per_w
        bufs = (rows0, rows1)
        sems = (sem0, sem1)
        pltpu.async_copy(nf_hbm.at[idx_v.at[0]], rows0, sem0)
        pltpu.async_copy(nf_hbm.at[idx_v.at[1]], rows1, sem1)

        def make_pair(total):
            def pair(t, carry):
                for bslot in range(2):
                    j = t * 2 + bslot
                    buf, sem = bufs[bslot], sems[bslot]
                    off = jnp.where(j < nchunks, base + j * CHUNK,
                                    (wid + 1) * per_w + (j - steal) * CHUNK)
                    pltpu.make_async_copy(nf_hbm.at[idx_v.at[0]], buf,
                                          sem).wait()
                    pltpu.sync_copy(buf, out_hbm.at[pl.ds(off, CHUNK)])

                    @pl.when(j + 2 < total)
                    def _():
                        pltpu.async_copy(nf_hbm.at[idx_v.at[j + 2]], buf, sem)
                return carry
            return pair

        @pl.when(c == 0)
        def _():
            lax.fori_loop(0, (nchunks + steal) // 2, make_pair(nchunks + steal),
                          0)

        @pl.when(c != 0)
        def _():
            lax.fori_loop(0, (nchunks - steal) // 2, make_pair(nchunks - steal),
                          0)

    return k(src_idx3, node_features)


NACC = 10240


def _sc_scatter_add(tgt_idx3, zz, zeros, nchunks):
    mesh = plsc.VectorSubcoreMesh(core_axis_name="c", subcore_axis_name="s")
    stripe = NACC // 16
    per_w = nchunks * CHUNK

    @functools.partial(
        pl.kernel, mesh=mesh,
        out_type=jax.ShapeDtypeStruct((2, NACC, OUT_C), jnp.float32),
        scratch_types=[
            pltpu.VMEM((nchunks, CHUNK), jnp.int32),
            pltpu.VMEM((CHUNK, OUT_C), jnp.float32),
            pltpu.VMEM((CHUNK, OUT_C), jnp.float32),
            pltpu.VMEM_SHARED((NACC, OUT_C), jnp.float32),
            pltpu.SemaphoreType.DMA,
            pltpu.SemaphoreType.DMA,
        ],
        compiler_params=pltpu.CompilerParams(use_tc_tiling_on_sc=True),
    )
    def k(idx_hbm, z_hbm, zeros_hbm, out_hbm, idx_v, z0, z1, acc, sem0, sem1):
        c = lax.axis_index("c")
        s = lax.axis_index("s")
        wid = s * 2 + c
        pltpu.sync_copy(zeros_hbm.at[pl.ds(s * stripe, stripe)],
                        acc.at[pl.ds(s * stripe, stripe)])
        pltpu.sync_copy(idx_hbm.at[wid], idx_v)
        plsc.subcore_barrier()
        base = wid * per_w
        bufs = (z0, z1)
        sems = (sem0, sem1)
        pltpu.async_copy(z_hbm.at[pl.ds(base, CHUNK)], z0, sem0)
        pltpu.async_copy(z_hbm.at[pl.ds(base + CHUNK, CHUNK)], z1, sem1)

        def pair(t, carry):
            for bslot in range(2):
                j = t * 2 + bslot
                buf, sem = bufs[bslot], sems[bslot]
                pltpu.make_async_copy(z_hbm.at[pl.ds(base, CHUNK)], buf,
                                      sem).wait()
                pltpu.sync_copy(buf, acc.at[idx_v.at[j]], add=True)

                @pl.when(j + 2 < nchunks)
                def _():
                    pltpu.async_copy(
                        z_hbm.at[pl.ds(base + (j + 2) * CHUNK, CHUNK)],
                        buf, sem)
            return carry

        lax.fori_loop(0, nchunks // 2, pair, 0)
        plsc.subcore_barrier()
        pltpu.sync_copy(acc.at[pl.ds(s * stripe, stripe)],
                        out_hbm.at[c, pl.ds(s * stripe, stripe)])

    return k(tgt_idx3, zz, zeros)


PHASE_CHUNKS = CHUNKS_PER_W // 2
PHASE_EDGES = NUM_WORKERS * PHASE_CHUNKS * CHUNK


def _combine_body(pa0_ref, pa1_ref, pb0_ref, pb1_ref, b_ref, o_ref):
    o_ref[...] = ((pa0_ref[0] + pa1_ref[0]) + (pb0_ref[0] + pb1_ref[0])
                  + b_ref[...])


def _combine(pa, pb, b):
    nb = 5
    blk = N_NODES_C // nb
    return pl.pallas_call(
        _combine_body,
        grid=(nb,),
        in_specs=[
            pl.BlockSpec((1, blk, OUT_C), lambda i: (0, i, 0)),
            pl.BlockSpec((1, blk, OUT_C), lambda i: (1, i, 0)),
            pl.BlockSpec((1, blk, OUT_C), lambda i: (0, i, 0)),
            pl.BlockSpec((1, blk, OUT_C), lambda i: (1, i, 0)),
            pl.BlockSpec((1, OUT_C), lambda i: (0, 0)),
        ],
        out_specs=pl.BlockSpec((blk, OUT_C), lambda i: (i, 0)),
        out_shape=jax.ShapeDtypeStruct((N_NODES_C, OUT_C), jnp.float32),
        interpret=_INTERPRET,
    )(pa, pa, pb, pb, b.reshape(1, OUT_C))


def _edge_matmul_body(g_ref, evt_ref, w2t_ref, tconst_ref, econst_ref, z_ref):
    x = evt_ref[0:1, :]
    y = evt_ref[1:2, :]
    z = evt_ref[2:3, :]
    n2 = x * x + y * y + z * z
    inv = jax.lax.rsqrt(jnp.maximum(n2, 1e-24))
    x = x * inv
    y = y * inv
    z = z * inv
    x2, y2, z2 = x * x, y * y, z * z
    sh = [
        0.28209479177387814 * jnp.ones_like(x),
        0.4886025119029199 * y,
        0.4886025119029199 * z,
        0.4886025119029199 * x,
        1.0925484305920792 * x * y,
        1.0925484305920792 * y * z,
        0.31539156525252005 * (3.0 * z2 - 1.0),
        1.0925484305920792 * x * z,
        0.5462742152960396 * (x2 - y2),
        0.5900435899266435 * y * (3.0 * x2 - y2),
        2.890611442640554 * x * y * z,
        0.4570457994644658 * y * (5.0 * z2 - 1.0),
        0.3731763325901154 * z * (5.0 * z2 - 3.0),
        0.4570457994644658 * x * (5.0 * z2 - 1.0),
        1.445305721320277 * z * (x2 - y2),
        0.5900435899266435 * x * (x2 - 3.0 * y2),
    ]
    sht = jnp.concatenate(sh, axis=0)
    shc = sht.T.astype(jnp.bfloat16)
    dims = (((1,), (0,)), ((), ()))
    half = EDGE_BLOCK // 4
    for h in range(4):
        rows = pl.ds(h * half, half)
        g = g_ref[rows, :].astype(jnp.bfloat16)
        gexp = jax.lax.dot_general(g, tconst_ref[...], dimension_numbers=dims,
                                   preferred_element_type=jnp.float32)
        shexp = jax.lax.dot_general(shc[h * half:(h + 1) * half, :],
                                    econst_ref[...], dimension_numbers=dims,
                                    preferred_element_type=jnp.float32)
        msgs = gexp.astype(jnp.bfloat16) * shexp.astype(jnp.bfloat16)
        z_ref[rows, :] = jax.lax.dot_general(
            msgs, w2t_ref[...],
            dimension_numbers=dims,
            preferred_element_type=jnp.float32,
        )


def _edge_matmul(gathered, evt, w2t, tconst, econst, phase):
    n_rows = gathered.shape[0]
    grid = n_rows // EDGE_BLOCK
    return pl.pallas_call(
        _edge_matmul_body,
        grid=(grid,),
        in_specs=[
            pl.BlockSpec((EDGE_BLOCK, HIDDEN_C), lambda i: (i, 0)),
            pl.BlockSpec((3, EDGE_BLOCK), lambda i: (0, 2 * i + phase)),
            pl.BlockSpec((HIDDEN_C * 16, OUT_C), lambda i: (0, 0)),
            pl.BlockSpec((HIDDEN_C, HIDDEN_C * 16), lambda i: (0, 0)),
            pl.BlockSpec((16, HIDDEN_C * 16), lambda i: (0, 0)),
        ],
        out_specs=pl.BlockSpec((EDGE_BLOCK, OUT_C), lambda i: (i, 0)),
        out_shape=jax.ShapeDtypeStruct((n_rows, OUT_C), jnp.float32),
        interpret=_INTERPRET,
    )(gathered, evt, w2t, tconst, econst)


def kernel(node_features, edge_vectors, edge_index, W, b):
    n_atoms = node_features.shape[0]
    n_edges = edge_index.shape[1]
    sources = edge_index[0]
    targets = edge_index[1]
    w2t = W.reshape(OUT_C, HIDDEN_C, 16).transpose(2, 1, 0).reshape(
        16 * HIDDEN_C, OUT_C).astype(jnp.bfloat16)
    src_pad = jnp.pad(sources, (0, E_PAD - n_edges)).reshape(
        NUM_WORKERS, CHUNKS_PER_W, CHUNK)
    tgt_pad = jnp.pad(targets, (0, E_PAD - n_edges),
                      constant_values=n_atoms).reshape(
        NUM_WORKERS, CHUNKS_PER_W, CHUNK)
    evt = jnp.pad(edge_vectors, ((0, E_PAD - n_edges), (0, 0))).T
    lm = jnp.arange(16 * HIDDEN_C) // HIDDEN_C
    ch = jnp.arange(16 * HIDDEN_C) % HIDDEN_C
    tconst = (jnp.arange(HIDDEN_C)[:, None] == ch[None, :]).astype(jnp.bfloat16)
    econst = (jnp.arange(16)[:, None] == lm[None, :]).astype(jnp.bfloat16)
    zeros = jnp.zeros((NACC, OUT_C), jnp.float32)
    ga = _sc_gather(src_pad[:, :PHASE_CHUNKS], node_features, PHASE_CHUNKS)
    za = _edge_matmul(ga, evt, w2t, tconst, econst, 0)
    gb = _sc_gather(src_pad[:, PHASE_CHUNKS:], node_features, PHASE_CHUNKS)
    pa = _sc_scatter_add(tgt_pad[:, :PHASE_CHUNKS], za, zeros, PHASE_CHUNKS)
    zb = _edge_matmul(gb, evt, w2t, tconst, econst, 1)
    pb = _sc_scatter_add(tgt_pad[:, PHASE_CHUNKS:], zb, zeros, PHASE_CHUNKS)
    return _combine(pa, pb, b)

# --- scband reference (transcript-rebuilt; emitter-appended) ---
"""Pipeline reference for scband-simple-macelayer-fused-33509334843738 (READ-ONLY COPY).

The authoritative reference and input builder live on the scoring server;
editing this copy changes nothing except your own understanding.
"""

import jax, jax.numpy as jnp
import numpy as np

N_NODES = 10000
N_EDGES = 160000
HIDDEN = 64
OUT = 128
NUM_IRREPS = 16  # (lmax+1)**2 with lmax=3


def _real_sph_harm_lmax3(v):
    # Real spherical harmonics Y_lm for l=0..3 evaluated on normalized vectors.
    eps = 1e-12
    n = jnp.sqrt(jnp.sum(v * v, axis=1, keepdims=True))
    u = v / jnp.maximum(n, eps)
    x, y, z = u[:, 0], u[:, 1], u[:, 2]
    x2, y2, z2 = x * x, y * y, z * z
    sh = [
        0.28209479177387814 * jnp.ones_like(x),
        0.4886025119029199 * y,
        0.4886025119029199 * z,
        0.4886025119029199 * x,
        1.0925484305920792 * x * y,
        1.0925484305920792 * y * z,
        0.31539156525252005 * (3.0 * z2 - 1.0),
        1.0925484305920792 * x * z,
        0.5462742152960396 * (x2 - y2),
        0.5900435899266435 * y * (3.0 * x2 - y2),
        2.890611442640554 * x * y * z,
        0.4570457994644658 * y * (5.0 * z2 - 1.0),
        0.3731763325901154 * z * (5.0 * z2 - 3.0),
        0.4570457994644658 * x * (5.0 * z2 - 1.0),
        1.445305721320277 * z * (x2 - y2),
        0.5900435899266435 * x * (x2 - 3.0 * y2),
    ]
    return jnp.stack(sh, axis=1)


def setup_inputs(seed: int = 0) -> dict:
    key = jax.random.key(seed)
    k1, k2, k3, k4, k5 = jax.random.split(key, 5)
    node_features = jax.random.normal(k1, (N_NODES, HIDDEN), dtype=jnp.float32)
    edge_vectors = jax.random.normal(k2, (N_EDGES, 3), dtype=jnp.float32)
    edge_index = jax.random.randint(k3, (2, N_EDGES), 0, N_NODES, dtype=jnp.int32)
    fan_in = HIDDEN * NUM_IRREPS
    W = jax.random.normal(k4, (OUT, fan_in), dtype=jnp.float32) / np.sqrt(fan_in)
    b = jax.random.normal(k5, (OUT,), dtype=jnp.float32) * 0.01
    return {"node_features": node_features, "edge_vectors": edge_vectors,
            "edge_index": edge_index, "W": W, "b": b}


def reference(node_features, edge_vectors, edge_index, W, b):
    n_atoms = node_features.shape[0]
    sources = edge_index[0]
    targets = edge_index[1]
    # fused SH + tensor product: messages[e, c, lm] = node_features[src[e], c] * Y_lm(edge_vec[e])
    sh = _real_sph_harm_lmax3(edge_vectors)                      # [E, 16]
    gathered = jnp.take(node_features, sources, axis=0)          # [E, H]
    messages = gathered[:, :, None] * sh[:, None, :]             # [E, H, 16]
    node_output = jax.ops.segment_sum(messages, targets, num_segments=n_atoms)  # [N, H, 16]
    node_output = node_output.reshape(n_atoms, -1)               # [N, H*16]
    return node_output @ W.T + b                                 # [N, OUT]

if __name__ == "__main__":
    import jax
    _d = setup_inputs()
    print(jax.jit(kernel)(*tuple(_d.values())))

</pallas_src>

<mosaic_0001>
#map = affine_map<(d0, d1) -> (0, 0, 0)>
#map1 = affine_map<(d0, d1) -> (0, 0)>
module attributes {stable_mosaic.version = 14 : i64} {
  func.func @k(%arg0: i32, %arg1: i32, %arg2: memref<32x20x128xi32, #tpu.memory_space<hbm>>, %arg3: memref<10000x64xf32, #tpu.memory_space<hbm>>, %arg4: memref<81920x64xf32, #tpu.memory_space<hbm>>, %arg5: memref<28x128xi32, #tpu.memory_space<vmem>>, %arg6: memref<128x64xf32, #tpu.memory_space<vmem>>, %arg7: memref<128x64xf32, #tpu.memory_space<vmem>>, %arg8: memref<!tpu.dma_semaphore, #tpu.memory_space<semaphore_mem>>, %arg9: memref<!tpu.dma_semaphore, #tpu.memory_space<semaphore_mem>>) attributes {dimension_semantics = [#tpu.dimension_semantics<core_parallel>, #tpu.dimension_semantics<subcore_parallel>], iteration_bounds = array<i64: 2, 16>, scalar_prefetch = 0 : i64, scratch_operands = 5 : i64, tpu.core_type = #tpu.core_type<sc_vector_subcore>, window_params = [{transform_indices = #map}, {transform_indices = #map1}, {transform_indices = #map1}]} {
    %mul3A = arith.constant 2 : i32
    %mul3A_0 = arith.muli %arg1, %mul3A : i32
    %add3A = arith.addi %mul3A_0, %arg0 : i32
    "tpu.region"() ({
      %run_scoped3A = tpu.sem_alloc : memref<!tpu.dma_semaphore, #tpu.memory_space<semaphore_mem>>
      %dma_start3A_27 = arith.constant 0 : i32
      %dma_start3A_28 = arith.constant 0 : i32
      %dma_start3A_29 = tpu.memref_slice %arg5[%dma_start3A_27, %dma_start3A_28] : memref<28x128xi32, #tpu.memory_space<vmem>> -> memref<20x128xi32, #tpu.memory_space<vmem>>
      %dma_start3A_30 = arith.constant 0 : i32
      %dma_start3A_31 = arith.constant 0 : i32
      %dma_start3A_32 = tpu.memref_slice %arg2[%add3A, %dma_start3A_30, %dma_start3A_31] : memref<32x20x128xi32, #tpu.memory_space<hbm>> -> memref<1x20x128xi32, #tpu.memory_space<hbm>>
      %dma_start3A_33 = tpu.memref_squeeze %dma_start3A_32 : memref<1x20x128xi32, #tpu.memory_space<hbm>> -> memref<20x128xi32, #tpu.memory_space<hbm>>
      %dma_start3A_34 = arith.constant 0 : i32
      %dma_start3A_35 = arith.constant 0 : i32
      %dma_start3A_36 = tpu.memref_slice %arg5[%dma_start3A_34, %dma_start3A_35] : memref<28x128xi32, #tpu.memory_space<vmem>> -> memref<20x128xi32, #tpu.memory_space<vmem>>
      %dma_start3A_37 = arith.constant 0 : i32
      %dma_start3A_38 = arith.constant 0 : i32
      %dma_start3A_39 = tpu.memref_slice %arg2[%add3A, %dma_start3A_37, %dma_start3A_38] : memref<32x20x128xi32, #tpu.memory_space<hbm>> -> memref<1x20x128xi32, #tpu.memory_space<hbm>>
      %dma_start3A_40 = tpu.memref_squeeze %dma_start3A_39 : memref<1x20x128xi32, #tpu.memory_space<hbm>> -> memref<20x128xi32, #tpu.memory_space<hbm>>
      tpu.enqueue_dma source(%dma_start3A_40 : memref<20x128xi32, #tpu.memory_space<hbm>>) target(%dma_start3A_36 : memref<20x128xi32, #tpu.memory_space<vmem>>) target_semaphore(%run_scoped3A : memref<!tpu.dma_semaphore, #tpu.memory_space<semaphore_mem>>)
      %dma_wait3A = arith.constant 0 : i32
      %dma_wait3A_41 = arith.constant 0 : i32
      %dma_wait3A_42 = tpu.memref_slice %arg5[%dma_wait3A, %dma_wait3A_41] : memref<28x128xi32, #tpu.memory_space<vmem>> -> memref<20x128xi32, #tpu.memory_space<vmem>>
      %dma_wait3A_43 = arith.constant 0 : i32
      %dma_wait3A_44 = arith.constant 0 : i32
      %dma_wait3A_45 = tpu.memref_slice %arg2[%add3A, %dma_wait3A_43, %dma_wait3A_44] : memref<32x20x128xi32, #tpu.memory_space<hbm>> -> memref<1x20x128xi32, #tpu.memory_space<hbm>>
      %dma_wait3A_46 = tpu.memref_squeeze %dma_wait3A_45 : memref<1x20x128xi32, #tpu.memory_space<hbm>> -> memref<20x128xi32, #tpu.memory_space<hbm>>
      %dma_wait3A_47 = arith.constant 0 : i32
      %dma_wait3A_48 = arith.constant 0 : i32
      %dma_wait3A_49 = tpu.memref_slice %arg5[%dma_wait3A_47, %dma_wait3A_48] : memref<28x128xi32, #tpu.memory_space<vmem>> -> memref<20x128xi32, #tpu.memory_space<vmem>>
      %dma_wait3A_50 = arith.constant 0 : i32
      %dma_wait3A_51 = arith.constant 0 : i32
      %dma_wait3A_52 = tpu.memref_slice %arg2[%add3A, %dma_wait3A_50, %dma_wait3A_51] : memref<32x20x128xi32, #tpu.memory_space<hbm>> -> memref<1x20x128xi32, #tpu.memory_space<hbm>>
      %dma_wait3A_53 = tpu.memref_squeeze %dma_wait3A_52 : memref<1x20x128xi32, #tpu.memory_space<hbm>> -> memref<20x128xi32, #tpu.memory_space<hbm>>
      tpu.wait_dma2 semaphore(%run_scoped3A : memref<!tpu.dma_semaphore, #tpu.memory_space<semaphore_mem>>) src(%dma_wait3A_53 : memref<20x128xi32, #tpu.memory_space<hbm>>) dst(%dma_wait3A_49 : memref<20x128xi32, #tpu.memory_space<vmem>>)
      tpu.yield
    }) : () -> ()
    %eq3A = arith.constant 0 : i32
    %eq3A_1 = arith.cmpi eq, %arg0, %eq3A : i32
    %convert_element_type3A = arith.extui %eq3A_1 : i1 to i32
    %cond3A = arith.constant 0 : i32
    %cond3A_2 = arith.cmpi ne, %convert_element_type3A, %cond3A : i32
    scf.if %cond3A_2 {
      %add3A_27 = arith.constant 1 : i32
      %add3A_28 = arith.addi %add3A, %add3A_27 : i32
      "tpu.region"() ({
        %run_scoped3A = tpu.sem_alloc : memref<!tpu.dma_semaphore, #tpu.memory_space<semaphore_mem>>
        %dma_start3A_29 = arith.constant 20 : i32
        %dma_start3A_30 = arith.constant 0 : i32
        %dma_start3A_31 = tpu.memref_slice %arg5[%dma_start3A_29, %dma_start3A_30] : memref<28x128xi32, #tpu.memory_space<vmem>> -> memref<8x128xi32, #tpu.memory_space<vmem>>
        %dma_start3A_32 = arith.constant 12 : i32
        %dma_start3A_33 = arith.constant 0 : i32
        %dma_start3A_34 = tpu.memref_slice %arg2[%add3A_28, %dma_start3A_32, %dma_start3A_33] : memref<32x20x128xi32, #tpu.memory_space<hbm>> -> memref<1x8x128xi32, #tpu.memory_space<hbm>>
        %dma_start3A_35 = tpu.memref_squeeze %dma_start3A_34 : memref<1x8x128xi32, #tpu.memory_space<hbm>> -> memref<8x128xi32, #tpu.memory_space<hbm>>
        %dma_start3A_36 = arith.constant 20 : i32
        %dma_start3A_37 = arith.constant 0 : i32
        %dma_start3A_38 = tpu.memref_slice %arg5[%dma_start3A_36, %dma_start3A_37] : memref<28x128xi32, #tpu.memory_space<vmem>> -> memref<8x128xi32, #tpu.memory_space<vmem>>
        %dma_start3A_39 = arith.constant 12 : i32
        %dma_start3A_40 = arith.constant 0 : i32
        %dma_start3A_41 = tpu.memref_slice %arg2[%add3A_28, %dma_start3A_39, %dma_start3A_40] : memref<32x20x128xi32, #tpu.memory_space<hbm>> -> memref<1x8x128xi32, #tpu.memory_space<hbm>>
        %dma_start3A_42 = tpu.memref_squeeze %dma_start3A_41 : memref<1x8x128xi32, #tpu.memory_space<hbm>> -> memref<8x128xi32, #tpu.memory_space<hbm>>
        tpu.enqueue_dma source(%dma_start3A_42 : memref<8x128xi32, #tpu.memory_space<hbm>>) target(%dma_start3A_38 : memref<8x128xi32, #tpu.memory_space<vmem>>) target_semaphore(%run_scoped3A : memref<!tpu.dma_semaphore, #tpu.memory_space<semaphore_mem>>)
        %dma_wait3A = arith.constant 20 : i32
        %dma_wait3A_43 = arith.constant 0 : i32
        %dma_wait3A_44 = tpu.memref_slice %arg5[%dma_wait3A, %dma_wait3A_43] : memref<28x128xi32, #tpu.memory_space<vmem>> -> memref<8x128xi32, #tpu.memory_space<vmem>>
        %dma_wait3A_45 = arith.constant 12 : i32
        %dma_wait3A_46 = arith.constant 0 : i32
        %dma_wait3A_47 = tpu.memref_slice %arg2[%add3A_28, %dma_wait3A_45, %dma_wait3A_46] : memref<32x20x128xi32, #tpu.memory_space<hbm>> -> memref<1x8x128xi32, #tpu.memory_space<hbm>>
        %dma_wait3A_48 = tpu.memref_squeeze %dma_wait3A_47 : memref<1x8x128xi32, #tpu.memory_space<hbm>> -> memref<8x128xi32, #tpu.memory_space<hbm>>
        %dma_wait3A_49 = arith.constant 20 : i32
        %dma_wait3A_50 = arith.constant 0 : i32
        %dma_wait3A_51 = tpu.memref_slice %arg5[%dma_wait3A_49, %dma_wait3A_50] : memref<28x128xi32, #tpu.memory_space<vmem>> -> memref<8x128xi32, #tpu.memory_space<vmem>>
        %dma_wait3A_52 = arith.constant 12 : i32
        %dma_wait3A_53 = arith.constant 0 : i32
        %dma_wait3A_54 = tpu.memref_slice %arg2[%add3A_28, %dma_wait3A_52, %dma_wait3A_53] : memref<32x20x128xi32, #tpu.memory_space<hbm>> -> memref<1x8x128xi32, #tpu.memory_space<hbm>>
        %dma_wait3A_55 = tpu.memref_squeeze %dma_wait3A_54 : memref<1x8x128xi32, #tpu.memory_space<hbm>> -> memref<8x128xi32, #tpu.memory_space<hbm>>
        tpu.wait_dma2 semaphore(%run_scoped3A : memref<!tpu.dma_semaphore, #tpu.memory_space<semaphore_mem>>) src(%dma_wait3A_55 : memref<8x128xi32, #tpu.memory_space<hbm>>) dst(%dma_wait3A_51 : memref<8x128xi32, #tpu.memory_space<vmem>>)
        tpu.yield
      }) : () -> ()
    } else {
    }
    %mul3A_3 = arith.constant 2560 : i32
    %mul3A_4 = arith.muli %add3A, %mul3A_3 : i32
    %dma_start3A = arith.constant 0 : i32
    %dma_start3A_5 = arith.constant 0 : i32
    %dma_start3A_6 = tpu.memref_slice %arg5[%dma_start3A, %dma_start3A_5] : memref<28x128xi32, #tpu.memory_space<vmem>> -> memref<1x128xi32, #tpu.memory_space<vmem>>
    %dma_start3A_7 = tpu.memref_squeeze %dma_start3A_6 : memref<1x128xi32, #tpu.memory_space<vmem>> -> memref<128xi32, #tpu.memory_space<vmem>>
    %dma_start3A_8 = arith.constant 0 : i32
    %dma_start3A_9 = arith.constant 0 : i32
    %dma_start3A_10 = tpu.memref_slice %arg3[%dma_start3A_8, %dma_start3A_9] : memref<10000x64xf32, #tpu.memory_space<hbm>> -> memref<10000x64xf32, #tpu.memory_space<hbm>>
    tpu.enqueue_indirect_dma source(%dma_start3A_10 : memref<10000x64xf32, #tpu.memory_space<hbm>>) target(%arg6 : memref<128x64xf32, #tpu.memory_space<vmem>>) offsets(%dma_start3A_7 : memref<128xi32, #tpu.memory_space<vmem>>) semaphore(%arg8 : memref<!tpu.dma_semaphore, #tpu.memory_space<semaphore_mem>>)
    %dma_start3A_11 = arith.constant 1 : i32
    %dma_start3A_12 = arith.constant 0 : i32
    %dma_start3A_13 = tpu.memref_slice %arg5[%dma_start3A_11, %dma_start3A_12] : memref<28x128xi32, #tpu.memory_space<vmem>> -> memref<1x128xi32, #tpu.memory_space<vmem>>
    %dma_start3A_14 = tpu.memref_squeeze %dma_start3A_13 : memref<1x128xi32, #tpu.memory_space<vmem>> -> memref<128xi32, #tpu.memory_space<vmem>>
    %dma_start3A_15 = arith.constant 0 : i32
    %dma_start3A_16 = arith.constant 0 : i32
    %dma_start3A_17 = tpu.memref_slice %arg3[%dma_start3A_15, %dma_start3A_16] : memref<10000x64xf32, #tpu.memory_space<hbm>> -> memref<10000x64xf32, #tpu.memory_space<hbm>>
    tpu.enqueue_indirect_dma source(%dma_start3A_17 : memref<10000x64xf32, #tpu.memory_space<hbm>>) target(%arg7 : memref<128x64xf32, #tpu.memory_space<vmem>>) offsets(%dma_start3A_14 : memref<128xi32, #tpu.memory_space<vmem>>) semaphore(%arg9 : memref<!tpu.dma_semaphore, #tpu.memory_space<semaphore_mem>>)
    %eq3A_18 = arith.constant 0 : i32
    %eq3A_19 = arith.cmpi eq, %arg0, %eq3A_18 : i32
    %convert_element_type3A_20 = arith.extui %eq3A_19 : i1 to i32
    %cond3A_21 = arith.constant 0 : i32
    %cond3A_22 = arith.cmpi ne, %convert_element_type3A_20, %cond3A_21 : i32
    scf.if %cond3A_22 {
      %scan3A = arith.constant 0 : i32
      %scan3A_27 = arith.constant 0 : i32
      %scan3A_28 = arith.constant 14 : i32
      %scan3A_29 = arith.addi %scan3A_27, %scan3A_28 : i32
      %scan3A_30 = arith.constant 1 : i32
      scf.for %scan3A_32 = %scan3A_27 to %scan3A_29 step %scan3A_30  : i32 {
        %mul3A_33 = arith.constant 2 : i32
        %mul3A_34 = arith.muli %scan3A_32, %mul3A_33 : i32
        %add3A_35 = arith.constant 0 : i32
        %add3A_36 = arith.addi %mul3A_34, %add3A_35 : i32
        %lt3A = arith.constant 20 : i32
        %lt3A_37 = arith.cmpi slt, %add3A_36, %lt3A : i32
        %mul3A_38 = arith.constant 128 : i32
        %mul3A_39 = arith.muli %add3A_36, %mul3A_38 : i32
        %add3A_40 = arith.addi %mul3A_4, %mul3A_39 : i32
        %add3A_41 = arith.constant 1 : i32
        %add3A_42 = arith.addi %add3A, %add3A_41 : i32
        %mul3A_43 = arith.constant 2560 : i32
        %mul3A_44 = arith.muli %add3A_42, %mul3A_43 : i32
        %sub3A = arith.constant 8 : i32
        %sub3A_45 = arith.subi %add3A_36, %sub3A : i32
        %mul3A_46 = arith.constant 128 : i32
        %mul3A_47 = arith.muli %sub3A_45, %mul3A_46 : i32
        %add3A_48 = arith.addi %mul3A_44, %mul3A_47 : i32
        %select_n3A = arith.select %lt3A_37, %add3A_40, %add3A_48 : i32
        %dma_wait3A = arith.constant 0 : i32
        %dma_wait3A_49 = arith.constant 0 : i32
        %dma_wait3A_50 = tpu.memref_slice %arg5[%dma_wait3A, %dma_wait3A_49] : memref<28x128xi32, #tpu.memory_space<vmem>> -> memref<1x128xi32, #tpu.memory_space<vmem>>
        %dma_wait3A_51 = tpu.memref_squeeze %dma_wait3A_50 : memref<1x128xi32, #tpu.memory_space<vmem>> -> memref<128xi32, #tpu.memory_space<vmem>>
        %dma_wait3A_52 = arith.constant 0 : i32
        %dma_wait3A_53 = arith.constant 0 : i32
        %dma_wait3A_54 = tpu.memref_slice %arg3[%dma_wait3A_52, %dma_wait3A_53] : memref<10000x64xf32, #tpu.memory_space<hbm>> -> memref<10000x64xf32, #tpu.memory_space<hbm>>
        tpu.wait_indirect_dma semaphore(%arg8 : memref<!tpu.dma_semaphore, #tpu.memory_space<semaphore_mem>>) src(%dma_wait3A_54 : memref<10000x64xf32, #tpu.memory_space<hbm>>) dst(%arg6 : memref<128x64xf32, #tpu.memory_space<vmem>>)
        "tpu.region"() ({
          %run_scoped3A = tpu.sem_alloc : memref<!tpu.dma_semaphore, #tpu.memory_space<semaphore_mem>>
          %dma_start3A_95 = arith.constant 0 : i32
          %dma_start3A_96 = tpu.memref_slice %arg4[%select_n3A, %dma_start3A_95] : memref<81920x64xf32, #tpu.memory_space<hbm>> -> memref<128x64xf32, #tpu.memory_space<hbm>>
          %dma_start3A_97 = arith.constant 0 : i32
          %dma_start3A_98 = tpu.memref_slice %arg4[%select_n3A, %dma_start3A_97] : memref<81920x64xf32, #tpu.memory_space<hbm>> -> memref<128x64xf32, #tpu.memory_space<hbm>>
          tpu.enqueue_dma source(%arg6 : memref<128x64xf32, #tpu.memory_space<vmem>>) target(%dma_start3A_98 : memref<128x64xf32, #tpu.memory_space<hbm>>) target_semaphore(%run_scoped3A : memref<!tpu.dma_semaphore, #tpu.memory_space<semaphore_mem>>)
          %dma_wait3A_99 = arith.constant 0 : i32
          %dma_wait3A_100 = tpu.memref_slice %arg4[%select_n3A, %dma_wait3A_99] : memref<81920x64xf32, #tpu.memory_space<hbm>> -> memref<128x64xf32, #tpu.memory_space<hbm>>
          %dma_wait3A_101 = arith.constant 0 : i32
          %dma_wait3A_102 = tpu.memref_slice %arg4[%select_n3A, %dma_wait3A_101] : memref<81920x64xf32, #tpu.memory_space<hbm>> -> memref<128x64xf32, #tpu.memory_space<hbm>>
          tpu.wait_dma2 semaphore(%run_scoped3A : memref<!tpu.dma_semaphore, #tpu.memory_space<semaphore_mem>>) src(%arg6 : memref<128x64xf32, #tpu.memory_space<vmem>>) dst(%dma_wait3A_102 : memref<128x64xf32, #tpu.memory_space<hbm>>)
          tpu.yield
        }) : () -> ()
        %add3A_55 = arith.constant 2 : i32
        %add3A_56 = arith.addi %add3A_36, %add3A_55 : i32
        %lt3A_57 = arith.constant 28 : i32
        %lt3A_58 = arith.cmpi slt, %add3A_56, %lt3A_57 : i32
        %convert_element_type3A_59 = arith.extui %lt3A_58 : i1 to i32
        %cond3A_60 = arith.constant 0 : i32
        %cond3A_61 = arith.cmpi ne, %convert_element_type3A_59, %cond3A_60 : i32
        scf.if %cond3A_61 {
          %add3A_95 = arith.constant 2 : i32
          %add3A_96 = arith.addi %add3A_36, %add3A_95 : i32
          %dma_start3A_97 = arith.constant 0 : i32
          %dma_start3A_98 = tpu.memref_slice %arg5[%add3A_96, %dma_start3A_97] : memref<28x128xi32, #tpu.memory_space<vmem>> -> memref<1x128xi32, #tpu.memory_space<vmem>>
          %dma_start3A_99 = tpu.memref_squeeze %dma_start3A_98 : memref<1x128xi32, #tpu.memory_space<vmem>> -> memref<128xi32, #tpu.memory_space<vmem>>
          %dma_start3A_100 = arith.constant 0 : i32
          %dma_start3A_101 = arith.constant 0 : i32
          %dma_start3A_102 = tpu.memref_slice %arg3[%dma_start3A_100, %dma_start3A_101] : memref<10000x64xf32, #tpu.memory_space<hbm>> -> memref<10000x64xf32, #tpu.memory_space<hbm>>
          tpu.enqueue_indirect_dma source(%dma_start3A_102 : memref<10000x64xf32, #tpu.memory_space<hbm>>) target(%arg6 : memref<128x64xf32, #tpu.memory_space<vmem>>) offsets(%dma_start3A_99 : memref<128xi32, #tpu.memory_space<vmem>>) semaphore(%arg8 : memref<!tpu.dma_semaphore, #tpu.memory_space<semaphore_mem>>)
        } else {
        }
        %mul3A_62 = arith.constant 2 : i32
        %mul3A_63 = arith.muli %scan3A_32, %mul3A_62 : i32
        %add3A_64 = arith.constant 1 : i32
        %add3A_65 = arith.addi %mul3A_63, %add3A_64 : i32
        %lt3A_66 = arith.constant 20 : i32
        %lt3A_67 = arith.cmpi slt, %add3A_65, %lt3A_66 : i32
        %mul3A_68 = arith.constant 128 : i32
        %mul3A_69 = arith.muli %add3A_65, %mul3A_68 : i32
        %add3A_70 = arith.addi %mul3A_4, %mul3A_69 : i32
        %add3A_71 = arith.constant 1 : i32
        %add3A_72 = arith.addi %add3A, %add3A_71 : i32
        %mul3A_73 = arith.constant 2560 : i32
        %mul3A_74 = arith.muli %add3A_72, %mul3A_73 : i32
        %sub3A_75 = arith.constant 8 : i32
        %sub3A_76 = arith.subi %add3A_65, %sub3A_75 : i32
        %mul3A_77 = arith.constant 128 : i32
        %mul3A_78 = arith.muli %sub3A_76, %mul3A_77 : i32
        %add3A_79 = arith.addi %mul3A_74, %mul3A_78 : i32
        %select_n3A_80 = arith.select %lt3A_67, %add3A_70, %add3A_79 : i32
        %dma_wait3A_81 = arith.constant 0 : i32
        %dma_wait3A_82 = arith.constant 0 : i32
        %dma_wait3A_83 = tpu.memref_slice %arg5[%dma_wait3A_81, %dma_wait3A_82] : memref<28x128xi32, #tpu.memory_space<vmem>> -> memref<1x128xi32, #tpu.memory_space<vmem>>
        %dma_wait3A_84 = tpu.memref_squeeze %dma_wait3A_83 : memref<1x128xi32, #tpu.memory_space<vmem>> -> memref<128xi32, #tpu.memory_space<vmem>>
        %dma_wait3A_85 = arith.constant 0 : i32
        %dma_wait3A_86 = arith.constant 0 : i32
        %dma_wait3A_87 = tpu.memref_slice %arg3[%dma_wait3A_85, %dma_wait3A_86] : memref<10000x64xf32, #tpu.memory_space<hbm>> -> memref<10000x64xf32, #tpu.memory_space<hbm>>
        tpu.wait_indirect_dma semaphore(%arg9 : memref<!tpu.dma_semaphore, #tpu.memory_space<semaphore_mem>>) src(%dma_wait3A_87 : memref<10000x64xf32, #tpu.memory_space<hbm>>) dst(%arg7 : memref<128x64xf32, #tpu.memory_space<vmem>>)
        "tpu.region"() ({
          %run_scoped3A = tpu.sem_alloc : memref<!tpu.dma_semaphore, #tpu.memory_space<semaphore_mem>>
          %dma_start3A_95 = arith.constant 0 : i32
          %dma_start3A_96 = tpu.memref_slice %arg4[%select_n3A_80, %dma_start3A_95] : memref<81920x64xf32, #tpu.memory_space<hbm>> -> memref<128x64xf32, #tpu.memory_space<hbm>>
          %dma_start3A_97 = arith.constant 0 : i32
          %dma_start3A_98 = tpu.memref_slice %arg4[%select_n3A_80, %dma_start3A_97] : memref<81920x64xf32, #tpu.memory_space<hbm>> -> memref<128x64xf32, #tpu.memory_space<hbm>>
          tpu.enqueue_dma source(%arg7 : memref<128x64xf32, #tpu.memory_space<vmem>>) target(%dma_start3A_98 : memref<128x64xf32, #tpu.memory_space<hbm>>) target_semaphore(%run_scoped3A : memref<!tpu.dma_semaphore, #tpu.memory_space<semaphore_mem>>)
          %dma_wait3A_99 = arith.constant 0 : i32
          %dma_wait3A_100 = tpu.memref_slice %arg4[%select_n3A_80, %dma_wait3A_99] : memref<81920x64xf32, #tpu.memory_space<hbm>> -> memref<128x64xf32, #tpu.memory_space<hbm>>
          %dma_wait3A_101 = arith.constant 0 : i32
          %dma_wait3A_102 = tpu.memref_slice %arg4[%select_n3A_80, %dma_wait3A_101] : memref<81920x64xf32, #tpu.memory_space<hbm>> -> memref<128x64xf32, #tpu.memory_space<hbm>>
          tpu.wait_dma2 semaphore(%run_scoped3A : memref<!tpu.dma_semaphore, #tpu.memory_space<semaphore_mem>>) src(%arg7 : memref<128x64xf32, #tpu.memory_space<vmem>>) dst(%dma_wait3A_102 : memref<128x64xf32, #tpu.memory_space<hbm>>)
          tpu.yield
        }) : () -> ()
        %add3A_88 = arith.constant 2 : i32
        %add3A_89 = arith.addi %add3A_65, %add3A_88 : i32
        %lt3A_90 = arith.constant 28 : i32
        %lt3A_91 = arith.cmpi slt, %add3A_89, %lt3A_90 : i32
        %convert_element_type3A_92 = arith.extui %lt3A_91 : i1 to i32
        %cond3A_93 = arith.constant 0 : i32
        %cond3A_94 = arith.cmpi ne, %convert_element_type3A_92, %cond3A_93 : i32
        scf.if %cond3A_94 {
          %add3A_95 = arith.constant 2 : i32
          %add3A_96 = arith.addi %add3A_65, %add3A_95 : i32
          %dma_start3A_97 = arith.constant 0 : i32
          %dma_start3A_98 = tpu.memref_slice %arg5[%add3A_96, %dma_start3A_97] : memref<28x128xi32, #tpu.memory_space<vmem>> -> memref<1x128xi32, #tpu.memory_space<vmem>>
          %dma_start3A_99 = tpu.memref_squeeze %dma_start3A_98 : memref<1x128xi32, #tpu.memory_space<vmem>> -> memref<128xi32, #tpu.memory_space<vmem>>
          %dma_start3A_100 = arith.constant 0 : i32
          %dma_start3A_101 = arith.constant 0 : i32
          %dma_start3A_102 = tpu.memref_slice %arg3[%dma_start3A_100, %dma_start3A_101] : memref<10000x64xf32, #tpu.memory_space<hbm>> -> memref<10000x64xf32, #tpu.memory_space<hbm>>
          tpu.enqueue_indirect_dma source(%dma_start3A_102 : memref<10000x64xf32, #tpu.memory_space<hbm>>) target(%arg7 : memref<128x64xf32, #tpu.memory_space<vmem>>) offsets(%dma_start3A_99 : memref<128xi32, #tpu.memory_space<vmem>>) semaphore(%arg9 : memref<!tpu.dma_semaphore, #tpu.memory_space<semaphore_mem>>)
        } else {
        }
      }
      %scan3A_31 = arith.constant 14 : i32
    } else {
    }
    %ne3A = arith.constant 0 : i32
    %ne3A_23 = arith.cmpi ne, %arg0, %ne3A : i32
    %convert_element_type3A_24 = arith.extui %ne3A_23 : i1 to i32
    %cond3A_25 = arith.constant 0 : i32
    %cond3A_26 = arith.cmpi ne, %convert_element_type3A_24, %cond3A_25 : i32
    scf.if %cond3A_26 {
      %scan3A = arith.constant 0 : i32
      %scan3A_27 = arith.constant 0 : i32
      %scan3A_28 = arith.constant 6 : i32
      %scan3A_29 = arith.addi %scan3A_27, %scan3A_28 : i32
      %scan3A_30 = arith.constant 1 : i32
      scf.for %scan3A_32 = %scan3A_27 to %scan3A_29 step %scan3A_30  : i32 {
        %mul3A_33 = arith.constant 2 : i32
        %mul3A_34 = arith.muli %scan3A_32, %mul3A_33 : i32
        %add3A_35 = arith.constant 0 : i32
        %add3A_36 = arith.addi %mul3A_34, %add3A_35 : i32
        %lt3A = arith.constant 20 : i32
        %lt3A_37 = arith.cmpi slt, %add3A_36, %lt3A : i32
        %mul3A_38 = arith.constant 128 : i32
        %mul3A_39 = arith.muli %add3A_36, %mul3A_38 : i32
        %add3A_40 = arith.addi %mul3A_4, %mul3A_39 : i32
        %add3A_41 = arith.constant 1 : i32
        %add3A_42 = arith.addi %add3A, %add3A_41 : i32
        %mul3A_43 = arith.constant 2560 : i32
        %mul3A_44 = arith.muli %add3A_42, %mul3A_43 : i32
        %sub3A = arith.constant 8 : i32
        %sub3A_45 = arith.subi %add3A_36, %sub3A : i32
        %mul3A_46 = arith.constant 128 : i32
        %mul3A_47 = arith.muli %sub3A_45, %mul3A_46 : i32
        %add3A_48 = arith.addi %mul3A_44, %mul3A_47 : i32
        %select_n3A = arith.select %lt3A_37, %add3A_40, %add3A_48 : i32
        %dma_wait3A = arith.constant 0 : i32
        %dma_wait3A_49 = arith.constant 0 : i32
        %dma_wait3A_50 = tpu.memref_slice %arg5[%dma_wait3A, %dma_wait3A_49] : memref<28x128xi32, #tpu.memory_space<vmem>> -> memref<1x128xi32, #tpu.memory_space<vmem>>
        %dma_wait3A_51 = tpu.memref_squeeze %dma_wait3A_50 : memref<1x128xi32, #tpu.memory_space<vmem>> -> memref<128xi32, #tpu.memory_space<vmem>>
        %dma_wait3A_52 = arith.constant 0 : i32
        %dma_wait3A_53 = arith.constant 0 : i32
        %dma_wait3A_54 = tpu.memref_slice %arg3[%dma_wait3A_52, %dma_wait3A_53] : memref<10000x64xf32, #tpu.memory_space<hbm>> -> memref<10000x64xf32, #tpu.memory_space<hbm>>
        tpu.wait_indirect_dma semaphore(%arg8 : memref<!tpu.dma_semaphore, #tpu.memory_space<semaphore_mem>>) src(%dma_wait3A_54 : memref<10000x64xf32, #tpu.memory_space<hbm>>) dst(%arg6 : memref<128x64xf32, #tpu.memory_space<vmem>>)
        "tpu.region"() ({
          %run_scoped3A = tpu.sem_alloc : memref<!tpu.dma_semaphore, #tpu.memory_space<semaphore_mem>>
          %dma_start3A_95 = arith.constant 0 : i32
          %dma_start3A_96 = tpu.memref_slice %arg4[%select_n3A, %dma_start3A_95] : memref<81920x64xf32, #tpu.memory_space<hbm>> -> memref<128x64xf32, #tpu.memory_space<hbm>>
          %dma_start3A_97 = arith.constant 0 : i32
          %dma_start3A_98 = tpu.memref_slice %arg4[%select_n3A, %dma_start3A_97] : memref<81920x64xf32, #tpu.memory_space<hbm>> -> memref<128x64xf32, #tpu.memory_space<hbm>>
          tpu.enqueue_dma source(%arg6 : memref<128x64xf32, #tpu.memory_space<vmem>>) target(%dma_start3A_98 : memref<128x64xf32, #tpu.memory_space<hbm>>) target_semaphore(%run_scoped3A : memref<!tpu.dma_semaphore, #tpu.memory_space<semaphore_mem>>)
          %dma_wait3A_99 = arith.constant 0 : i32
          %dma_wait3A_100 = tpu.memref_slice %arg4[%select_n3A, %dma_wait3A_99] : memref<81920x64xf32, #tpu.memory_space<hbm>> -> memref<128x64xf32, #tpu.memory_space<hbm>>
          %dma_wait3A_101 = arith.constant 0 : i32
          %dma_wait3A_102 = tpu.memref_slice %arg4[%select_n3A, %dma_wait3A_101] : memref<81920x64xf32, #tpu.memory_space<hbm>> -> memref<128x64xf32, #tpu.memory_space<hbm>>
          tpu.wait_dma2 semaphore(%run_scoped3A : memref<!tpu.dma_semaphore, #tpu.memory_space<semaphore_mem>>) src(%arg6 : memref<128x64xf32, #tpu.memory_space<vmem>>) dst(%dma_wait3A_102 : memref<128x64xf32, #tpu.memory_space<hbm>>)
          tpu.yield
        }) : () -> ()
        %add3A_55 = arith.constant 2 : i32
        %add3A_56 = arith.addi %add3A_36, %add3A_55 : i32
        %lt3A_57 = arith.constant 12 : i32
        %lt3A_58 = arith.cmpi slt, %add3A_56, %lt3A_57 : i32
        %convert_element_type3A_59 = arith.extui %lt3A_58 : i1 to i32
        %cond3A_60 = arith.constant 0 : i32
        %cond3A_61 = arith.cmpi ne, %convert_element_type3A_59, %cond3A_60 : i32
        scf.if %cond3A_61 {
          %add3A_95 = arith.constant 2 : i32
          %add3A_96 = arith.addi %add3A_36, %add3A_95 : i32
          %dma_start3A_97 = arith.constant 0 : i32
          %dma_start3A_98 = tpu.memref_slice %arg5[%add3A_96, %dma_start3A_97] : memref<28x128xi32, #tpu.memory_space<vmem>> -> memref<1x128xi32, #tpu.memory_space<vmem>>
          %dma_start3A_99 = tpu.memref_squeeze %dma_start3A_98 : memref<1x128xi32, #tpu.memory_space<vmem>> -> memref<128xi32, #tpu.memory_space<vmem>>
          %dma_start3A_100 = arith.constant 0 : i32
          %dma_start3A_101 = arith.constant 0 : i32
          %dma_start3A_102 = tpu.memref_slice %arg3[%dma_start3A_100, %dma_start3A_101] : memref<10000x64xf32, #tpu.memory_space<hbm>> -> memref<10000x64xf32, #tpu.memory_space<hbm>>
          tpu.enqueue_indirect_dma source(%dma_start3A_102 : memref<10000x64xf32, #tpu.memory_space<hbm>>) target(%arg6 : memref<128x64xf32, #tpu.memory_space<vmem>>) offsets(%dma_start3A_99 : memref<128xi32, #tpu.memory_space<vmem>>) semaphore(%arg8 : memref<!tpu.dma_semaphore, #tpu.memory_space<semaphore_mem>>)
        } else {
        }
        %mul3A_62 = arith.constant 2 : i32
        %mul3A_63 = arith.muli %scan3A_32, %mul3A_62 : i32
        %add3A_64 = arith.constant 1 : i32
        %add3A_65 = arith.addi %mul3A_63, %add3A_64 : i32
        %lt3A_66 = arith.constant 20 : i32
        %lt3A_67 = arith.cmpi slt, %add3A_65, %lt3A_66 : i32
        %mul3A_68 = arith.constant 128 : i32
        %mul3A_69 = arith.muli %add3A_65, %mul3A_68 : i32
        %add3A_70 = arith.addi %mul3A_4, %mul3A_69 : i32
        %add3A_71 = arith.constant 1 : i32
        %add3A_72 = arith.addi %add3A, %add3A_71 : i32
        %mul3A_73 = arith.constant 2560 : i32
        %mul3A_74 = arith.muli %add3A_72, %mul3A_73 : i32
        %sub3A_75 = arith.constant 8 : i32
        %sub3A_76 = arith.subi %add3A_65, %sub3A_75 : i32
        %mul3A_77 = arith.constant 128 : i32
        %mul3A_78 = arith.muli %sub3A_76, %mul3A_77 : i32
        %add3A_79 = arith.addi %mul3A_74, %mul3A_78 : i32
        %select_n3A_80 = arith.select %lt3A_67, %add3A_70, %add3A_79 : i32
        %dma_wait3A_81 = arith.constant 0 : i32
        %dma_wait3A_82 = arith.constant 0 : i32
        %dma_wait3A_83 = tpu.memref_slice %arg5[%dma_wait3A_81, %dma_wait3A_82] : memref<28x128xi32, #tpu.memory_space<vmem>> -> memref<1x128xi32, #tpu.memory_space<vmem>>
        %dma_wait3A_84 = tpu.memref_squeeze %dma_wait3A_83 : memref<1x128xi32, #tpu.memory_space<vmem>> -> memref<128xi32, #tpu.memory_space<vmem>>
        %dma_wait3A_85 = arith.constant 0 : i32
        %dma_wait3A_86 = arith.constant 0 : i32
        %dma_wait3A_87 = tpu.memref_slice %arg3[%dma_wait3A_85, %dma_wait3A_86] : memref<10000x64xf32, #tpu.memory_space<hbm>> -> memref<10000x64xf32, #tpu.memory_space<hbm>>
        tpu.wait_indirect_dma semaphore(%arg9 : memref<!tpu.dma_semaphore, #tpu.memory_space<semaphore_mem>>) src(%dma_wait3A_87 : memref<10000x64xf32, #tpu.memory_space<hbm>>) dst(%arg7 : memref<128x64xf32, #tpu.memory_space<vmem>>)
        "tpu.region"() ({
          %run_scoped3A = tpu.sem_alloc : memref<!tpu.dma_semaphore, #tpu.memory_space<semaphore_mem>>
          %dma_start3A_95 = arith.constant 0 : i32
          %dma_start3A_96 = tpu.memref_slice %arg4[%select_n3A_80, %dma_start3A_95] : memref<81920x64xf32, #tpu.memory_space<hbm>> -> memref<128x64xf32, #tpu.memory_space<hbm>>
          %dma_start3A_97 = arith.constant 0 : i32
          %dma_start3A_98 = tpu.memref_slice %arg4[%select_n3A_80, %dma_start3A_97] : memref<81920x64xf32, #tpu.memory_space<hbm>> -> memref<128x64xf32, #tpu.memory_space<hbm>>
          tpu.enqueue_dma source(%arg7 : memref<128x64xf32, #tpu.memory_space<vmem>>) target(%dma_start3A_98 : memref<128x64xf32, #tpu.memory_space<hbm>>) target_semaphore(%run_scoped3A : memref<!tpu.dma_semaphore, #tpu.memory_space<semaphore_mem>>)
          %dma_wait3A_99 = arith.constant 0 : i32
          %dma_wait3A_100 = tpu.memref_slice %arg4[%select_n3A_80, %dma_wait3A_99] : memref<81920x64xf32, #tpu.memory_space<hbm>> -> memref<128x64xf32, #tpu.memory_space<hbm>>
          %dma_wait3A_101 = arith.constant 0 : i32
          %dma_wait3A_102 = tpu.memref_slice %arg4[%select_n3A_80, %dma_wait3A_101] : memref<81920x64xf32, #tpu.memory_space<hbm>> -> memref<128x64xf32, #tpu.memory_space<hbm>>
          tpu.wait_dma2 semaphore(%run_scoped3A : memref<!tpu.dma_semaphore, #tpu.memory_space<semaphore_mem>>) src(%arg7 : memref<128x64xf32, #tpu.memory_space<vmem>>) dst(%dma_wait3A_102 : memref<128x64xf32, #tpu.memory_space<hbm>>)
          tpu.yield
        }) : () -> ()
        %add3A_88 = arith.constant 2 : i32
        %add3A_89 = arith.addi %add3A_65, %add3A_88 : i32
        %lt3A_90 = arith.constant 12 : i32
        %lt3A_91 = arith.cmpi slt, %add3A_89, %lt3A_90 : i32
        %convert_element_type3A_92 = arith.extui %lt3A_91 : i1 to i32
        %cond3A_93 = arith.constant 0 : i32
        %cond3A_94 = arith.cmpi ne, %convert_element_type3A_92, %cond3A_93 : i32
        scf.if %cond3A_94 {
          %add3A_95 = arith.constant 2 : i32
          %add3A_96 = arith.addi %add3A_65, %add3A_95 : i32
          %dma_start3A_97 = arith.constant 0 : i32
          %dma_start3A_98 = tpu.memref_slice %arg5[%add3A_96, %dma_start3A_97] : memref<28x128xi32, #tpu.memory_space<vmem>> -> memref<1x128xi32, #tpu.memory_space<vmem>>
          %dma_start3A_99 = tpu.memref_squeeze %dma_start3A_98 : memref<1x128xi32, #tpu.memory_space<vmem>> -> memref<128xi32, #tpu.memory_space<vmem>>
          %dma_start3A_100 = arith.constant 0 : i32
          %dma_start3A_101 = arith.constant 0 : i32
          %dma_start3A_102 = tpu.memref_slice %arg3[%dma_start3A_100, %dma_start3A_101] : memref<10000x64xf32, #tpu.memory_space<hbm>> -> memref<10000x64xf32, #tpu.memory_space<hbm>>
          tpu.enqueue_indirect_dma source(%dma_start3A_102 : memref<10000x64xf32, #tpu.memory_space<hbm>>) target(%arg7 : memref<128x64xf32, #tpu.memory_space<vmem>>) offsets(%dma_start3A_99 : memref<128xi32, #tpu.memory_space<vmem>>) semaphore(%arg9 : memref<!tpu.dma_semaphore, #tpu.memory_space<semaphore_mem>>)
        } else {
        }
      }
      %scan3A_31 = arith.constant 6 : i32
    } else {
    }
    return
  }
}

#map = affine_map<(d0, d1) -> (0, 0, 0)>
#map1 = affine_map<(d0, d1) -> (0, 0)>
module attributes {stable_mosaic.version = 14 : i64} {
  func.func @k(%arg0: i32, %arg1: i32, %arg2: memref<32x20x128xi32, #tpu.memory_space<hbm>>, %arg3: memref<81920x128xf32, #tpu.memory_space<hbm>>, %arg4: memref<10240x128xf32, #tpu.memory_space<hbm>>, %arg5: memref<2x10240x128xf32, #tpu.memory_space<hbm>>, %arg6: memref<20x128xi32, #tpu.memory_space<vmem>>, %arg7: memref<128x128xf32, #tpu.memory_space<vmem>>, %arg8: memref<128x128xf32, #tpu.memory_space<vmem>>, %arg9: memref<10240x128xf32, #tpu.memory_space<vmem_shared>>, %arg10: memref<!tpu.dma_semaphore, #tpu.memory_space<semaphore_mem>>, %arg11: memref<!tpu.dma_semaphore, #tpu.memory_space<semaphore_mem>>) attributes {dimension_semantics = [#tpu.dimension_semantics<core_parallel>, #tpu.dimension_semantics<subcore_parallel>], iteration_bounds = array<i64: 2, 16>, scalar_prefetch = 0 : i64, scratch_operands = 6 : i64, tpu.core_type = #tpu.core_type<sc_vector_subcore>, window_params = [{transform_indices = #map}, {transform_indices = #map1}, {transform_indices = #map1}, {transform_indices = #map}]} {
    %mul3A = arith.constant 2 : i32
    %mul3A_0 = arith.muli %arg1, %mul3A : i32
    %add3A = arith.addi %mul3A_0, %arg0 : i32
    %mul3A_1 = arith.constant 640 : i32
    %mul3A_2 = arith.muli %arg1, %mul3A_1 : i32
    %mul3A_3 = arith.constant 640 : i32
    %mul3A_4 = arith.muli %arg1, %mul3A_3 : i32
    "tpu.region"() ({
      %run_scoped3A = tpu.sem_alloc : memref<!tpu.dma_semaphore, #tpu.memory_space<semaphore_mem>>
      %dma_start3A_26 = arith.constant 0 : i32
      %dma_start3A_27 = tpu.memref_slice %arg9[%mul3A_4, %dma_start3A_26] : memref<10240x128xf32, #tpu.memory_space<vmem_shared>> -> memref<640x128xf32, #tpu.memory_space<vmem_shared>>
      %dma_start3A_28 = arith.constant 0 : i32
      %dma_start3A_29 = tpu.memref_slice %arg4[%mul3A_2, %dma_start3A_28] : memref<10240x128xf32, #tpu.memory_space<hbm>> -> memref<640x128xf32, #tpu.memory_space<hbm>>
      tpu.enqueue_dma source(%dma_start3A_29 : memref<640x128xf32, #tpu.memory_space<hbm>>) target(%dma_start3A_27 : memref<640x128xf32, #tpu.memory_space<vmem_shared>>) target_semaphore(%run_scoped3A : memref<!tpu.dma_semaphore, #tpu.memory_space<semaphore_mem>>)
      %dma_wait3A = arith.constant 0 : i32
      %dma_wait3A_30 = tpu.memref_slice %arg9[%mul3A_4, %dma_wait3A] : memref<10240x128xf32, #tpu.memory_space<vmem_shared>> -> memref<640x128xf32, #tpu.memory_space<vmem_shared>>
      %dma_wait3A_31 = arith.constant 0 : i32
      %dma_wait3A_32 = tpu.memref_slice %arg4[%mul3A_2, %dma_wait3A_31] : memref<10240x128xf32, #tpu.memory_space<hbm>> -> memref<640x128xf32, #tpu.memory_space<hbm>>
      tpu.wait_dma2 semaphore(%run_scoped3A : memref<!tpu.dma_semaphore, #tpu.memory_space<semaphore_mem>>) src(%dma_wait3A_32 : memref<640x128xf32, #tpu.memory_space<hbm>>) dst(%dma_wait3A_30 : memref<640x128xf32, #tpu.memory_space<vmem_shared>>)
      tpu.yield
    }) : () -> ()
    "tpu.region"() ({
      %run_scoped3A = tpu.sem_alloc : memref<!tpu.dma_semaphore, #tpu.memory_space<semaphore_mem>>
      %dma_start3A_26 = arith.constant 0 : i32
      %dma_start3A_27 = arith.constant 0 : i32
      %dma_start3A_28 = tpu.memref_slice %arg2[%add3A, %dma_start3A_26, %dma_start3A_27] : memref<32x20x128xi32, #tpu.memory_space<hbm>> -> memref<1x20x128xi32, #tpu.memory_space<hbm>>
      %dma_start3A_29 = tpu.memref_squeeze %dma_start3A_28 : memref<1x20x128xi32, #tpu.memory_space<hbm>> -> memref<20x128xi32, #tpu.memory_space<hbm>>
      %dma_start3A_30 = arith.constant 0 : i32
      %dma_start3A_31 = arith.constant 0 : i32
      %dma_start3A_32 = tpu.memref_slice %arg2[%add3A, %dma_start3A_30, %dma_start3A_31] : memref<32x20x128xi32, #tpu.memory_space<hbm>> -> memref<1x20x128xi32, #tpu.memory_space<hbm>>
      %dma_start3A_33 = tpu.memref_squeeze %dma_start3A_32 : memref<1x20x128xi32, #tpu.memory_space<hbm>> -> memref<20x128xi32, #tpu.memory_space<hbm>>
      tpu.enqueue_dma source(%dma_start3A_33 : memref<20x128xi32, #tpu.memory_space<hbm>>) target(%arg6 : memref<20x128xi32, #tpu.memory_space<vmem>>) target_semaphore(%run_scoped3A : memref<!tpu.dma_semaphore, #tpu.memory_space<semaphore_mem>>)
      %dma_wait3A = arith.constant 0 : i32
      %dma_wait3A_34 = arith.constant 0 : i32
      %dma_wait3A_35 = tpu.memref_slice %arg2[%add3A, %dma_wait3A, %dma_wait3A_34] : memref<32x20x128xi32, #tpu.memory_space<hbm>> -> memref<1x20x128xi32, #tpu.memory_space<hbm>>
      %dma_wait3A_36 = tpu.memref_squeeze %dma_wait3A_35 : memref<1x20x128xi32, #tpu.memory_space<hbm>> -> memref<20x128xi32, #tpu.memory_space<hbm>>
      %dma_wait3A_37 = arith.constant 0 : i32
      %dma_wait3A_38 = arith.constant 0 : i32
      %dma_wait3A_39 = tpu.memref_slice %arg2[%add3A, %dma_wait3A_37, %dma_wait3A_38] : memref<32x20x128xi32, #tpu.memory_space<hbm>> -> memref<1x20x128xi32, #tpu.memory_space<hbm>>
      %dma_wait3A_40 = tpu.memref_squeeze %dma_wait3A_39 : memref<1x20x128xi32, #tpu.memory_space<hbm>> -> memref<20x128xi32, #tpu.memory_space<hbm>>
      tpu.wait_dma2 semaphore(%run_scoped3A : memref<!tpu.dma_semaphore, #tpu.memory_space<semaphore_mem>>) src(%dma_wait3A_40 : memref<20x128xi32, #tpu.memory_space<hbm>>) dst(%arg6 : memref<20x128xi32, #tpu.memory_space<vmem>>)
      tpu.yield
    }) : () -> ()
    %barrier3A = arith.constant 0 : index
    tpu.barrier barrier_id(%barrier3A)
    %mul3A_5 = arith.constant 2560 : i32
    %mul3A_6 = arith.muli %add3A, %mul3A_5 : i32
    %dma_start3A = arith.constant 0 : i32
    %dma_start3A_7 = tpu.memref_slice %arg3[%mul3A_6, %dma_start3A] : memref<81920x128xf32, #tpu.memory_space<hbm>> -> memref<128x128xf32, #tpu.memory_space<hbm>>
    %dma_start3A_8 = arith.constant 0 : i32
    %dma_start3A_9 = tpu.memref_slice %arg3[%mul3A_6, %dma_start3A_8] : memref<81920x128xf32, #tpu.memory_space<hbm>> -> memref<128x128xf32, #tpu.memory_space<hbm>>
    tpu.enqueue_dma source(%dma_start3A_9 : memref<128x128xf32, #tpu.memory_space<hbm>>) target(%arg7 : memref<128x128xf32, #tpu.memory_space<vmem>>) target_semaphore(%arg10 : memref<!tpu.dma_semaphore, #tpu.memory_space<semaphore_mem>>)
    %add3A_10 = arith.constant 128 : i32
    %add3A_11 = arith.addi %mul3A_6, %add3A_10 : i32
    %dma_start3A_12 = arith.constant 0 : i32
    %dma_start3A_13 = tpu.memref_slice %arg3[%add3A_11, %dma_start3A_12] : memref<81920x128xf32, #tpu.memory_space<hbm>> -> memref<128x128xf32, #tpu.memory_space<hbm>>
    %dma_start3A_14 = arith.constant 0 : i32
    %dma_start3A_15 = tpu.memref_slice %arg3[%add3A_11, %dma_start3A_14] : memref<81920x128xf32, #tpu.memory_space<hbm>> -> memref<128x128xf32, #tpu.memory_space<hbm>>
    tpu.enqueue_dma source(%dma_start3A_15 : memref<128x128xf32, #tpu.memory_space<hbm>>) target(%arg8 : memref<128x128xf32, #tpu.memory_space<vmem>>) target_semaphore(%arg11 : memref<!tpu.dma_semaphore, #tpu.memory_space<semaphore_mem>>)
    %scan3A = arith.constant 0 : i32
    %scan3A_16 = arith.constant 0 : i32
    %scan3A_17 = arith.constant 10 : i32
    %scan3A_18 = arith.addi %scan3A_16, %scan3A_17 : i32
    %scan3A_19 = arith.constant 1 : i32
    scf.for %scan3A_26 = %scan3A_16 to %scan3A_18 step %scan3A_19  : i32 {
      %mul3A_27 = arith.constant 2 : i32
      %mul3A_28 = arith.muli %scan3A_26, %mul3A_27 : i32
      %add3A_29 = arith.constant 0 : i32
      %add3A_30 = arith.addi %mul3A_28, %add3A_29 : i32
      %dma_wait3A = arith.constant 0 : i32
      %dma_wait3A_31 = tpu.memref_slice %arg3[%mul3A_6, %dma_wait3A] : memref<81920x128xf32, #tpu.memory_space<hbm>> -> memref<128x128xf32, #tpu.memory_space<hbm>>
      %dma_wait3A_32 = arith.constant 0 : i32
      %dma_wait3A_33 = tpu.memref_slice %arg3[%mul3A_6, %dma_wait3A_32] : memref<81920x128xf32, #tpu.memory_space<hbm>> -> memref<128x128xf32, #tpu.memory_space<hbm>>
      tpu.wait_dma2 semaphore(%arg10 : memref<!tpu.dma_semaphore, #tpu.memory_space<semaphore_mem>>) src(%dma_wait3A_33 : memref<128x128xf32, #tpu.memory_space<hbm>>) dst(%arg7 : memref<128x128xf32, #tpu.memory_space<vmem>>)
      "tpu.region"() ({
        %run_scoped3A = tpu.sem_alloc : memref<!tpu.dma_semaphore, #tpu.memory_space<semaphore_mem>>
        %dma_start3A_53 = arith.constant 0 : i32
        %dma_start3A_54 = tpu.memref_slice %arg6[%add3A_30, %dma_start3A_53] : memref<20x128xi32, #tpu.memory_space<vmem>> -> memref<1x128xi32, #tpu.memory_space<vmem>>
        %dma_start3A_55 = tpu.memref_squeeze %dma_start3A_54 : memref<1x128xi32, #tpu.memory_space<vmem>> -> memref<128xi32, #tpu.memory_space<vmem>>
        %dma_start3A_56 = arith.constant 0 : i32
        %dma_start3A_57 = arith.constant 0 : i32
        %dma_start3A_58 = tpu.memref_slice %arg9[%dma_start3A_56, %dma_start3A_57] : memref<10240x128xf32, #tpu.memory_space<vmem_shared>> -> memref<10240x128xf32, #tpu.memory_space<vmem_shared>>
        tpu.enqueue_indirect_dma source(%arg7 : memref<128x128xf32, #tpu.memory_space<vmem>>) target(%dma_start3A_58 : memref<10240x128xf32, #tpu.memory_space<vmem_shared>>) offsets(%dma_start3A_55 : memref<128xi32, #tpu.memory_space<vmem>>) semaphore(%run_scoped3A : memref<!tpu.dma_semaphore, #tpu.memory_space<semaphore_mem>>) {add = true}
        %dma_wait3A_59 = arith.constant 0 : i32
        %dma_wait3A_60 = tpu.memref_slice %arg6[%add3A_30, %dma_wait3A_59] : memref<20x128xi32, #tpu.memory_space<vmem>> -> memref<1x128xi32, #tpu.memory_space<vmem>>
        %dma_wait3A_61 = tpu.memref_squeeze %dma_wait3A_60 : memref<1x128xi32, #tpu.memory_space<vmem>> -> memref<128xi32, #tpu.memory_space<vmem>>
        %dma_wait3A_62 = arith.constant 0 : i32
        %dma_wait3A_63 = arith.constant 0 : i32
        %dma_wait3A_64 = tpu.memref_slice %arg9[%dma_wait3A_62, %dma_wait3A_63] : memref<10240x128xf32, #tpu.memory_space<vmem_shared>> -> memref<10240x128xf32, #tpu.memory_space<vmem_shared>>
        tpu.wait_indirect_dma semaphore(%run_scoped3A : memref<!tpu.dma_semaphore, #tpu.memory_space<semaphore_mem>>) src(%arg7 : memref<128x128xf32, #tpu.memory_space<vmem>>) dst(%dma_wait3A_64 : memref<10240x128xf32, #tpu.memory_space<vmem_shared>>)
        tpu.yield
      }) : () -> ()
      %add3A_34 = arith.constant 2 : i32
      %add3A_35 = arith.addi %add3A_30, %add3A_34 : i32
      %lt3A = arith.constant 20 : i32
      %lt3A_36 = arith.cmpi slt, %add3A_35, %lt3A : i32
      %convert_element_type3A = arith.extui %lt3A_36 : i1 to i32
      %cond3A = arith.constant 0 : i32
      %cond3A_37 = arith.cmpi ne, %convert_element_type3A, %cond3A : i32
      scf.if %cond3A_37 {
        %add3A_53 = arith.constant 2 : i32
        %add3A_54 = arith.addi %add3A_30, %add3A_53 : i32
        %mul3A_55 = arith.constant 128 : i32
        %mul3A_56 = arith.muli %add3A_54, %mul3A_55 : i32
        %add3A_57 = arith.addi %mul3A_6, %mul3A_56 : i32
        %dma_start3A_58 = arith.constant 0 : i32
        %dma_start3A_59 = tpu.memref_slice %arg3[%add3A_57, %dma_start3A_58] : memref<81920x128xf32, #tpu.memory_space<hbm>> -> memref<128x128xf32, #tpu.memory_space<hbm>>
        %dma_start3A_60 = arith.constant 0 : i32
        %dma_start3A_61 = tpu.memref_slice %arg3[%add3A_57, %dma_start3A_60] : memref<81920x128xf32, #tpu.memory_space<hbm>> -> memref<128x128xf32, #tpu.memory_space<hbm>>
        tpu.enqueue_dma source(%dma_start3A_61 : memref<128x128xf32, #tpu.memory_space<hbm>>) target(%arg7 : memref<128x128xf32, #tpu.memory_space<vmem>>) target_semaphore(%arg10 : memref<!tpu.dma_semaphore, #tpu.memory_space<semaphore_mem>>)
      } else {
      }
      %mul3A_38 = arith.constant 2 : i32
      %mul3A_39 = arith.muli %scan3A_26, %mul3A_38 : i32
      %add3A_40 = arith.constant 1 : i32
      %add3A_41 = arith.addi %mul3A_39, %add3A_40 : i32
      %dma_wait3A_42 = arith.constant 0 : i32
      %dma_wait3A_43 = tpu.memref_slice %arg3[%mul3A_6, %dma_wait3A_42] : memref<81920x128xf32, #tpu.memory_space<hbm>> -> memref<128x128xf32, #tpu.memory_space<hbm>>
      %dma_wait3A_44 = arith.constant 0 : i32
      %dma_wait3A_45 = tpu.memref_slice %arg3[%mul3A_6, %dma_wait3A_44] : memref<81920x128xf32, #tpu.memory_space<hbm>> -> memref<128x128xf32, #tpu.memory_space<hbm>>
      tpu.wait_dma2 semaphore(%arg11 : memref<!tpu.dma_semaphore, #tpu.memory_space<semaphore_mem>>) src(%dma_wait3A_45 : memref<128x128xf32, #tpu.memory_space<hbm>>) dst(%arg8 : memref<128x128xf32, #tpu.memory_space<vmem>>)
      "tpu.region"() ({
        %run_scoped3A = tpu.sem_alloc : memref<!tpu.dma_semaphore, #tpu.memory_space<semaphore_mem>>
        %dma_start3A_53 = arith.constant 0 : i32
        %dma_start3A_54 = tpu.memref_slice %arg6[%add3A_41, %dma_start3A_53] : memref<20x128xi32, #tpu.memory_space<vmem>> -> memref<1x128xi32, #tpu.memory_space<vmem>>
        %dma_start3A_55 = tpu.memref_squeeze %dma_start3A_54 : memref<1x128xi32, #tpu.memory_space<vmem>> -> memref<128xi32, #tpu.memory_space<vmem>>
        %dma_start3A_56 = arith.constant 0 : i32
        %dma_start3A_57 = arith.constant 0 : i32
        %dma_start3A_58 = tpu.memref_slice %arg9[%dma_start3A_56, %dma_start3A_57] : memref<10240x128xf32, #tpu.memory_space<vmem_shared>> -> memref<10240x128xf32, #tpu.memory_space<vmem_shared>>
        tpu.enqueue_indirect_dma source(%arg8 : memref<128x128xf32, #tpu.memory_space<vmem>>) target(%dma_start3A_58 : memref<10240x128xf32, #tpu.memory_space<vmem_shared>>) offsets(%dma_start3A_55 : memref<128xi32, #tpu.memory_space<vmem>>) semaphore(%run_scoped3A : memref<!tpu.dma_semaphore, #tpu.memory_space<semaphore_mem>>) {add = true}
        %dma_wait3A_59 = arith.constant 0 : i32
        %dma_wait3A_60 = tpu.memref_slice %arg6[%add3A_41, %dma_wait3A_59] : memref<20x128xi32, #tpu.memory_space<vmem>> -> memref<1x128xi32, #tpu.memory_space<vmem>>
        %dma_wait3A_61 = tpu.memref_squeeze %dma_wait3A_60 : memref<1x128xi32, #tpu.memory_space<vmem>> -> memref<128xi32, #tpu.memory_space<vmem>>
        %dma_wait3A_62 = arith.constant 0 : i32
        %dma_wait3A_63 = arith.constant 0 : i32
        %dma_wait3A_64 = tpu.memref_slice %arg9[%dma_wait3A_62, %dma_wait3A_63] : memref<10240x128xf32, #tpu.memory_space<vmem_shared>> -> memref<10240x128xf32, #tpu.memory_space<vmem_shared>>
        tpu.wait_indirect_dma semaphore(%run_scoped3A : memref<!tpu.dma_semaphore, #tpu.memory_space<semaphore_mem>>) src(%arg8 : memref<128x128xf32, #tpu.memory_space<vmem>>) dst(%dma_wait3A_64 : memref<10240x128xf32, #tpu.memory_space<vmem_shared>>)
        tpu.yield
      }) : () -> ()
      %add3A_46 = arith.constant 2 : i32
      %add3A_47 = arith.addi %add3A_41, %add3A_46 : i32
      %lt3A_48 = arith.constant 20 : i32
      %lt3A_49 = arith.cmpi slt, %add3A_47, %lt3A_48 : i32
      %convert_element_type3A_50 = arith.extui %lt3A_49 : i1 to i32
      %cond3A_51 = arith.constant 0 : i32
      %cond3A_52 = arith.cmpi ne, %convert_element_type3A_50, %cond3A_51 : i32
      scf.if %cond3A_52 {
        %add3A_53 = arith.constant 2 : i32
        %add3A_54 = arith.addi %add3A_41, %add3A_53 : i32
        %mul3A_55 = arith.constant 128 : i32
        %mul3A_56 = arith.muli %add3A_54, %mul3A_55 : i32
        %add3A_57 = arith.addi %mul3A_6, %mul3A_56 : i32
        %dma_start3A_58 = arith.constant 0 : i32
        %dma_start3A_59 = tpu.memref_slice %arg3[%add3A_57, %dma_start3A_58] : memref<81920x128xf32, #tpu.memory_space<hbm>> -> memref<128x128xf32, #tpu.memory_space<hbm>>
        %dma_start3A_60 = arith.constant 0 : i32
        %dma_start3A_61 = tpu.memref_slice %arg3[%add3A_57, %dma_start3A_60] : memref<81920x128xf32, #tpu.memory_space<hbm>> -> memref<128x128xf32, #tpu.memory_space<hbm>>
        tpu.enqueue_dma source(%dma_start3A_61 : memref<128x128xf32, #tpu.memory_space<hbm>>) target(%arg8 : memref<128x128xf32, #tpu.memory_space<vmem>>) target_semaphore(%arg11 : memref<!tpu.dma_semaphore, #tpu.memory_space<semaphore_mem>>)
      } else {
      }
    }
    %scan3A_20 = arith.constant 10 : i32
    %barrier3A_21 = arith.constant 0 : index
    tpu.barrier barrier_id(%barrier3A_21)
    %mul3A_22 = arith.constant 640 : i32
    %mul3A_23 = arith.muli %arg1, %mul3A_22 : i32
    %mul3A_24 = arith.constant 640 : i32
    %mul3A_25 = arith.muli %arg1, %mul3A_24 : i32
    "tpu.region"() ({
      %run_scoped3A = tpu.sem_alloc : memref<!tpu.dma_semaphore, #tpu.memory_space<semaphore_mem>>
      %dma_start3A_26 = arith.constant 0 : i32
      %dma_start3A_27 = tpu.memref_slice %arg5[%arg0, %mul3A_25, %dma_start3A_26] : memref<2x10240x128xf32, #tpu.memory_space<hbm>> -> memref<1x640x128xf32, #tpu.memory_space<hbm>>
      %dma_start3A_28 = tpu.memref_squeeze %dma_start3A_27 : memref<1x640x128xf32, #tpu.memory_space<hbm>> -> memref<640x128xf32, #tpu.memory_space<hbm>>
      %dma_start3A_29 = arith.constant 0 : i32
      %dma_start3A_30 = tpu.memref_slice %arg9[%mul3A_23, %dma_start3A_29] : memref<10240x128xf32, #tpu.memory_space<vmem_shared>> -> memref<640x128xf32, #tpu.memory_space<vmem_shared>>
      tpu.enqueue_dma source(%dma_start3A_30 : memref<640x128xf32, #tpu.memory_space<vmem_shared>>) target(%dma_start3A_28 : memref<640x128xf32, #tpu.memory_space<hbm>>) target_semaphore(%run_scoped3A : memref<!tpu.dma_semaphore, #tpu.memory_space<semaphore_mem>>)
      %dma_wait3A = arith.constant 0 : i32
      %dma_wait3A_31 = tpu.memref_slice %arg5[%arg0, %mul3A_25, %dma_wait3A] : memref<2x10240x128xf32, #tpu.memory_space<hbm>> -> memref<1x640x128xf32, #tpu.memory_space<hbm>>
      %dma_wait3A_32 = tpu.memref_squeeze %dma_wait3A_31 : memref<1x640x128xf32, #tpu.memory_space<hbm>> -> memref<640x128xf32, #tpu.memory_space<hbm>>
      %dma_wait3A_33 = arith.constant 0 : i32
      %dma_wait3A_34 = tpu.memref_slice %arg9[%mul3A_23, %dma_wait3A_33] : memref<10240x128xf32, #tpu.memory_space<vmem_shared>> -> memref<640x128xf32, #tpu.memory_space<vmem_shared>>
      tpu.wait_dma2 semaphore(%run_scoped3A : memref<!tpu.dma_semaphore, #tpu.memory_space<semaphore_mem>>) src(%dma_wait3A_34 : memref<640x128xf32, #tpu.memory_space<vmem_shared>>) dst(%dma_wait3A_32 : memref<640x128xf32, #tpu.memory_space<hbm>>)
      tpu.yield
    }) : () -> ()
    return
  }
}

#map = affine_map<(d0, d1) -> (0, 0, 0)>
#map1 = affine_map<(d0, d1) -> (0, 0)>
module attributes {stable_mosaic.version = 14 : i64} {
  func.func @k(%arg0: i32, %arg1: i32, %arg2: memref<32x20x128xi32, #tpu.memory_space<hbm>>, %arg3: memref<81920x128xf32, #tpu.memory_space<hbm>>, %arg4: memref<10240x128xf32, #tpu.memory_space<hbm>>, %arg5: memref<2x10240x128xf32, #tpu.memory_space<hbm>>, %arg6: memref<20x128xi32, #tpu.memory_space<vmem>>, %arg7: memref<128x128xf32, #tpu.memory_space<vmem>>, %arg8: memref<128x128xf32, #tpu.memory_space<vmem>>, %arg9: memref<10240x128xf32, #tpu.memory_space<vmem_shared>>, %arg10: memref<!tpu.dma_semaphore, #tpu.memory_space<semaphore_mem>>, %arg11: memref<!tpu.dma_semaphore, #tpu.memory_space<semaphore_mem>>) attributes {dimension_semantics = [#tpu.dimension_semantics<core_parallel>, #tpu.dimension_semantics<subcore_parallel>], iteration_bounds = array<i64: 2, 16>, scalar_prefetch = 0 : i64, scratch_operands = 6 : i64, tpu.core_type = #tpu.core_type<sc_vector_subcore>, window_params = [{transform_indices = #map}, {transform_indices = #map1}, {transform_indices = #map1}, {transform_indices = #map}]} {
    %mul3A = arith.constant 2 : i32
    %mul3A_0 = arith.muli %arg1, %mul3A : i32
    %add3A = arith.addi %mul3A_0, %arg0 : i32
    %mul3A_1 = arith.constant 640 : i32
    %mul3A_2 = arith.muli %arg1, %mul3A_1 : i32
    %mul3A_3 = arith.constant 640 : i32
    %mul3A_4 = arith.muli %arg1, %mul3A_3 : i32
    "tpu.region"() ({
      %run_scoped3A = tpu.sem_alloc : memref<!tpu.dma_semaphore, #tpu.memory_space<semaphore_mem>>
      %dma_start3A_26 = arith.constant 0 : i32
      %dma_start3A_27 = tpu.memref_slice %arg9[%mul3A_4, %dma_start3A_26] : memref<10240x128xf32, #tpu.memory_space<vmem_shared>> -> memref<640x128xf32, #tpu.memory_space<vmem_shared>>
      %dma_start3A_28 = arith.constant 0 : i32
      %dma_start3A_29 = tpu.memref_slice %arg4[%mul3A_2, %dma_start3A_28] : memref<10240x128xf32, #tpu.memory_space<hbm>> -> memref<640x128xf32, #tpu.memory_space<hbm>>
      tpu.enqueue_dma source(%dma_start3A_29 : memref<640x128xf32, #tpu.memory_space<hbm>>) target(%dma_start3A_27 : memref<640x128xf32, #tpu.memory_space<vmem_shared>>) target_semaphore(%run_scoped3A : memref<!tpu.dma_semaphore, #tpu.memory_space<semaphore_mem>>)
      %dma_wait3A = arith.constant 0 : i32
      %dma_wait3A_30 = tpu.memref_slice %arg9[%mul3A_4, %dma_wait3A] : memref<10240x128xf32, #tpu.memory_space<vmem_shared>> -> memref<640x128xf32, #tpu.memory_space<vmem_shared>>
      %dma_wait3A_31 = arith.constant 0 : i32
      %dma_wait3A_32 = tpu.memref_slice %arg4[%mul3A_2, %dma_wait3A_31] : memref<10240x128xf32, #tpu.memory_space<hbm>> -> memref<640x128xf32, #tpu.memory_space<hbm>>
      tpu.wait_dma2 semaphore(%run_scoped3A : memref<!tpu.dma_semaphore, #tpu.memory_space<semaphore_mem>>) src(%dma_wait3A_32 : memref<640x128xf32, #tpu.memory_space<hbm>>) dst(%dma_wait3A_30 : memref<640x128xf32, #tpu.memory_space<vmem_shared>>)
      tpu.yield
    }) : () -> ()
    "tpu.region"() ({
      %run_scoped3A = tpu.sem_alloc : memref<!tpu.dma_semaphore, #tpu.memory_space<semaphore_mem>>
      %dma_start3A_26 = arith.constant 0 : i32
      %dma_start3A_27 = arith.constant 0 : i32
      %dma_start3A_28 = tpu.memref_slice %arg2[%add3A, %dma_start3A_26, %dma_start3A_27] : memref<32x20x128xi32, #tpu.memory_space<hbm>> -> memref<1x20x128xi32, #tpu.memory_space<hbm>>
      %dma_start3A_29 = tpu.memref_squeeze %dma_start3A_28 : memref<1x20x128xi32, #tpu.memory_space<hbm>> -> memref<20x128xi32, #tpu.memory_space<hbm>>
      %dma_start3A_30 = arith.constant 0 : i32
      %dma_start3A_31 = arith.constant 0 : i32
      %dma_start3A_32 = tpu.memref_slice %arg2[%add3A, %dma_start3A_30, %dma_start3A_31] : memref<32x20x128xi32, #tpu.memory_space<hbm>> -> memref<1x20x128xi32, #tpu.memory_space<hbm>>
      %dma_start3A_33 = tpu.memref_squeeze %dma_start3A_32 : memref<1x20x128xi32, #tpu.memory_space<hbm>> -> memref<20x128xi32, #tpu.memory_space<hbm>>
      tpu.enqueue_dma source(%dma_start3A_33 : memref<20x128xi32, #tpu.memory_space<hbm>>) target(%arg6 : memref<20x128xi32, #tpu.memory_space<vmem>>) target_semaphore(%run_scoped3A : memref<!tpu.dma_semaphore, #tpu.memory_space<semaphore_mem>>)
      %dma_wait3A = arith.constant 0 : i32
      %dma_wait3A_34 = arith.constant 0 : i32
      %dma_wait3A_35 = tpu.memref_slice %arg2[%add3A, %dma_wait3A, %dma_wait3A_34] : memref<32x20x128xi32, #tpu.memory_space<hbm>> -> memref<1x20x128xi32, #tpu.memory_space<hbm>>
      %dma_wait3A_36 = tpu.memref_squeeze %dma_wait3A_35 : memref<1x20x128xi32, #tpu.memory_space<hbm>> -> memref<20x128xi32, #tpu.memory_space<hbm>>
      %dma_wait3A_37 = arith.constant 0 : i32
      %dma_wait3A_38 = arith.constant 0 : i32
      %dma_wait3A_39 = tpu.memref_slice %arg2[%add3A, %dma_wait3A_37, %dma_wait3A_38] : memref<32x20x128xi32, #tpu.memory_space<hbm>> -> memref<1x20x128xi32, #tpu.memory_space<hbm>>
      %dma_wait3A_40 = tpu.memref_squeeze %dma_wait3A_39 : memref<1x20x128xi32, #tpu.memory_space<hbm>> -> memref<20x128xi32, #tpu.memory_space<hbm>>
      tpu.wait_dma2 semaphore(%run_scoped3A : memref<!tpu.dma_semaphore, #tpu.memory_space<semaphore_mem>>) src(%dma_wait3A_40 : memref<20x128xi32, #tpu.memory_space<hbm>>) dst(%arg6 : memref<20x128xi32, #tpu.memory_space<vmem>>)
      tpu.yield
    }) : () -> ()
    %barrier3A = arith.constant 0 : index
    tpu.barrier barrier_id(%barrier3A)
    %mul3A_5 = arith.constant 2560 : i32
    %mul3A_6 = arith.muli %add3A, %mul3A_5 : i32
    %dma_start3A = arith.constant 0 : i32
    %dma_start3A_7 = tpu.memref_slice %arg3[%mul3A_6, %dma_start3A] : memref<81920x128xf32, #tpu.memory_space<hbm>> -> memref<128x128xf32, #tpu.memory_space<hbm>>
    %dma_start3A_8 = arith.constant 0 : i32
    %dma_start3A_9 = tpu.memref_slice %arg3[%mul3A_6, %dma_start3A_8] : memref<81920x128xf32, #tpu.memory_space<hbm>> -> memref<128x128xf32, #tpu.memory_space<hbm>>
    tpu.enqueue_dma source(%dma_start3A_9 : memref<128x128xf32, #tpu.memory_space<hbm>>) target(%arg7 : memref<128x128xf32, #tpu.memory_space<vmem>>) target_semaphore(%arg10 : memref<!tpu.dma_semaphore, #tpu.memory_space<semaphore_mem>>)
    %add3A_10 = arith.constant 128 : i32
    %add3A_11 = arith.addi %mul3A_6, %add3A_10 : i32
    %dma_start3A_12 = arith.constant 0 : i32
    %dma_start3A_13 = tpu.memref_slice %arg3[%add3A_11, %dma_start3A_12] : memref<81920x128xf32, #tpu.memory_space<hbm>> -> memref<128x128xf32, #tpu.memory_space<hbm>>
    %dma_start3A_14 = arith.constant 0 : i32
    %dma_start3A_15 = tpu.memref_slice %arg3[%add3A_11, %dma_start3A_14] : memref<81920x128xf32, #tpu.memory_space<hbm>> -> memref<128x128xf32, #tpu.memory_space<hbm>>
    tpu.enqueue_dma source(%dma_start3A_15 : memref<128x128xf32, #tpu.memory_space<hbm>>) target(%arg8 : memref<128x128xf32, #tpu.memory_space<vmem>>) target_semaphore(%arg11 : memref<!tpu.dma_semaphore, #tpu.memory_space<semaphore_mem>>)
    %scan3A = arith.constant 0 : i32
    %scan3A_16 = arith.constant 0 : i32
    %scan3A_17 = arith.constant 10 : i32
    %scan3A_18 = arith.addi %scan3A_16, %scan3A_17 : i32
    %scan3A_19 = arith.constant 1 : i32
    scf.for %scan3A_26 = %scan3A_16 to %scan3A_18 step %scan3A_19  : i32 {
      %mul3A_27 = arith.constant 2 : i32
      %mul3A_28 = arith.muli %scan3A_26, %mul3A_27 : i32
      %add3A_29 = arith.constant 0 : i32
      %add3A_30 = arith.addi %mul3A_28, %add3A_29 : i32
      %dma_wait3A = arith.constant 0 : i32
      %dma_wait3A_31 = tpu.memref_slice %arg3[%mul3A_6, %dma_wait3A] : memref<81920x128xf32, #tpu.memory_space<hbm>> -> memref<128x128xf32, #tpu.memory_space<hbm>>
      %dma_wait3A_32 = arith.constant 0 : i32
      %dma_wait3A_33 = tpu.memref_slice %arg3[%mul3A_6, %dma_wait3A_32] : memref<81920x128xf32, #tpu.memory_space<hbm>> -> memref<128x128xf32, #tpu.memory_space<hbm>>
      tpu.wait_dma2 semaphore(%arg10 : memref<!tpu.dma_semaphore, #tpu.memory_space<semaphore_mem>>) src(%dma_wait3A_33 : memref<128x128xf32, #tpu.memory_space<hbm>>) dst(%arg7 : memref<128x128xf32, #tpu.memory_space<vmem>>)
      "tpu.region"() ({
        %run_scoped3A = tpu.sem_alloc : memref<!tpu.dma_semaphore, #tpu.memory_space<semaphore_mem>>
        %dma_start3A_53 = arith.constant 0 : i32
        %dma_start3A_54 = tpu.memref_slice %arg6[%add3A_30, %dma_start3A_53] : memref<20x128xi32, #tpu.memory_space<vmem>> -> memref<1x128xi32, #tpu.memory_space<vmem>>
        %dma_start3A_55 = tpu.memref_squeeze %dma_start3A_54 : memref<1x128xi32, #tpu.memory_space<vmem>> -> memref<128xi32, #tpu.memory_space<vmem>>
        %dma_start3A_56 = arith.constant 0 : i32
        %dma_start3A_57 = arith.constant 0 : i32
        %dma_start3A_58 = tpu.memref_slice %arg9[%dma_start3A_56, %dma_start3A_57] : memref<10240x128xf32, #tpu.memory_space<vmem_shared>> -> memref<10240x128xf32, #tpu.memory_space<vmem_shared>>
        tpu.enqueue_indirect_dma source(%arg7 : memref<128x128xf32, #tpu.memory_space<vmem>>) target(%dma_start3A_58 : memref<10240x128xf32, #tpu.memory_space<vmem_shared>>) offsets(%dma_start3A_55 : memref<128xi32, #tpu.memory_space<vmem>>) semaphore(%run_scoped3A : memref<!tpu.dma_semaphore, #tpu.memory_space<semaphore_mem>>) {add = true}
        %dma_wait3A_59 = arith.constant 0 : i32
        %dma_wait3A_60 = tpu.memref_slice %arg6[%add3A_30, %dma_wait3A_59] : memref<20x128xi32, #tpu.memory_space<vmem>> -> memref<1x128xi32, #tpu.memory_space<vmem>>
        %dma_wait3A_61 = tpu.memref_squeeze %dma_wait3A_60 : memref<1x128xi32, #tpu.memory_space<vmem>> -> memref<128xi32, #tpu.memory_space<vmem>>
        %dma_wait3A_62 = arith.constant 0 : i32
        %dma_wait3A_63 = arith.constant 0 : i32
        %dma_wait3A_64 = tpu.memref_slice %arg9[%dma_wait3A_62, %dma_wait3A_63] : memref<10240x128xf32, #tpu.memory_space<vmem_shared>> -> memref<10240x128xf32, #tpu.memory_space<vmem_shared>>
        tpu.wait_indirect_dma semaphore(%run_scoped3A : memref<!tpu.dma_semaphore, #tpu.memory_space<semaphore_mem>>) src(%arg7 : memref<128x128xf32, #tpu.memory_space<vmem>>) dst(%dma_wait3A_64 : memref<10240x128xf32, #tpu.memory_space<vmem_shared>>)
        tpu.yield
      }) : () -> ()
      %add3A_34 = arith.constant 2 : i32
      %add3A_35 = arith.addi %add3A_30, %add3A_34 : i32
      %lt3A = arith.constant 20 : i32
      %lt3A_36 = arith.cmpi slt, %add3A_35, %lt3A : i32
      %convert_element_type3A = arith.extui %lt3A_36 : i1 to i32
      %cond3A = arith.constant 0 : i32
      %cond3A_37 = arith.cmpi ne, %convert_element_type3A, %cond3A : i32
      scf.if %cond3A_37 {
        %add3A_53 = arith.constant 2 : i32
        %add3A_54 = arith.addi %add3A_30, %add3A_53 : i32
        %mul3A_55 = arith.constant 128 : i32
        %mul3A_56 = arith.muli %add3A_54, %mul3A_55 : i32
        %add3A_57 = arith.addi %mul3A_6, %mul3A_56 : i32
        %dma_start3A_58 = arith.constant 0 : i32
        %dma_start3A_59 = tpu.memref_slice %arg3[%add3A_57, %dma_start3A_58] : memref<81920x128xf32, #tpu.memory_space<hbm>> -> memref<128x128xf32, #tpu.memory_space<hbm>>
        %dma_start3A_60 = arith.constant 0 : i32
        %dma_start3A_61 = tpu.memref_slice %arg3[%add3A_57, %dma_start3A_60] : memref<81920x128xf32, #tpu.memory_space<hbm>> -> memref<128x128xf32, #tpu.memory_space<hbm>>
        tpu.enqueue_dma source(%dma_start3A_61 : memref<128x128xf32, #tpu.memory_space<hbm>>) target(%arg7 : memref<128x128xf32, #tpu.memory_space<vmem>>) target_semaphore(%arg10 : memref<!tpu.dma_semaphore, #tpu.memory_space<semaphore_mem>>)
      } else {
      }
      %mul3A_38 = arith.constant 2 : i32
      %mul3A_39 = arith.muli %scan3A_26, %mul3A_38 : i32
      %add3A_40 = arith.constant 1 : i32
      %add3A_41 = arith.addi %mul3A_39, %add3A_40 : i32
      %dma_wait3A_42 = arith.constant 0 : i32
      %dma_wait3A_43 = tpu.memref_slice %arg3[%mul3A_6, %dma_wait3A_42] : memref<81920x128xf32, #tpu.memory_space<hbm>> -> memref<128x128xf32, #tpu.memory_space<hbm>>
      %dma_wait3A_44 = arith.constant 0 : i32
      %dma_wait3A_45 = tpu.memref_slice %arg3[%mul3A_6, %dma_wait3A_44] : memref<81920x128xf32, #tpu.memory_space<hbm>> -> memref<128x128xf32, #tpu.memory_space<hbm>>
      tpu.wait_dma2 semaphore(%arg11 : memref<!tpu.dma_semaphore, #tpu.memory_space<semaphore_mem>>) src(%dma_wait3A_45 : memref<128x128xf32, #tpu.memory_space<hbm>>) dst(%arg8 : memref<128x128xf32, #tpu.memory_space<vmem>>)
      "tpu.region"() ({
        %run_scoped3A = tpu.sem_alloc : memref<!tpu.dma_semaphore, #tpu.memory_space<semaphore_mem>>
        %dma_start3A_53 = arith.constant 0 : i32
        %dma_start3A_54 = tpu.memref_slice %arg6[%add3A_41, %dma_start3A_53] : memref<20x128xi32, #tpu.memory_space<vmem>> -> memref<1x128xi32, #tpu.memory_space<vmem>>
        %dma_start3A_55 = tpu.memref_squeeze %dma_start3A_54 : memref<1x128xi32, #tpu.memory_space<vmem>> -> memref<128xi32, #tpu.memory_space<vmem>>
        %dma_start3A_56 = arith.constant 0 : i32
        %dma_start3A_57 = arith.constant 0 : i32
        %dma_start3A_58 = tpu.memref_slice %arg9[%dma_start3A_56, %dma_start3A_57] : memref<10240x128xf32, #tpu.memory_space<vmem_shared>> -> memref<10240x128xf32, #tpu.memory_space<vmem_shared>>
        tpu.enqueue_indirect_dma source(%arg8 : memref<128x128xf32, #tpu.memory_space<vmem>>) target(%dma_start3A_58 : memref<10240x128xf32, #tpu.memory_space<vmem_shared>>) offsets(%dma_start3A_55 : memref<128xi32, #tpu.memory_space<vmem>>) semaphore(%run_scoped3A : memref<!tpu.dma_semaphore, #tpu.memory_space<semaphore_mem>>) {add = true}
        %dma_wait3A_59 = arith.constant 0 : i32
        %dma_wait3A_60 = tpu.memref_slice %arg6[%add3A_41, %dma_wait3A_59] : memref<20x128xi32, #tpu.memory_space<vmem>> -> memref<1x128xi32, #tpu.memory_space<vmem>>
        %dma_wait3A_61 = tpu.memref_squeeze %dma_wait3A_60 : memref<1x128xi32, #tpu.memory_space<vmem>> -> memref<128xi32, #tpu.memory_space<vmem>>
        %dma_wait3A_62 = arith.constant 0 : i32
        %dma_wait3A_63 = arith.constant 0 : i32
        %dma_wait3A_64 = tpu.memref_slice %arg9[%dma_wait3A_62, %dma_wait3A_63] : memref<10240x128xf32, #tpu.memory_space<vmem_shared>> -> memref<10240x128xf32, #tpu.memory_space<vmem_shared>>
        tpu.wait_indirect_dma semaphore(%run_scoped3A : memref<!tpu.dma_semaphore, #tpu.memory_space<semaphore_mem>>) src(%arg8 : memref<128x128xf32, #tpu.memory_space<vmem>>) dst(%dma_wait3A_64 : memref<10240x128xf32, #tpu.memory_space<vmem_shared>>)
        tpu.yield
      }) : () -> ()
      %add3A_46 = arith.constant 2 : i32
      %add3A_47 = arith.addi %add3A_41, %add3A_46 : i32
      %lt3A_48 = arith.constant 20 : i32
      %lt3A_49 = arith.cmpi slt, %add3A_47, %lt3A_48 : i32
      %convert_element_type3A_50 = arith.extui %lt3A_49 : i1 to i32
      %cond3A_51 = arith.constant 0 : i32
      %cond3A_52 = arith.cmpi ne, %convert_element_type3A_50, %cond3A_51 : i32
      scf.if %cond3A_52 {
        %add3A_53 = arith.constant 2 : i32
        %add3A_54 = arith.addi %add3A_41, %add3A_53 : i32
        %mul3A_55 = arith.constant 128 : i32
        %mul3A_56 = arith.muli %add3A_54, %mul3A_55 : i32
        %add3A_57 = arith.addi %mul3A_6, %mul3A_56 : i32
        %dma_start3A_58 = arith.constant 0 : i32
        %dma_start3A_59 = tpu.memref_slice %arg3[%add3A_57, %dma_start3A_58] : memref<81920x128xf32, #tpu.memory_space<hbm>> -> memref<128x128xf32, #tpu.memory_space<hbm>>
        %dma_start3A_60 = arith.constant 0 : i32
        %dma_start3A_61 = tpu.memref_slice %arg3[%add3A_57, %dma_start3A_60] : memref<81920x128xf32, #tpu.memory_space<hbm>> -> memref<128x128xf32, #tpu.memory_space<hbm>>
        tpu.enqueue_dma source(%dma_start3A_61 : memref<128x128xf32, #tpu.memory_space<hbm>>) target(%arg8 : memref<128x128xf32, #tpu.memory_space<vmem>>) target_semaphore(%arg11 : memref<!tpu.dma_semaphore, #tpu.memory_space<semaphore_mem>>)
      } else {
      }
    }
    %scan3A_20 = arith.constant 10 : i32
    %barrier3A_21 = arith.constant 0 : index
    tpu.barrier barrier_id(%barrier3A_21)
    %mul3A_22 = arith.constant 640 : i32
    %mul3A_23 = arith.muli %arg1, %mul3A_22 : i32
    %mul3A_24 = arith.constant 640 : i32
    %mul3A_25 = arith.muli %arg1, %mul3A_24 : i32
    "tpu.region"() ({
      %run_scoped3A = tpu.sem_alloc : memref<!tpu.dma_semaphore, #tpu.memory_space<semaphore_mem>>
      %dma_start3A_26 = arith.constant 0 : i32
      %dma_start3A_27 = tpu.memref_slice %arg5[%arg0, %mul3A_25, %dma_start3A_26] : memref<2x10240x128xf32, #tpu.memory_space<hbm>> -> memref<1x640x128xf32, #tpu.memory_space<hbm>>
      %dma_start3A_28 = tpu.memref_squeeze %dma_start3A_27 : memref<1x640x128xf32, #tpu.memory_space<hbm>> -> memref<640x128xf32, #tpu.memory_space<hbm>>
      %dma_start3A_29 = arith.constant 0 : i32
      %dma_start3A_30 = tpu.memref_slice %arg9[%mul3A_23, %dma_start3A_29] : memref<10240x128xf32, #tpu.memory_space<vmem_shared>> -> memref<640x128xf32, #tpu.memory_space<vmem_shared>>
      tpu.enqueue_dma source(%dma_start3A_30 : memref<640x128xf32, #tpu.memory_space<vmem_shared>>) target(%dma_start3A_28 : memref<640x128xf32, #tpu.memory_space<hbm>>) target_semaphore(%run_scoped3A : memref<!tpu.dma_semaphore, #tpu.memory_space<semaphore_mem>>)
      %dma_wait3A = arith.constant 0 : i32
      %dma_wait3A_31 = tpu.memref_slice %arg5[%arg0, %mul3A_25, %dma_wait3A] : memref<2x10240x128xf32, #tpu.memory_space<hbm>> -> memref<1x640x128xf32, #tpu.memory_space<hbm>>
      %dma_wait3A_32 = tpu.memref_squeeze %dma_wait3A_31 : memref<1x640x128xf32, #tpu.memory_space<hbm>> -> memref<640x128xf32, #tpu.memory_space<hbm>>
      %dma_wait3A_33 = arith.constant 0 : i32
      %dma_wait3A_34 = tpu.memref_slice %arg9[%mul3A_23, %dma_wait3A_33] : memref<10240x128xf32, #tpu.memory_space<vmem_shared>> -> memref<640x128xf32, #tpu.memory_space<vmem_shared>>
      tpu.wait_dma2 semaphore(%run_scoped3A : memref<!tpu.dma_semaphore, #tpu.memory_space<semaphore_mem>>) src(%dma_wait3A_34 : memref<640x128xf32, #tpu.memory_space<vmem_shared>>) dst(%dma_wait3A_32 : memref<640x128xf32, #tpu.memory_space<hbm>>)
      tpu.yield
    }) : () -> ()
    return
  }
}

#map = affine_map<(d0, d1) -> (0, 0, 0)>
#map1 = affine_map<(d0, d1) -> (0, 0)>
module attributes {stable_mosaic.version = 14 : i64} {
  func.func @k(%arg0: i32, %arg1: i32, %arg2: memref<32x20x128xi32, #tpu.memory_space<hbm>>, %arg3: memref<10000x64xf32, #tpu.memory_space<hbm>>, %arg4: memref<81920x64xf32, #tpu.memory_space<hbm>>, %arg5: memref<28x128xi32, #tpu.memory_space<vmem>>, %arg6: memref<128x64xf32, #tpu.memory_space<vmem>>, %arg7: memref<128x64xf32, #tpu.memory_space<vmem>>, %arg8: memref<!tpu.dma_semaphore, #tpu.memory_space<semaphore_mem>>, %arg9: memref<!tpu.dma_semaphore, #tpu.memory_space<semaphore_mem>>) attributes {dimension_semantics = [#tpu.dimension_semantics<core_parallel>, #tpu.dimension_semantics<subcore_parallel>], iteration_bounds = array<i64: 2, 16>, scalar_prefetch = 0 : i64, scratch_operands = 5 : i64, tpu.core_type = #tpu.core_type<sc_vector_subcore>, window_params = [{transform_indices = #map}, {transform_indices = #map1}, {transform_indices = #map1}]} {
    %mul3A = arith.constant 2 : i32
    %mul3A_0 = arith.muli %arg1, %mul3A : i32
    %add3A = arith.addi %mul3A_0, %arg0 : i32
    "tpu.region"() ({
      %run_scoped3A = tpu.sem_alloc : memref<!tpu.dma_semaphore, #tpu.memory_space<semaphore_mem>>
      %dma_start3A_27 = arith.constant 0 : i32
      %dma_start3A_28 = arith.constant 0 : i32
      %dma_start3A_29 = tpu.memref_slice %arg5[%dma_start3A_27, %dma_start3A_28] : memref<28x128xi32, #tpu.memory_space<vmem>> -> memref<20x128xi32, #tpu.memory_space<vmem>>
      %dma_start3A_30 = arith.constant 0 : i32
      %dma_start3A_31 = arith.constant 0 : i32
      %dma_start3A_32 = tpu.memref_slice %arg2[%add3A, %dma_start3A_30, %dma_start3A_31] : memref<32x20x128xi32, #tpu.memory_space<hbm>> -> memref<1x20x128xi32, #tpu.memory_space<hbm>>
      %dma_start3A_33 = tpu.memref_squeeze %dma_start3A_32 : memref<1x20x128xi32, #tpu.memory_space<hbm>> -> memref<20x128xi32, #tpu.memory_space<hbm>>
      %dma_start3A_34 = arith.constant 0 : i32
      %dma_start3A_35 = arith.constant 0 : i32
      %dma_start3A_36 = tpu.memref_slice %arg5[%dma_start3A_34, %dma_start3A_35] : memref<28x128xi32, #tpu.memory_space<vmem>> -> memref<20x128xi32, #tpu.memory_space<vmem>>
      %dma_start3A_37 = arith.constant 0 : i32
      %dma_start3A_38 = arith.constant 0 : i32
      %dma_start3A_39 = tpu.memref_slice %arg2[%add3A, %dma_start3A_37, %dma_start3A_38] : memref<32x20x128xi32, #tpu.memory_space<hbm>> -> memref<1x20x128xi32, #tpu.memory_space<hbm>>
      %dma_start3A_40 = tpu.memref_squeeze %dma_start3A_39 : memref<1x20x128xi32, #tpu.memory_space<hbm>> -> memref<20x128xi32, #tpu.memory_space<hbm>>
      tpu.enqueue_dma source(%dma_start3A_40 : memref<20x128xi32, #tpu.memory_space<hbm>>) target(%dma_start3A_36 : memref<20x128xi32, #tpu.memory_space<vmem>>) target_semaphore(%run_scoped3A : memref<!tpu.dma_semaphore, #tpu.memory_space<semaphore_mem>>)
      %dma_wait3A = arith.constant 0 : i32
      %dma_wait3A_41 = arith.constant 0 : i32
      %dma_wait3A_42 = tpu.memref_slice %arg5[%dma_wait3A, %dma_wait3A_41] : memref<28x128xi32, #tpu.memory_space<vmem>> -> memref<20x128xi32, #tpu.memory_space<vmem>>
      %dma_wait3A_43 = arith.constant 0 : i32
      %dma_wait3A_44 = arith.constant 0 : i32
      %dma_wait3A_45 = tpu.memref_slice %arg2[%add3A, %dma_wait3A_43, %dma_wait3A_44] : memref<32x20x128xi32, #tpu.memory_space<hbm>> -> memref<1x20x128xi32, #tpu.memory_space<hbm>>
      %dma_wait3A_46 = tpu.memref_squeeze %dma_wait3A_45 : memref<1x20x128xi32, #tpu.memory_space<hbm>> -> memref<20x128xi32, #tpu.memory_space<hbm>>
      %dma_wait3A_47 = arith.constant 0 : i32
      %dma_wait3A_48 = arith.constant 0 : i32
      %dma_wait3A_49 = tpu.memref_slice %arg5[%dma_wait3A_47, %dma_wait3A_48] : memref<28x128xi32, #tpu.memory_space<vmem>> -> memref<20x128xi32, #tpu.memory_space<vmem>>
      %dma_wait3A_50 = arith.constant 0 : i32
      %dma_wait3A_51 = arith.constant 0 : i32
      %dma_wait3A_52 = tpu.memref_slice %arg2[%add3A, %dma_wait3A_50, %dma_wait3A_51] : memref<32x20x128xi32, #tpu.memory_space<hbm>> -> memref<1x20x128xi32, #tpu.memory_space<hbm>>
      %dma_wait3A_53 = tpu.memref_squeeze %dma_wait3A_52 : memref<1x20x128xi32, #tpu.memory_space<hbm>> -> memref<20x128xi32, #tpu.memory_space<hbm>>
      tpu.wait_dma2 semaphore(%run_scoped3A : memref<!tpu.dma_semaphore, #tpu.memory_space<semaphore_mem>>) src(%dma_wait3A_53 : memref<20x128xi32, #tpu.memory_space<hbm>>) dst(%dma_wait3A_49 : memref<20x128xi32, #tpu.memory_space<vmem>>)
      tpu.yield
    }) : () -> ()
    %eq3A = arith.constant 0 : i32
    %eq3A_1 = arith.cmpi eq, %arg0, %eq3A : i32
    %convert_element_type3A = arith.extui %eq3A_1 : i1 to i32
    %cond3A = arith.constant 0 : i32
    %cond3A_2 = arith.cmpi ne, %convert_element_type3A, %cond3A : i32
    scf.if %cond3A_2 {
      %add3A_27 = arith.constant 1 : i32
      %add3A_28 = arith.addi %add3A, %add3A_27 : i32
      "tpu.region"() ({
        %run_scoped3A = tpu.sem_alloc : memref<!tpu.dma_semaphore, #tpu.memory_space<semaphore_mem>>
        %dma_start3A_29 = arith.constant 20 : i32
        %dma_start3A_30 = arith.constant 0 : i32
        %dma_start3A_31 = tpu.memref_slice %arg5[%dma_start3A_29, %dma_start3A_30] : memref<28x128xi32, #tpu.memory_space<vmem>> -> memref<8x128xi32, #tpu.memory_space<vmem>>
        %dma_start3A_32 = arith.constant 12 : i32
        %dma_start3A_33 = arith.constant 0 : i32
        %dma_start3A_34 = tpu.memref_slice %arg2[%add3A_28, %dma_start3A_32, %dma_start3A_33] : memref<32x20x128xi32, #tpu.memory_space<hbm>> -> memref<1x8x128xi32, #tpu.memory_space<hbm>>
        %dma_start3A_35 = tpu.memref_squeeze %dma_start3A_34 : memref<1x8x128xi32, #tpu.memory_space<hbm>> -> memref<8x128xi32, #tpu.memory_space<hbm>>
        %dma_start3A_36 = arith.constant 20 : i32
        %dma_start3A_37 = arith.constant 0 : i32
        %dma_start3A_38 = tpu.memref_slice %arg5[%dma_start3A_36, %dma_start3A_37] : memref<28x128xi32, #tpu.memory_space<vmem>> -> memref<8x128xi32, #tpu.memory_space<vmem>>
        %dma_start3A_39 = arith.constant 12 : i32
        %dma_start3A_40 = arith.constant 0 : i32
        %dma_start3A_41 = tpu.memref_slice %arg2[%add3A_28, %dma_start3A_39, %dma_start3A_40] : memref<32x20x128xi32, #tpu.memory_space<hbm>> -> memref<1x8x128xi32, #tpu.memory_space<hbm>>
        %dma_start3A_42 = tpu.memref_squeeze %dma_start3A_41 : memref<1x8x128xi32, #tpu.memory_space<hbm>> -> memref<8x128xi32, #tpu.memory_space<hbm>>
        tpu.enqueue_dma source(%dma_start3A_42 : memref<8x128xi32, #tpu.memory_space<hbm>>) target(%dma_start3A_38 : memref<8x128xi32, #tpu.memory_space<vmem>>) target_semaphore(%run_scoped3A : memref<!tpu.dma_semaphore, #tpu.memory_space<semaphore_mem>>)
        %dma_wait3A = arith.constant 20 : i32
        %dma_wait3A_43 = arith.constant 0 : i32
        %dma_wait3A_44 = tpu.memref_slice %arg5[%dma_wait3A, %dma_wait3A_43] : memref<28x128xi32, #tpu.memory_space<vmem>> -> memref<8x128xi32, #tpu.memory_space<vmem>>
        %dma_wait3A_45 = arith.constant 12 : i32
        %dma_wait3A_46 = arith.constant 0 : i32
        %dma_wait3A_47 = tpu.memref_slice %arg2[%add3A_28, %dma_wait3A_45, %dma_wait3A_46] : memref<32x20x128xi32, #tpu.memory_space<hbm>> -> memref<1x8x128xi32, #tpu.memory_space<hbm>>
        %dma_wait3A_48 = tpu.memref_squeeze %dma_wait3A_47 : memref<1x8x128xi32, #tpu.memory_space<hbm>> -> memref<8x128xi32, #tpu.memory_space<hbm>>
        %dma_wait3A_49 = arith.constant 20 : i32
        %dma_wait3A_50 = arith.constant 0 : i32
        %dma_wait3A_51 = tpu.memref_slice %arg5[%dma_wait3A_49, %dma_wait3A_50] : memref<28x128xi32, #tpu.memory_space<vmem>> -> memref<8x128xi32, #tpu.memory_space<vmem>>
        %dma_wait3A_52 = arith.constant 12 : i32
        %dma_wait3A_53 = arith.constant 0 : i32
        %dma_wait3A_54 = tpu.memref_slice %arg2[%add3A_28, %dma_wait3A_52, %dma_wait3A_53] : memref<32x20x128xi32, #tpu.memory_space<hbm>> -> memref<1x8x128xi32, #tpu.memory_space<hbm>>
        %dma_wait3A_55 = tpu.memref_squeeze %dma_wait3A_54 : memref<1x8x128xi32, #tpu.memory_space<hbm>> -> memref<8x128xi32, #tpu.memory_space<hbm>>
        tpu.wait_dma2 semaphore(%run_scoped3A : memref<!tpu.dma_semaphore, #tpu.memory_space<semaphore_mem>>) src(%dma_wait3A_55 : memref<8x128xi32, #tpu.memory_space<hbm>>) dst(%dma_wait3A_51 : memref<8x128xi32, #tpu.memory_space<vmem>>)
        tpu.yield
      }) : () -> ()
    } else {
    }
    %mul3A_3 = arith.constant 2560 : i32
    %mul3A_4 = arith.muli %add3A, %mul3A_3 : i32
    %dma_start3A = arith.constant 0 : i32
    %dma_start3A_5 = arith.constant 0 : i32
    %dma_start3A_6 = tpu.memref_slice %arg5[%dma_start3A, %dma_start3A_5] : memref<28x128xi32, #tpu.memory_space<vmem>> -> memref<1x128xi32, #tpu.memory_space<vmem>>
    %dma_start3A_7 = tpu.memref_squeeze %dma_start3A_6 : memref<1x128xi32, #tpu.memory_space<vmem>> -> memref<128xi32, #tpu.memory_space<vmem>>
    %dma_start3A_8 = arith.constant 0 : i32
    %dma_start3A_9 = arith.constant 0 : i32
    %dma_start3A_10 = tpu.memref_slice %arg3[%dma_start3A_8, %dma_start3A_9] : memref<10000x64xf32, #tpu.memory_space<hbm>> -> memref<10000x64xf32, #tpu.memory_space<hbm>>
    tpu.enqueue_indirect_dma source(%dma_start3A_10 : memref<10000x64xf32, #tpu.memory_space<hbm>>) target(%arg6 : memref<128x64xf32, #tpu.memory_space<vmem>>) offsets(%dma_start3A_7 : memref<128xi32, #tpu.memory_space<vmem>>) semaphore(%arg8 : memref<!tpu.dma_semaphore, #tpu.memory_space<semaphore_mem>>)
    %dma_start3A_11 = arith.constant 1 : i32
    %dma_start3A_12 = arith.constant 0 : i32
    %dma_start3A_13 = tpu.memref_slice %arg5[%dma_start3A_11, %dma_start3A_12] : memref<28x128xi32, #tpu.memory_space<vmem>> -> memref<1x128xi32, #tpu.memory_space<vmem>>
    %dma_start3A_14 = tpu.memref_squeeze %dma_start3A_13 : memref<1x128xi32, #tpu.memory_space<vmem>> -> memref<128xi32, #tpu.memory_space<vmem>>
    %dma_start3A_15 = arith.constant 0 : i32
    %dma_start3A_16 = arith.constant 0 : i32
    %dma_start3A_17 = tpu.memref_slice %arg3[%dma_start3A_15, %dma_start3A_16] : memref<10000x64xf32, #tpu.memory_space<hbm>> -> memref<10000x64xf32, #tpu.memory_space<hbm>>
    tpu.enqueue_indirect_dma source(%dma_start3A_17 : memref<10000x64xf32, #tpu.memory_space<hbm>>) target(%arg7 : memref<128x64xf32, #tpu.memory_space<vmem>>) offsets(%dma_start3A_14 : memref<128xi32, #tpu.memory_space<vmem>>) semaphore(%arg9 : memref<!tpu.dma_semaphore, #tpu.memory_space<semaphore_mem>>)
    %eq3A_18 = arith.constant 0 : i32
    %eq3A_19 = arith.cmpi eq, %arg0, %eq3A_18 : i32
    %convert_element_type3A_20 = arith.extui %eq3A_19 : i1 to i32
    %cond3A_21 = arith.constant 0 : i32
    %cond3A_22 = arith.cmpi ne, %convert_element_type3A_20, %cond3A_21 : i32
    scf.if %cond3A_22 {
      %scan3A = arith.constant 0 : i32
      %scan3A_27 = arith.constant 0 : i32
      %scan3A_28 = arith.constant 14 : i32
      %scan3A_29 = arith.addi %scan3A_27, %scan3A_28 : i32
      %scan3A_30 = arith.constant 1 : i32
      scf.for %scan3A_32 = %scan3A_27 to %scan3A_29 step %scan3A_30  : i32 {
        %mul3A_33 = arith.constant 2 : i32
        %mul3A_34 = arith.muli %scan3A_32, %mul3A_33 : i32
        %add3A_35 = arith.constant 0 : i32
        %add3A_36 = arith.addi %mul3A_34, %add3A_35 : i32
        %lt3A = arith.constant 20 : i32
        %lt3A_37 = arith.cmpi slt, %add3A_36, %lt3A : i32
        %mul3A_38 = arith.constant 128 : i32
        %mul3A_39 = arith.muli %add3A_36, %mul3A_38 : i32
        %add3A_40 = arith.addi %mul3A_4, %mul3A_39 : i32
        %add3A_41 = arith.constant 1 : i32
        %add3A_42 = arith.addi %add3A, %add3A_41 : i32
        %mul3A_43 = arith.constant 2560 : i32
        %mul3A_44 = arith.muli %add3A_42, %mul3A_43 : i32
        %sub3A = arith.constant 8 : i32
        %sub3A_45 = arith.subi %add3A_36, %sub3A : i32
        %mul3A_46 = arith.constant 128 : i32
        %mul3A_47 = arith.muli %sub3A_45, %mul3A_46 : i32
        %add3A_48 = arith.addi %mul3A_44, %mul3A_47 : i32
        %select_n3A = arith.select %lt3A_37, %add3A_40, %add3A_48 : i32
        %dma_wait3A = arith.constant 0 : i32
        %dma_wait3A_49 = arith.constant 0 : i32
        %dma_wait3A_50 = tpu.memref_slice %arg5[%dma_wait3A, %dma_wait3A_49] : memref<28x128xi32, #tpu.memory_space<vmem>> -> memref<1x128xi32, #tpu.memory_space<vmem>>
        %dma_wait3A_51 = tpu.memref_squeeze %dma_wait3A_50 : memref<1x128xi32, #tpu.memory_space<vmem>> -> memref<128xi32, #tpu.memory_space<vmem>>
        %dma_wait3A_52 = arith.constant 0 : i32
        %dma_wait3A_53 = arith.constant 0 : i32
        %dma_wait3A_54 = tpu.memref_slice %arg3[%dma_wait3A_52, %dma_wait3A_53] : memref<10000x64xf32, #tpu.memory_space<hbm>> -> memref<10000x64xf32, #tpu.memory_space<hbm>>
        tpu.wait_indirect_dma semaphore(%arg8 : memref<!tpu.dma_semaphore, #tpu.memory_space<semaphore_mem>>) src(%dma_wait3A_54 : memref<10000x64xf32, #tpu.memory_space<hbm>>) dst(%arg6 : memref<128x64xf32, #tpu.memory_space<vmem>>)
        "tpu.region"() ({
          %run_scoped3A = tpu.sem_alloc : memref<!tpu.dma_semaphore, #tpu.memory_space<semaphore_mem>>
          %dma_start3A_95 = arith.constant 0 : i32
          %dma_start3A_96 = tpu.memref_slice %arg4[%select_n3A, %dma_start3A_95] : memref<81920x64xf32, #tpu.memory_space<hbm>> -> memref<128x64xf32, #tpu.memory_space<hbm>>
          %dma_start3A_97 = arith.constant 0 : i32
          %dma_start3A_98 = tpu.memref_slice %arg4[%select_n3A, %dma_start3A_97] : memref<81920x64xf32, #tpu.memory_space<hbm>> -> memref<128x64xf32, #tpu.memory_space<hbm>>
          tpu.enqueue_dma source(%arg6 : memref<128x64xf32, #tpu.memory_space<vmem>>) target(%dma_start3A_98 : memref<128x64xf32, #tpu.memory_space<hbm>>) target_semaphore(%run_scoped3A : memref<!tpu.dma_semaphore, #tpu.memory_space<semaphore_mem>>)
          %dma_wait3A_99 = arith.constant 0 : i32
          %dma_wait3A_100 = tpu.memref_slice %arg4[%select_n3A, %dma_wait3A_99] : memref<81920x64xf32, #tpu.memory_space<hbm>> -> memref<128x64xf32, #tpu.memory_space<hbm>>
          %dma_wait3A_101 = arith.constant 0 : i32
          %dma_wait3A_102 = tpu.memref_slice %arg4[%select_n3A, %dma_wait3A_101] : memref<81920x64xf32, #tpu.memory_space<hbm>> -> memref<128x64xf32, #tpu.memory_space<hbm>>
          tpu.wait_dma2 semaphore(%run_scoped3A : memref<!tpu.dma_semaphore, #tpu.memory_space<semaphore_mem>>) src(%arg6 : memref<128x64xf32, #tpu.memory_space<vmem>>) dst(%dma_wait3A_102 : memref<128x64xf32, #tpu.memory_space<hbm>>)
          tpu.yield
        }) : () -> ()
        %add3A_55 = arith.constant 2 : i32
        %add3A_56 = arith.addi %add3A_36, %add3A_55 : i32
        %lt3A_57 = arith.constant 28 : i32
        %lt3A_58 = arith.cmpi slt, %add3A_56, %lt3A_57 : i32
        %convert_element_type3A_59 = arith.extui %lt3A_58 : i1 to i32
        %cond3A_60 = arith.constant 0 : i32
        %cond3A_61 = arith.cmpi ne, %convert_element_type3A_59, %cond3A_60 : i32
        scf.if %cond3A_61 {
          %add3A_95 = arith.constant 2 : i32
          %add3A_96 = arith.addi %add3A_36, %add3A_95 : i32
          %dma_start3A_97 = arith.constant 0 : i32
          %dma_start3A_98 = tpu.memref_slice %arg5[%add3A_96, %dma_start3A_97] : memref<28x128xi32, #tpu.memory_space<vmem>> -> memref<1x128xi32, #tpu.memory_space<vmem>>
          %dma_start3A_99 = tpu.memref_squeeze %dma_start3A_98 : memref<1x128xi32, #tpu.memory_space<vmem>> -> memref<128xi32, #tpu.memory_space<vmem>>
          %dma_start3A_100 = arith.constant 0 : i32
          %dma_start3A_101 = arith.constant 0 : i32
          %dma_start3A_102 = tpu.memref_slice %arg3[%dma_start3A_100, %dma_start3A_101] : memref<10000x64xf32, #tpu.memory_space<hbm>> -> memref<10000x64xf32, #tpu.memory_space<hbm>>
          tpu.enqueue_indirect_dma source(%dma_start3A_102 : memref<10000x64xf32, #tpu.memory_space<hbm>>) target(%arg6 : memref<128x64xf32, #tpu.memory_space<vmem>>) offsets(%dma_start3A_99 : memref<128xi32, #tpu.memory_space<vmem>>) semaphore(%arg8 : memref<!tpu.dma_semaphore, #tpu.memory_space<semaphore_mem>>)
        } else {
        }
        %mul3A_62 = arith.constant 2 : i32
        %mul3A_63 = arith.muli %scan3A_32, %mul3A_62 : i32
        %add3A_64 = arith.constant 1 : i32
        %add3A_65 = arith.addi %mul3A_63, %add3A_64 : i32
        %lt3A_66 = arith.constant 20 : i32
        %lt3A_67 = arith.cmpi slt, %add3A_65, %lt3A_66 : i32
        %mul3A_68 = arith.constant 128 : i32
        %mul3A_69 = arith.muli %add3A_65, %mul3A_68 : i32
        %add3A_70 = arith.addi %mul3A_4, %mul3A_69 : i32
        %add3A_71 = arith.constant 1 : i32
        %add3A_72 = arith.addi %add3A, %add3A_71 : i32
        %mul3A_73 = arith.constant 2560 : i32
        %mul3A_74 = arith.muli %add3A_72, %mul3A_73 : i32
        %sub3A_75 = arith.constant 8 : i32
        %sub3A_76 = arith.subi %add3A_65, %sub3A_75 : i32
        %mul3A_77 = arith.constant 128 : i32
        %mul3A_78 = arith.muli %sub3A_76, %mul3A_77 : i32
        %add3A_79 = arith.addi %mul3A_74, %mul3A_78 : i32
        %select_n3A_80 = arith.select %lt3A_67, %add3A_70, %add3A_79 : i32
        %dma_wait3A_81 = arith.constant 0 : i32
        %dma_wait3A_82 = arith.constant 0 : i32
        %dma_wait3A_83 = tpu.memref_slice %arg5[%dma_wait3A_81, %dma_wait3A_82] : memref<28x128xi32, #tpu.memory_space<vmem>> -> memref<1x128xi32, #tpu.memory_space<vmem>>
        %dma_wait3A_84 = tpu.memref_squeeze %dma_wait3A_83 : memref<1x128xi32, #tpu.memory_space<vmem>> -> memref<128xi32, #tpu.memory_space<vmem>>
        %dma_wait3A_85 = arith.constant 0 : i32
        %dma_wait3A_86 = arith.constant 0 : i32
        %dma_wait3A_87 = tpu.memref_slice %arg3[%dma_wait3A_85, %dma_wait3A_86] : memref<10000x64xf32, #tpu.memory_space<hbm>> -> memref<10000x64xf32, #tpu.memory_space<hbm>>
        tpu.wait_indirect_dma semaphore(%arg9 : memref<!tpu.dma_semaphore, #tpu.memory_space<semaphore_mem>>) src(%dma_wait3A_87 : memref<10000x64xf32, #tpu.memory_space<hbm>>) dst(%arg7 : memref<128x64xf32, #tpu.memory_space<vmem>>)
        "tpu.region"() ({
          %run_scoped3A = tpu.sem_alloc : memref<!tpu.dma_semaphore, #tpu.memory_space<semaphore_mem>>
          %dma_start3A_95 = arith.constant 0 : i32
          %dma_start3A_96 = tpu.memref_slice %arg4[%select_n3A_80, %dma_start3A_95] : memref<81920x64xf32, #tpu.memory_space<hbm>> -> memref<128x64xf32, #tpu.memory_space<hbm>>
          %dma_start3A_97 = arith.constant 0 : i32
          %dma_start3A_98 = tpu.memref_slice %arg4[%select_n3A_80, %dma_start3A_97] : memref<81920x64xf32, #tpu.memory_space<hbm>> -> memref<128x64xf32, #tpu.memory_space<hbm>>
          tpu.enqueue_dma source(%arg7 : memref<128x64xf32, #tpu.memory_space<vmem>>) target(%dma_start3A_98 : memref<128x64xf32, #tpu.memory_space<hbm>>) target_semaphore(%run_scoped3A : memref<!tpu.dma_semaphore, #tpu.memory_space<semaphore_mem>>)
          %dma_wait3A_99 = arith.constant 0 : i32
          %dma_wait3A_100 = tpu.memref_slice %arg4[%select_n3A_80, %dma_wait3A_99] : memref<81920x64xf32, #tpu.memory_space<hbm>> -> memref<128x64xf32, #tpu.memory_space<hbm>>
          %dma_wait3A_101 = arith.constant 0 : i32
          %dma_wait3A_102 = tpu.memref_slice %arg4[%select_n3A_80, %dma_wait3A_101] : memref<81920x64xf32, #tpu.memory_space<hbm>> -> memref<128x64xf32, #tpu.memory_space<hbm>>
          tpu.wait_dma2 semaphore(%run_scoped3A : memref<!tpu.dma_semaphore, #tpu.memory_space<semaphore_mem>>) src(%arg7 : memref<128x64xf32, #tpu.memory_space<vmem>>) dst(%dma_wait3A_102 : memref<128x64xf32, #tpu.memory_space<hbm>>)
          tpu.yield
        }) : () -> ()
        %add3A_88 = arith.constant 2 : i32
        %add3A_89 = arith.addi %add3A_65, %add3A_88 : i32
        %lt3A_90 = arith.constant 28 : i32
        %lt3A_91 = arith.cmpi slt, %add3A_89, %lt3A_90 : i32
        %convert_element_type3A_92 = arith.extui %lt3A_91 : i1 to i32
        %cond3A_93 = arith.constant 0 : i32
        %cond3A_94 = arith.cmpi ne, %convert_element_type3A_92, %cond3A_93 : i32
        scf.if %cond3A_94 {
          %add3A_95 = arith.constant 2 : i32
          %add3A_96 = arith.addi %add3A_65, %add3A_95 : i32
          %dma_start3A_97 = arith.constant 0 : i32
          %dma_start3A_98 = tpu.memref_slice %arg5[%add3A_96, %dma_start3A_97] : memref<28x128xi32, #tpu.memory_space<vmem>> -> memref<1x128xi32, #tpu.memory_space<vmem>>
          %dma_start3A_99 = tpu.memref_squeeze %dma_start3A_98 : memref<1x128xi32, #tpu.memory_space<vmem>> -> memref<128xi32, #tpu.memory_space<vmem>>
          %dma_start3A_100 = arith.constant 0 : i32
          %dma_start3A_101 = arith.constant 0 : i32
          %dma_start3A_102 = tpu.memref_slice %arg3[%dma_start3A_100, %dma_start3A_101] : memref<10000x64xf32, #tpu.memory_space<hbm>> -> memref<10000x64xf32, #tpu.memory_space<hbm>>
          tpu.enqueue_indirect_dma source(%dma_start3A_102 : memref<10000x64xf32, #tpu.memory_space<hbm>>) target(%arg7 : memref<128x64xf32, #tpu.memory_space<vmem>>) offsets(%dma_start3A_99 : memref<128xi32, #tpu.memory_space<vmem>>) semaphore(%arg9 : memref<!tpu.dma_semaphore, #tpu.memory_space<semaphore_mem>>)
        } else {
        }
      }
      %scan3A_31 = arith.constant 14 : i32
    } else {
    }
    %ne3A = arith.constant 0 : i32
    %ne3A_23 = arith.cmpi ne, %arg0, %ne3A : i32
    %convert_element_type3A_24 = arith.extui %ne3A_23 : i1 to i32
    %cond3A_25 = arith.constant 0 : i32
    %cond3A_26 = arith.cmpi ne, %convert_element_type3A_24, %cond3A_25 : i32
    scf.if %cond3A_26 {
      %scan3A = arith.constant 0 : i32
      %scan3A_27 = arith.constant 0 : i32
      %scan3A_28 = arith.constant 6 : i32
      %scan3A_29 = arith.addi %scan3A_27, %scan3A_28 : i32
      %scan3A_30 = arith.constant 1 : i32
      scf.for %scan3A_32 = %scan3A_27 to %scan3A_29 step %scan3A_30  : i32 {
        %mul3A_33 = arith.constant 2 : i32
        %mul3A_34 = arith.muli %scan3A_32, %mul3A_33 : i32
        %add3A_35 = arith.constant 0 : i32
        %add3A_36 = arith.addi %mul3A_34, %add3A_35 : i32
        %lt3A = arith.constant 20 : i32
        %lt3A_37 = arith.cmpi slt, %add3A_36, %lt3A : i32
        %mul3A_38 = arith.constant 128 : i32
        %mul3A_39 = arith.muli %add3A_36, %mul3A_38 : i32
        %add3A_40 = arith.addi %mul3A_4, %mul3A_39 : i32
        %add3A_41 = arith.constant 1 : i32
        %add3A_42 = arith.addi %add3A, %add3A_41 : i32
        %mul3A_43 = arith.constant 2560 : i32
        %mul3A_44 = arith.muli %add3A_42, %mul3A_43 : i32
        %sub3A = arith.constant 8 : i32
        %sub3A_45 = arith.subi %add3A_36, %sub3A : i32
        %mul3A_46 = arith.constant 128 : i32
        %mul3A_47 = arith.muli %sub3A_45, %mul3A_46 : i32
        %add3A_48 = arith.addi %mul3A_44, %mul3A_47 : i32
        %select_n3A = arith.select %lt3A_37, %add3A_40, %add3A_48 : i32
        %dma_wait3A = arith.constant 0 : i32
        %dma_wait3A_49 = arith.constant 0 : i32
        %dma_wait3A_50 = tpu.memref_slice %arg5[%dma_wait3A, %dma_wait3A_49] : memref<28x128xi32, #tpu.memory_space<vmem>> -> memref<1x128xi32, #tpu.memory_space<vmem>>
        %dma_wait3A_51 = tpu.memref_squeeze %dma_wait3A_50 : memref<1x128xi32, #tpu.memory_space<vmem>> -> memref<128xi32, #tpu.memory_space<vmem>>
        %dma_wait3A_52 = arith.constant 0 : i32
        %dma_wait3A_53 = arith.constant 0 : i32
        %dma_wait3A_54 = tpu.memref_slice %arg3[%dma_wait3A_52, %dma_wait3A_53] : memref<10000x64xf32, #tpu.memory_space<hbm>> -> memref<10000x64xf32, #tpu.memory_space<hbm>>
        tpu.wait_indirect_dma semaphore(%arg8 : memref<!tpu.dma_semaphore, #tpu.memory_space<semaphore_mem>>) src(%dma_wait3A_54 : memref<10000x64xf32, #tpu.memory_space<hbm>>) dst(%arg6 : memref<128x64xf32, #tpu.memory_space<vmem>>)
        "tpu.region"() ({
          %run_scoped3A = tpu.sem_alloc : memref<!tpu.dma_semaphore, #tpu.memory_space<semaphore_mem>>
          %dma_start3A_95 = arith.constant 0 : i32
          %dma_start3A_96 = tpu.memref_slice %arg4[%select_n3A, %dma_start3A_95] : memref<81920x64xf32, #tpu.memory_space<hbm>> -> memref<128x64xf32, #tpu.memory_space<hbm>>
          %dma_start3A_97 = arith.constant 0 : i32
          %dma_start3A_98 = tpu.memref_slice %arg4[%select_n3A, %dma_start3A_97] : memref<81920x64xf32, #tpu.memory_space<hbm>> -> memref<128x64xf32, #tpu.memory_space<hbm>>
          tpu.enqueue_dma source(%arg6 : memref<128x64xf32, #tpu.memory_space<vmem>>) target(%dma_start3A_98 : memref<128x64xf32, #tpu.memory_space<hbm>>) target_semaphore(%run_scoped3A : memref<!tpu.dma_semaphore, #tpu.memory_space<semaphore_mem>>)
          %dma_wait3A_99 = arith.constant 0 : i32
          %dma_wait3A_100 = tpu.memref_slice %arg4[%select_n3A, %dma_wait3A_99] : memref<81920x64xf32, #tpu.memory_space<hbm>> -> memref<128x64xf32, #tpu.memory_space<hbm>>
          %dma_wait3A_101 = arith.constant 0 : i32
          %dma_wait3A_102 = tpu.memref_slice %arg4[%select_n3A, %dma_wait3A_101] : memref<81920x64xf32, #tpu.memory_space<hbm>> -> memref<128x64xf32, #tpu.memory_space<hbm>>
          tpu.wait_dma2 semaphore(%run_scoped3A : memref<!tpu.dma_semaphore, #tpu.memory_space<semaphore_mem>>) src(%arg6 : memref<128x64xf32, #tpu.memory_space<vmem>>) dst(%dma_wait3A_102 : memref<128x64xf32, #tpu.memory_space<hbm>>)
          tpu.yield
        }) : () -> ()
        %add3A_55 = arith.constant 2 : i32
        %add3A_56 = arith.addi %add3A_36, %add3A_55 : i32
        %lt3A_57 = arith.constant 12 : i32
        %lt3A_58 = arith.cmpi slt, %add3A_56, %lt3A_57 : i32
        %convert_element_type3A_59 = arith.extui %lt3A_58 : i1 to i32
        %cond3A_60 = arith.constant 0 : i32
        %cond3A_61 = arith.cmpi ne, %convert_element_type3A_59, %cond3A_60 : i32
        scf.if %cond3A_61 {
          %add3A_95 = arith.constant 2 : i32
          %add3A_96 = arith.addi %add3A_36, %add3A_95 : i32
          %dma_start3A_97 = arith.constant 0 : i32
          %dma_start3A_98 = tpu.memref_slice %arg5[%add3A_96, %dma_start3A_97] : memref<28x128xi32, #tpu.memory_space<vmem>> -> memref<1x128xi32, #tpu.memory_space<vmem>>
          %dma_start3A_99 = tpu.memref_squeeze %dma_start3A_98 : memref<1x128xi32, #tpu.memory_space<vmem>> -> memref<128xi32, #tpu.memory_space<vmem>>
          %dma_start3A_100 = arith.constant 0 : i32
          %dma_start3A_101 = arith.constant 0 : i32
          %dma_start3A_102 = tpu.memref_slice %arg3[%dma_start3A_100, %dma_start3A_101] : memref<10000x64xf32, #tpu.memory_space<hbm>> -> memref<10000x64xf32, #tpu.memory_space<hbm>>
          tpu.enqueue_indirect_dma source(%dma_start3A_102 : memref<10000x64xf32, #tpu.memory_space<hbm>>) target(%arg6 : memref<128x64xf32, #tpu.memory_space<vmem>>) offsets(%dma_start3A_99 : memref<128xi32, #tpu.memory_space<vmem>>) semaphore(%arg8 : memref<!tpu.dma_semaphore, #tpu.memory_space<semaphore_mem>>)
        } else {
        }
        %mul3A_62 = arith.constant 2 : i32
        %mul3A_63 = arith.muli %scan3A_32, %mul3A_62 : i32
        %add3A_64 = arith.constant 1 : i32
        %add3A_65 = arith.addi %mul3A_63, %add3A_64 : i32
        %lt3A_66 = arith.constant 20 : i32
        %lt3A_67 = arith.cmpi slt, %add3A_65, %lt3A_66 : i32
        %mul3A_68 = arith.constant 128 : i32
        %mul3A_69 = arith.muli %add3A_65, %mul3A_68 : i32
        %add3A_70 = arith.addi %mul3A_4, %mul3A_69 : i32
        %add3A_71 = arith.constant 1 : i32
        %add3A_72 = arith.addi %add3A, %add3A_71 : i32
        %mul3A_73 = arith.constant 2560 : i32
        %mul3A_74 = arith.muli %add3A_72, %mul3A_73 : i32
        %sub3A_75 = arith.constant 8 : i32
        %sub3A_76 = arith.subi %add3A_65, %sub3A_75 : i32
        %mul3A_77 = arith.constant 128 : i32
        %mul3A_78 = arith.muli %sub3A_76, %mul3A_77 : i32
        %add3A_79 = arith.addi %mul3A_74, %mul3A_78 : i32
        %select_n3A_80 = arith.select %lt3A_67, %add3A_70, %add3A_79 : i32
        %dma_wait3A_81 = arith.constant 0 : i32
        %dma_wait3A_82 = arith.constant 0 : i32
        %dma_wait3A_83 = tpu.memref_slice %arg5[%dma_wait3A_81, %dma_wait3A_82] : memref<28x128xi32, #tpu.memory_space<vmem>> -> memref<1x128xi32, #tpu.memory_space<vmem>>
        %dma_wait3A_84 = tpu.memref_squeeze %dma_wait3A_83 : memref<1x128xi32, #tpu.memory_space<vmem>> -> memref<128xi32, #tpu.memory_space<vmem>>
        %dma_wait3A_85 = arith.constant 0 : i32
        %dma_wait3A_86 = arith.constant 0 : i32
        %dma_wait3A_87 = tpu.memref_slice %arg3[%dma_wait3A_85, %dma_wait3A_86] : memref<10000x64xf32, #tpu.memory_space<hbm>> -> memref<10000x64xf32, #tpu.memory_space<hbm>>
        tpu.wait_indirect_dma semaphore(%arg9 : memref<!tpu.dma_semaphore, #tpu.memory_space<semaphore_mem>>) src(%dma_wait3A_87 : memref<10000x64xf32, #tpu.memory_space<hbm>>) dst(%arg7 : memref<128x64xf32, #tpu.memory_space<vmem>>)
        "tpu.region"() ({
          %run_scoped3A = tpu.sem_alloc : memref<!tpu.dma_semaphore, #tpu.memory_space<semaphore_mem>>
          %dma_start3A_95 = arith.constant 0 : i32
          %dma_start3A_96 = tpu.memref_slice %arg4[%select_n3A_80, %dma_start3A_95] : memref<81920x64xf32, #tpu.memory_space<hbm>> -> memref<128x64xf32, #tpu.memory_space<hbm>>
          %dma_start3A_97 = arith.constant 0 : i32
          %dma_start3A_98 = tpu.memref_slice %arg4[%select_n3A_80, %dma_start3A_97] : memref<81920x64xf32, #tpu.memory_space<hbm>> -> memref<128x64xf32, #tpu.memory_space<hbm>>
          tpu.enqueue_dma source(%arg7 : memref<128x64xf32, #tpu.memory_space<vmem>>) target(%dma_start3A_98 : memref<128x64xf32, #tpu.memory_space<hbm>>) target_semaphore(%run_scoped3A : memref<!tpu.dma_semaphore, #tpu.memory_space<semaphore_mem>>)
          %dma_wait3A_99 = arith.constant 0 : i32
          %dma_wait3A_100 = tpu.memref_slice %arg4[%select_n3A_80, %dma_wait3A_99] : memref<81920x64xf32, #tpu.memory_space<hbm>> -> memref<128x64xf32, #tpu.memory_space<hbm>>
          %dma_wait3A_101 = arith.constant 0 : i32
          %dma_wait3A_102 = tpu.memref_slice %arg4[%select_n3A_80, %dma_wait3A_101] : memref<81920x64xf32, #tpu.memory_space<hbm>> -> memref<128x64xf32, #tpu.memory_space<hbm>>
          tpu.wait_dma2 semaphore(%run_scoped3A : memref<!tpu.dma_semaphore, #tpu.memory_space<semaphore_mem>>) src(%arg7 : memref<128x64xf32, #tpu.memory_space<vmem>>) dst(%dma_wait3A_102 : memref<128x64xf32, #tpu.memory_space<hbm>>)
          tpu.yield
        }) : () -> ()
        %add3A_88 = arith.constant 2 : i32
        %add3A_89 = arith.addi %add3A_65, %add3A_88 : i32
        %lt3A_90 = arith.constant 12 : i32
        %lt3A_91 = arith.cmpi slt, %add3A_89, %lt3A_90 : i32
        %convert_element_type3A_92 = arith.extui %lt3A_91 : i1 to i32
        %cond3A_93 = arith.constant 0 : i32
        %cond3A_94 = arith.cmpi ne, %convert_element_type3A_92, %cond3A_93 : i32
        scf.if %cond3A_94 {
          %add3A_95 = arith.constant 2 : i32
          %add3A_96 = arith.addi %add3A_65, %add3A_95 : i32
          %dma_start3A_97 = arith.constant 0 : i32
          %dma_start3A_98 = tpu.memref_slice %arg5[%add3A_96, %dma_start3A_97] : memref<28x128xi32, #tpu.memory_space<vmem>> -> memref<1x128xi32, #tpu.memory_space<vmem>>
          %dma_start3A_99 = tpu.memref_squeeze %dma_start3A_98 : memref<1x128xi32, #tpu.memory_space<vmem>> -> memref<128xi32, #tpu.memory_space<vmem>>
          %dma_start3A_100 = arith.constant 0 : i32
          %dma_start3A_101 = arith.constant 0 : i32
          %dma_start3A_102 = tpu.memref_slice %arg3[%dma_start3A_100, %dma_start3A_101] : memref<10000x64xf32, #tpu.memory_space<hbm>> -> memref<10000x64xf32, #tpu.memory_space<hbm>>
          tpu.enqueue_indirect_dma source(%dma_start3A_102 : memref<10000x64xf32, #tpu.memory_space<hbm>>) target(%arg7 : memref<128x64xf32, #tpu.memory_space<vmem>>) offsets(%dma_start3A_99 : memref<128xi32, #tpu.memory_space<vmem>>) semaphore(%arg9 : memref<!tpu.dma_semaphore, #tpu.memory_space<semaphore_mem>>)
        } else {
        }
      }
      %scan3A_31 = arith.constant 6 : i32
    } else {
    }
    return
  }
}

module attributes {stable_mosaic.version = 14 : i64} {
  func.func @_edge_matmul_body(%arg0: i32, %arg1: memref<2560x64xf32, #tpu.memory_space<vmem>>, %arg2: memref<3x2560xf32, #tpu.memory_space<vmem>>, %arg3: memref<1024x128xbf16, #tpu.memory_space<vmem>>, %arg4: memref<64x1024xbf16, #tpu.memory_space<vmem>>, %arg5: memref<16x1024xbf16, #tpu.memory_space<vmem>>, %arg6: memref<2560x128xf32, #tpu.memory_space<vmem>>) attributes {dimension_semantics = [#tpu.dimension_semantics<arbitrary>], iteration_bounds = array<i64: 32>, scalar_prefetch = 0 : i64, scratch_operands = 0 : i64, tpu.core_type = #tpu.core_type<tc>, window_params = [{transform_indices = @transform_0, window_bounds = array<i64: 2560, 64>}, {transform_indices = @transform_1, window_bounds = array<i64: 3, 2560>}, {pipeline_mode = #tpu.pipeline_mode<synchronous>, transform_indices = @transform_2, window_bounds = array<i64: 1024, 128>}, {pipeline_mode = #tpu.pipeline_mode<synchronous>, transform_indices = @transform_3, window_bounds = array<i64: 64, 1024>}, {pipeline_mode = #tpu.pipeline_mode<synchronous>, transform_indices = @transform_4, window_bounds = array<i64: 16, 1024>}, {transform_indices = @transform_5, window_bounds = array<i64: 2560, 128>}]} {
    %get3A = arith.constant 0 : index
    %get3A_0 = arith.constant 0 : index
    %get3A_1 = vector.load %arg2[%get3A, %get3A_0] : memref<3x2560xf32, #tpu.memory_space<vmem>>, vector<1x2560xf32>
    %get3A_2 = arith.constant 1 : index
    %get3A_3 = arith.constant 0 : index
    %get3A_4 = vector.load %arg2[%get3A_2, %get3A_3] : memref<3x2560xf32, #tpu.memory_space<vmem>>, vector<1x2560xf32>
    %get3A_5 = arith.constant 2 : index
    %get3A_6 = arith.constant 0 : index
    %get3A_7 = vector.load %arg2[%get3A_5, %get3A_6] : memref<3x2560xf32, #tpu.memory_space<vmem>>, vector<1x2560xf32>
    %mul3A = arith.mulf %get3A_1, %get3A_1 : vector<1x2560xf32>
    %mul3A_8 = arith.mulf %get3A_4, %get3A_4 : vector<1x2560xf32>
    %add3A = arith.addf %mul3A, %mul3A_8 : vector<1x2560xf32>
    %mul3A_9 = arith.mulf %get3A_7, %get3A_7 : vector<1x2560xf32>
    %add3A_10 = arith.addf %add3A, %mul3A_9 : vector<1x2560xf32>
    %max3A = arith.constant 1.000000e-24 : f32
    %max3A_11 = vector.broadcast %max3A : f32 to vector<1x2560xf32>
    %max3A_12 = arith.maximumf %add3A_10, %max3A_11 : vector<1x2560xf32>
    %rsqrt3A = math.rsqrt %max3A_12 : vector<1x2560xf32>
    %mul3A_13 = arith.mulf %get3A_1, %rsqrt3A : vector<1x2560xf32>
    %mul3A_14 = arith.mulf %get3A_4, %rsqrt3A : vector<1x2560xf32>
    %mul3A_15 = arith.mulf %get3A_7, %rsqrt3A : vector<1x2560xf32>
    %mul3A_16 = arith.mulf %mul3A_13, %mul3A_13 : vector<1x2560xf32>
    %mul3A_17 = arith.mulf %mul3A_14, %mul3A_14 : vector<1x2560xf32>
    %mul3A_18 = arith.mulf %mul3A_15, %mul3A_15 : vector<1x2560xf32>
    %broadcast_in_dim3A = arith.constant 1.000000e+00 : f32
    %broadcast_in_dim3A_19 = vector.broadcast %broadcast_in_dim3A : f32 to vector<1x2560xf32>
    %mul3A_20 = arith.constant 0.282094806 : f32
    %mul3A_21 = vector.broadcast %mul3A_20 : f32 to vector<1x2560xf32>
    %mul3A_22 = arith.mulf %mul3A_21, %broadcast_in_dim3A_19 : vector<1x2560xf32>
    %mul3A_23 = arith.constant 0.488602519 : f32
    %mul3A_24 = vector.broadcast %mul3A_23 : f32 to vector<1x2560xf32>
    %mul3A_25 = arith.mulf %mul3A_24, %mul3A_14 : vector<1x2560xf32>
    %mul3A_26 = arith.constant 0.488602519 : f32
    %mul3A_27 = vector.broadcast %mul3A_26 : f32 to vector<1x2560xf32>
    %mul3A_28 = arith.mulf %mul3A_27, %mul3A_15 : vector<1x2560xf32>
    %mul3A_29 = arith.constant 0.488602519 : f32
    %mul3A_30 = vector.broadcast %mul3A_29 : f32 to vector<1x2560xf32>
    %mul3A_31 = arith.mulf %mul3A_30, %mul3A_13 : vector<1x2560xf32>
    %mul3A_32 = arith.constant 1.09254849 : f32
    %mul3A_33 = vector.broadcast %mul3A_32 : f32 to vector<1x2560xf32>
    %mul3A_34 = arith.mulf %mul3A_33, %mul3A_13 : vector<1x2560xf32>
    %mul3A_35 = arith.mulf %mul3A_34, %mul3A_14 : vector<1x2560xf32>
    %mul3A_36 = arith.constant 1.09254849 : f32
    %mul3A_37 = vector.broadcast %mul3A_36 : f32 to vector<1x2560xf32>
    %mul3A_38 = arith.mulf %mul3A_37, %mul3A_14 : vector<1x2560xf32>
    %mul3A_39 = arith.mulf %mul3A_38, %mul3A_15 : vector<1x2560xf32>
    %mul3A_40 = arith.constant 3.000000e+00 : f32
    %mul3A_41 = vector.broadcast %mul3A_40 : f32 to vector<1x2560xf32>
    %mul3A_42 = arith.mulf %mul3A_41, %mul3A_18 : vector<1x2560xf32>
    %sub3A = arith.constant 1.000000e+00 : f32
    %sub3A_43 = vector.broadcast %sub3A : f32 to vector<1x2560xf32>
    %sub3A_44 = arith.subf %mul3A_42, %sub3A_43 : vector<1x2560xf32>
    %mul3A_45 = arith.constant 0.31539157 : f32
    %mul3A_46 = vector.broadcast %mul3A_45 : f32 to vector<1x2560xf32>
    %mul3A_47 = arith.mulf %mul3A_46, %sub3A_44 : vector<1x2560xf32>
    %mul3A_48 = arith.constant 1.09254849 : f32
    %mul3A_49 = vector.broadcast %mul3A_48 : f32 to vector<1x2560xf32>
    %mul3A_50 = arith.mulf %mul3A_49, %mul3A_13 : vector<1x2560xf32>
    %mul3A_51 = arith.mulf %mul3A_50, %mul3A_15 : vector<1x2560xf32>
    %sub3A_52 = arith.subf %mul3A_16, %mul3A_17 : vector<1x2560xf32>
    %mul3A_53 = arith.constant 0.546274245 : f32
    %mul3A_54 = vector.broadcast %mul3A_53 : f32 to vector<1x2560xf32>
    %mul3A_55 = arith.mulf %mul3A_54, %sub3A_52 : vector<1x2560xf32>
    %mul3A_56 = arith.constant 0.590043604 : f32
    %mul3A_57 = vector.broadcast %mul3A_56 : f32 to vector<1x2560xf32>
    %mul3A_58 = arith.mulf %mul3A_57, %mul3A_14 : vector<1x2560xf32>
    %mul3A_59 = arith.constant 3.000000e+00 : f32
    %mul3A_60 = vector.broadcast %mul3A_59 : f32 to vector<1x2560xf32>
    %mul3A_61 = arith.mulf %mul3A_60, %mul3A_16 : vector<1x2560xf32>
    %sub3A_62 = arith.subf %mul3A_61, %mul3A_17 : vector<1x2560xf32>
    %mul3A_63 = arith.mulf %mul3A_58, %sub3A_62 : vector<1x2560xf32>
    %mul3A_64 = arith.constant 2.89061141 : f32
    %mul3A_65 = vector.broadcast %mul3A_64 : f32 to vector<1x2560xf32>
    %mul3A_66 = arith.mulf %mul3A_65, %mul3A_13 : vector<1x2560xf32>
    %mul3A_67 = arith.mulf %mul3A_66, %mul3A_14 : vector<1x2560xf32>
    %mul3A_68 = arith.mulf %mul3A_67, %mul3A_15 : vector<1x2560xf32>
    %mul3A_69 = arith.constant 0.457045794 : f32
    %mul3A_70 = vector.broadcast %mul3A_69 : f32 to vector<1x2560xf32>
    %mul3A_71 = arith.mulf %mul3A_70, %mul3A_14 : vector<1x2560xf32>
    %mul3A_72 = arith.constant 5.000000e+00 : f32
    %mul3A_73 = vector.broadcast %mul3A_72 : f32 to vector<1x2560xf32>
    %mul3A_74 = arith.mulf %mul3A_73, %mul3A_18 : vector<1x2560xf32>
    %sub3A_75 = arith.constant 1.000000e+00 : f32
    %sub3A_76 = vector.broadcast %sub3A_75 : f32 to vector<1x2560xf32>
    %sub3A_77 = arith.subf %mul3A_74, %sub3A_76 : vector<1x2560xf32>
    %mul3A_78 = arith.mulf %mul3A_71, %sub3A_77 : vector<1x2560xf32>
    %mul3A_79 = arith.constant 0.373176336 : f32
    %mul3A_80 = vector.broadcast %mul3A_79 : f32 to vector<1x2560xf32>
    %mul3A_81 = arith.mulf %mul3A_80, %mul3A_15 : vector<1x2560xf32>
    %mul3A_82 = arith.constant 5.000000e+00 : f32
    %mul3A_83 = vector.broadcast %mul3A_82 : f32 to vector<1x2560xf32>
    %mul3A_84 = arith.mulf %mul3A_83, %mul3A_18 : vector<1x2560xf32>
    %sub3A_85 = arith.constant 3.000000e+00 : f32
    %sub3A_86 = vector.broadcast %sub3A_85 : f32 to vector<1x2560xf32>
    %sub3A_87 = arith.subf %mul3A_84, %sub3A_86 : vector<1x2560xf32>
    %mul3A_88 = arith.mulf %mul3A_81, %sub3A_87 : vector<1x2560xf32>
    %mul3A_89 = arith.constant 0.457045794 : f32
    %mul3A_90 = vector.broadcast %mul3A_89 : f32 to vector<1x2560xf32>
    %mul3A_91 = arith.mulf %mul3A_90, %mul3A_13 : vector<1x2560xf32>
    %mul3A_92 = arith.constant 5.000000e+00 : f32
    %mul3A_93 = vector.broadcast %mul3A_92 : f32 to vector<1x2560xf32>
    %mul3A_94 = arith.mulf %mul3A_93, %mul3A_18 : vector<1x2560xf32>
    %sub3A_95 = arith.constant 1.000000e+00 : f32
    %sub3A_96 = vector.broadcast %sub3A_95 : f32 to vector<1x2560xf32>
    %sub3A_97 = arith.subf %mul3A_94, %sub3A_96 : vector<1x2560xf32>
    %mul3A_98 = arith.mulf %mul3A_91, %sub3A_97 : vector<1x2560xf32>
    %mul3A_99 = arith.constant 1.44530571 : f32
    %mul3A_100 = vector.broadcast %mul3A_99 : f32 to vector<1x2560xf32>
    %mul3A_101 = arith.mulf %mul3A_100, %mul3A_15 : vector<1x2560xf32>
    %sub3A_102 = arith.subf %mul3A_16, %mul3A_17 : vector<1x2560xf32>
    %mul3A_103 = arith.mulf %mul3A_101, %sub3A_102 : vector<1x2560xf32>
    %mul3A_104 = arith.constant 0.590043604 : f32
    %mul3A_105 = vector.broadcast %mul3A_104 : f32 to vector<1x2560xf32>
    %mul3A_106 = arith.mulf %mul3A_105, %mul3A_13 : vector<1x2560xf32>
    %mul3A_107 = arith.constant 3.000000e+00 : f32
    %mul3A_108 = vector.broadcast %mul3A_107 : f32 to vector<1x2560xf32>
    %mul3A_109 = arith.mulf %mul3A_108, %mul3A_17 : vector<1x2560xf32>
    %sub3A_110 = arith.subf %mul3A_16, %mul3A_109 : vector<1x2560xf32>
    %mul3A_111 = arith.mulf %mul3A_106, %sub3A_110 : vector<1x2560xf32>
    %concatenate3A = tpu.concatenate %mul3A_22, %mul3A_25, %mul3A_28, %mul3A_31, %mul3A_35, %mul3A_39, %mul3A_47, %mul3A_51, %mul3A_55, %mul3A_63, %mul3A_68, %mul3A_78, %mul3A_88, %mul3A_98, %mul3A_103, %mul3A_111 in 0 : vector<1x2560xf32>, vector<1x2560xf32>, vector<1x2560xf32>, vector<1x2560xf32>, vector<1x2560xf32>, vector<1x2560xf32>, vector<1x2560xf32>, vector<1x2560xf32>, vector<1x2560xf32>, vector<1x2560xf32>, vector<1x2560xf32>, vector<1x2560xf32>, vector<1x2560xf32>, vector<1x2560xf32>, vector<1x2560xf32>, vector<1x2560xf32> -> vector<16x2560xf32>
    %transpose3A = tpu.transpose %concatenate3A, [1, 0] : vector<16x2560xf32> -> vector<2560x16xf32>
    %convert_element_type3A = arith.truncf %transpose3A : vector<2560x16xf32> to vector<2560x16xbf16>
    %get3A_112 = arith.constant 0 : index
    %get3A_113 = arith.constant 0 : index
    %get3A_114 = vector.load %arg1[%get3A_112, %get3A_113] : memref<2560x64xf32, #tpu.memory_space<vmem>>, vector<640x64xf32>
    %convert_element_type3A_115 = arith.truncf %get3A_114 : vector<640x64xf32> to vector<640x64xbf16>
    %get3A_116 = arith.constant 0 : index
    %get3A_117 = arith.constant 0 : index
    %get3A_118 = vector.load %arg4[%get3A_116, %get3A_117] : memref<64x1024xbf16, #tpu.memory_space<vmem>>, vector<64x1024xbf16>
    %dot_general3A = arith.constant dense<0.000000e+00> : vector<640x1024xf32>
    %dot_general3A_119 = tpu.matmul %convert_element_type3A_115, %get3A_118, %dot_general3A {dimension_numbers = #tpu.dot_dimension_numbers<[1], [0], [0], [1], [0, 0, 1, 1], [], []>, transpose_lhs_hint = false} : vector<640x64xbf16>, vector<64x1024xbf16>, vector<640x1024xf32> -> vector<640x1024xf32>
    %slice3A = vector.extract_strided_slice %convert_element_type3A {offsets = [0, 0], sizes = [640, 16], strides = [1, 1]} : vector<2560x16xbf16> to vector<640x16xbf16>
    %get3A_120 = arith.constant 0 : index
    %get3A_121 = arith.constant 0 : index
    %get3A_122 = vector.load %arg5[%get3A_120, %get3A_121] : memref<16x1024xbf16, #tpu.memory_space<vmem>>, vector<16x1024xbf16>
    %dot_general3A_123 = arith.constant dense<0.000000e+00> : vector<640x1024xf32>
    %dot_general3A_124 = tpu.matmul %slice3A, %get3A_122, %dot_general3A_123 {dimension_numbers = #tpu.dot_dimension_numbers<[1], [0], [0], [1], [0, 0, 1, 1], [], []>, transpose_lhs_hint = false} : vector<640x16xbf16>, vector<16x1024xbf16>, vector<640x1024xf32> -> vector<640x1024xf32>
    %convert_element_type3A_125 = arith.truncf %dot_general3A_119 : vector<640x1024xf32> to vector<640x1024xbf16>
    %convert_element_type3A_126 = arith.truncf %dot_general3A_124 : vector<640x1024xf32> to vector<640x1024xbf16>
    %mul3A_127 = arith.mulf %convert_element_type3A_125, %convert_element_type3A_126 : vector<640x1024xbf16>
    %get3A_128 = arith.constant 0 : index
    %get3A_129 = arith.constant 0 : index
    %get3A_130 = vector.load %arg3[%get3A_128, %get3A_129] : memref<1024x128xbf16, #tpu.memory_space<vmem>>, vector<1024x128xbf16>
    %dot_general3A_131 = arith.constant dense<0.000000e+00> : vector<640x128xf32>
    %dot_general3A_132 = tpu.matmul %mul3A_127, %get3A_130, %dot_general3A_131 {dimension_numbers = #tpu.dot_dimension_numbers<[1], [0], [0], [1], [0, 0, 1, 1], [], []>, transpose_lhs_hint = false} : vector<640x1024xbf16>, vector<1024x128xbf16>, vector<640x128xf32> -> vector<640x128xf32>
    %swap3A = arith.constant 0 : index
    %swap3A_133 = arith.constant 0 : index
    %swap3A_134 = vector.load %arg6[%swap3A, %swap3A_133] : memref<2560x128xf32, #tpu.memory_space<vmem>>, vector<640x128xf32>
    tpu.vector_store %arg6[%swap3A, %swap3A_133], %dot_general3A_132 {strides = array<i32>} : memref<2560x128xf32, #tpu.memory_space<vmem>>, vector<640x128xf32>,
    %get3A_135 = arith.constant 640 : index
    %get3A_136 = arith.constant 0 : index
    %get3A_137 = vector.load %arg1[%get3A_135, %get3A_136] : memref<2560x64xf32, #tpu.memory_space<vmem>>, vector<640x64xf32>
    %convert_element_type3A_138 = arith.truncf %get3A_137 : vector<640x64xf32> to vector<640x64xbf16>
    %get3A_139 = arith.constant 0 : index
    %get3A_140 = arith.constant 0 : index
    %get3A_141 = vector.load %arg4[%get3A_139, %get3A_140] : memref<64x1024xbf16, #tpu.memory_space<vmem>>, vector<64x1024xbf16>
    %dot_general3A_142 = arith.constant dense<0.000000e+00> : vector<640x1024xf32>
    %dot_general3A_143 = tpu.matmul %convert_element_type3A_138, %get3A_141, %dot_general3A_142 {dimension_numbers = #tpu.dot_dimension_numbers<[1], [0], [0], [1], [0, 0, 1, 1], [], []>, transpose_lhs_hint = false} : vector<640x64xbf16>, vector<64x1024xbf16>, vector<640x1024xf32> -> vector<640x1024xf32>
    %slice3A_144 = vector.extract_strided_slice %convert_element_type3A {offsets = [640, 0], sizes = [640, 16], strides = [1, 1]} : vector<2560x16xbf16> to vector<640x16xbf16>
    %get3A_145 = arith.constant 0 : index
    %get3A_146 = arith.constant 0 : index
    %get3A_147 = vector.load %arg5[%get3A_145, %get3A_146] : memref<16x1024xbf16, #tpu.memory_space<vmem>>, vector<16x1024xbf16>
    %dot_general3A_148 = arith.constant dense<0.000000e+00> : vector<640x1024xf32>
    %dot_general3A_149 = tpu.matmul %slice3A_144, %get3A_147, %dot_general3A_148 {dimension_numbers = #tpu.dot_dimension_numbers<[1], [0], [0], [1], [0, 0, 1, 1], [], []>, transpose_lhs_hint = false} : vector<640x16xbf16>, vector<16x1024xbf16>, vector<640x1024xf32> -> vector<640x1024xf32>
    %convert_element_type3A_150 = arith.truncf %dot_general3A_143 : vector<640x1024xf32> to vector<640x1024xbf16>
    %convert_element_type3A_151 = arith.truncf %dot_general3A_149 : vector<640x1024xf32> to vector<640x1024xbf16>
    %mul3A_152 = arith.mulf %convert_element_type3A_150, %convert_element_type3A_151 : vector<640x1024xbf16>
    %get3A_153 = arith.constant 0 : index
    %get3A_154 = arith.constant 0 : index
    %get3A_155 = vector.load %arg3[%get3A_153, %get3A_154] : memref<1024x128xbf16, #tpu.memory_space<vmem>>, vector<1024x128xbf16>
    %dot_general3A_156 = arith.constant dense<0.000000e+00> : vector<640x128xf32>
    %dot_general3A_157 = tpu.matmul %mul3A_152, %get3A_155, %dot_general3A_156 {dimension_numbers = #tpu.dot_dimension_numbers<[1], [0], [0], [1], [0, 0, 1, 1], [], []>, transpose_lhs_hint = false} : vector<640x1024xbf16>, vector<1024x128xbf16>, vector<640x128xf32> -> vector<640x128xf32>
    %swap3A_158 = arith.constant 640 : index
    %swap3A_159 = arith.constant 0 : index
    %swap3A_160 = vector.load %arg6[%swap3A_158, %swap3A_159] : memref<2560x128xf32, #tpu.memory_space<vmem>>, vector<640x128xf32>
    tpu.vector_store %arg6[%swap3A_158, %swap3A_159], %dot_general3A_157 {strides = array<i32>} : memref<2560x128xf32, #tpu.memory_space<vmem>>, vector<640x128xf32>,
    %get3A_161 = arith.constant 1280 : index
    %get3A_162 = arith.constant 0 : index
    %get3A_163 = vector.load %arg1[%get3A_161, %get3A_162] : memref<2560x64xf32, #tpu.memory_space<vmem>>, vector<640x64xf32>
    %convert_element_type3A_164 = arith.truncf %get3A_163 : vector<640x64xf32> to vector<640x64xbf16>
    %get3A_165 = arith.constant 0 : index
    %get3A_166 = arith.constant 0 : index
    %get3A_167 = vector.load %arg4[%get3A_165, %get3A_166] : memref<64x1024xbf16, #tpu.memory_space<vmem>>, vector<64x1024xbf16>
    %dot_general3A_168 = arith.constant dense<0.000000e+00> : vector<640x1024xf32>
    %dot_general3A_169 = tpu.matmul %convert_element_type3A_164, %get3A_167, %dot_general3A_168 {dimension_numbers = #tpu.dot_dimension_numbers<[1], [0], [0], [1], [0, 0, 1, 1], [], []>, transpose_lhs_hint = false} : vector<640x64xbf16>, vector<64x1024xbf16>, vector<640x1024xf32> -> vector<640x1024xf32>
    %slice3A_170 = vector.extract_strided_slice %convert_element_type3A {offsets = [1280, 0], sizes = [640, 16], strides = [1, 1]} : vector<2560x16xbf16> to vector<640x16xbf16>
    %get3A_171 = arith.constant 0 : index
    %get3A_172 = arith.constant 0 : index
    %get3A_173 = vector.load %arg5[%get3A_171, %get3A_172] : memref<16x1024xbf16, #tpu.memory_space<vmem>>, vector<16x1024xbf16>
    %dot_general3A_174 = arith.constant dense<0.000000e+00> : vector<640x1024xf32>
    %dot_general3A_175 = tpu.matmul %slice3A_170, %get3A_173, %dot_general3A_174 {dimension_numbers = #tpu.dot_dimension_numbers<[1], [0], [0], [1], [0, 0, 1, 1], [], []>, transpose_lhs_hint = false} : vector<640x16xbf16>, vector<16x1024xbf16>, vector<640x1024xf32> -> vector<640x1024xf32>
    %convert_element_type3A_176 = arith.truncf %dot_general3A_169 : vector<640x1024xf32> to vector<640x1024xbf16>
    %convert_element_type3A_177 = arith.truncf %dot_general3A_175 : vector<640x1024xf32> to vector<640x1024xbf16>
    %mul3A_178 = arith.mulf %convert_element_type3A_176, %convert_element_type3A_177 : vector<640x1024xbf16>
    %get3A_179 = arith.constant 0 : index
    %get3A_180 = arith.constant 0 : index
    %get3A_181 = vector.load %arg3[%get3A_179, %get3A_180] : memref<1024x128xbf16, #tpu.memory_space<vmem>>, vector<1024x128xbf16>
    %dot_general3A_182 = arith.constant dense<0.000000e+00> : vector<640x128xf32>
    %dot_general3A_183 = tpu.matmul %mul3A_178, %get3A_181, %dot_general3A_182 {dimension_numbers = #tpu.dot_dimension_numbers<[1], [0], [0], [1], [0, 0, 1, 1], [], []>, transpose_lhs_hint = false} : vector<640x1024xbf16>, vector<1024x128xbf16>, vector<640x128xf32> -> vector<640x128xf32>
    %swap3A_184 = arith.constant 1280 : index
    %swap3A_185 = arith.constant 0 : index
    %swap3A_186 = vector.load %arg6[%swap3A_184, %swap3A_185] : memref<2560x128xf32, #tpu.memory_space<vmem>>, vector<640x128xf32>
    tpu.vector_store %arg6[%swap3A_184, %swap3A_185], %dot_general3A_183 {strides = array<i32>} : memref<2560x128xf32, #tpu.memory_space<vmem>>, vector<640x128xf32>,
    %get3A_187 = arith.constant 1920 : index
    %get3A_188 = arith.constant 0 : index
    %get3A_189 = vector.load %arg1[%get3A_187, %get3A_188] : memref<2560x64xf32, #tpu.memory_space<vmem>>, vector<640x64xf32>
    %convert_element_type3A_190 = arith.truncf %get3A_189 : vector<640x64xf32> to vector<640x64xbf16>
    %get3A_191 = arith.constant 0 : index
    %get3A_192 = arith.constant 0 : index
    %get3A_193 = vector.load %arg4[%get3A_191, %get3A_192] : memref<64x1024xbf16, #tpu.memory_space<vmem>>, vector<64x1024xbf16>
    %dot_general3A_194 = arith.constant dense<0.000000e+00> : vector<640x1024xf32>
    %dot_general3A_195 = tpu.matmul %convert_element_type3A_190, %get3A_193, %dot_general3A_194 {dimension_numbers = #tpu.dot_dimension_numbers<[1], [0], [0], [1], [0, 0, 1, 1], [], []>, transpose_lhs_hint = false} : vector<640x64xbf16>, vector<64x1024xbf16>, vector<640x1024xf32> -> vector<640x1024xf32>
    %slice3A_196 = vector.extract_strided_slice %convert_element_type3A {offsets = [1920, 0], sizes = [640, 16], strides = [1, 1]} : vector<2560x16xbf16> to vector<640x16xbf16>
    %get3A_197 = arith.constant 0 : index
    %get3A_198 = arith.constant 0 : index
    %get3A_199 = vector.load %arg5[%get3A_197, %get3A_198] : memref<16x1024xbf16, #tpu.memory_space<vmem>>, vector<16x1024xbf16>
    %dot_general3A_200 = arith.constant dense<0.000000e+00> : vector<640x1024xf32>
    %dot_general3A_201 = tpu.matmul %slice3A_196, %get3A_199, %dot_general3A_200 {dimension_numbers = #tpu.dot_dimension_numbers<[1], [0], [0], [1], [0, 0, 1, 1], [], []>, transpose_lhs_hint = false} : vector<640x16xbf16>, vector<16x1024xbf16>, vector<640x1024xf32> -> vector<640x1024xf32>
    %convert_element_type3A_202 = arith.truncf %dot_general3A_195 : vector<640x1024xf32> to vector<640x1024xbf16>
    %convert_element_type3A_203 = arith.truncf %dot_general3A_201 : vector<640x1024xf32> to vector<640x1024xbf16>
    %mul3A_204 = arith.mulf %convert_element_type3A_202, %convert_element_type3A_203 : vector<640x1024xbf16>
    %get3A_205 = arith.constant 0 : index
    %get3A_206 = arith.constant 0 : index
    %get3A_207 = vector.load %arg3[%get3A_205, %get3A_206] : memref<1024x128xbf16, #tpu.memory_space<vmem>>, vector<1024x128xbf16>
    %dot_general3A_208 = arith.constant dense<0.000000e+00> : vector<640x128xf32>
    %dot_general3A_209 = tpu.matmul %mul3A_204, %get3A_207, %dot_general3A_208 {dimension_numbers = #tpu.dot_dimension_numbers<[1], [0], [0], [1], [0, 0, 1, 1], [], []>, transpose_lhs_hint = false} : vector<640x1024xbf16>, vector<1024x128xbf16>, vector<640x128xf32> -> vector<640x128xf32>
    %swap3A_210 = arith.constant 1920 : index
    %swap3A_211 = arith.constant 0 : index
    %swap3A_212 = vector.load %arg6[%swap3A_210, %swap3A_211] : memref<2560x128xf32, #tpu.memory_space<vmem>>, vector<640x128xf32>
    tpu.vector_store %arg6[%swap3A_210, %swap3A_211], %dot_general3A_209 {strides = array<i32>} : memref<2560x128xf32, #tpu.memory_space<vmem>>, vector<640x128xf32>,
    return
  }
  func.func @transform_0(%arg0: i32) -> (i32, i32) {
    %c0_i32 = arith.constant 0 : i32
    %c0_i32_0 = arith.constant 0 : i32
    return %arg0, %c0_i32 : i32, i32
  }
  func.func @transform_1(%arg0: i32) -> (i32, i32) {
    %mul3A = arith.constant 2 : i32
    %mul3A_0 = arith.muli %mul3A, %arg0 : i32
    %add3A = arith.constant 1 : i32
    %add3A_1 = arith.addi %mul3A_0, %add3A : i32
    %c0_i32 = arith.constant 0 : i32
    %c0_i32_2 = arith.constant 0 : i32
    return %c0_i32, %add3A_1 : i32, i32
  }
  func.func @transform_2(%arg0: i32) -> (i32, i32) {
    %c0_i32 = arith.constant 0 : i32
    %c0_i32_0 = arith.constant 0 : i32
    %c0_i32_1 = arith.constant 0 : i32
    return %c0_i32, %c0_i32_0 : i32, i32
  }
  func.func @transform_3(%arg0: i32) -> (i32, i32) {
    %c0_i32 = arith.constant 0 : i32
    %c0_i32_0 = arith.constant 0 : i32
    %c0_i32_1 = arith.constant 0 : i32
    return %c0_i32, %c0_i32_0 : i32, i32
  }
  func.func @transform_4(%arg0: i32) -> (i32, i32) {
    %c0_i32 = arith.constant 0 : i32
    %c0_i32_0 = arith.constant 0 : i32
    %c0_i32_1 = arith.constant 0 : i32
    return %c0_i32, %c0_i32_0 : i32, i32
  }
  func.func @transform_5(%arg0: i32) -> (i32, i32) {
    %c0_i32 = arith.constant 0 : i32
    %c0_i32_0 = arith.constant 0 : i32
    return %arg0, %c0_i32 : i32, i32
  }
}

module attributes {stable_mosaic.version = 14 : i64} {
  func.func @_edge_matmul_body(%arg0: i32, %arg1: memref<2560x64xf32, #tpu.memory_space<vmem>>, %arg2: memref<3x2560xf32, #tpu.memory_space<vmem>>, %arg3: memref<1024x128xbf16, #tpu.memory_space<vmem>>, %arg4: memref<64x1024xbf16, #tpu.memory_space<vmem>>, %arg5: memref<16x1024xbf16, #tpu.memory_space<vmem>>, %arg6: memref<2560x128xf32, #tpu.memory_space<vmem>>) attributes {dimension_semantics = [#tpu.dimension_semantics<arbitrary>], iteration_bounds = array<i64: 32>, scalar_prefetch = 0 : i64, scratch_operands = 0 : i64, tpu.core_type = #tpu.core_type<tc>, window_params = [{transform_indices = @transform_0, window_bounds = array<i64: 2560, 64>}, {transform_indices = @transform_1, window_bounds = array<i64: 3, 2560>}, {pipeline_mode = #tpu.pipeline_mode<synchronous>, transform_indices = @transform_2, window_bounds = array<i64: 1024, 128>}, {pipeline_mode = #tpu.pipeline_mode<synchronous>, transform_indices = @transform_3, window_bounds = array<i64: 64, 1024>}, {pipeline_mode = #tpu.pipeline_mode<synchronous>, transform_indices = @transform_4, window_bounds = array<i64: 16, 1024>}, {transform_indices = @transform_5, window_bounds = array<i64: 2560, 128>}]} {
    %get3A = arith.constant 0 : index
    %get3A_0 = arith.constant 0 : index
    %get3A_1 = vector.load %arg2[%get3A, %get3A_0] : memref<3x2560xf32, #tpu.memory_space<vmem>>, vector<1x2560xf32>
    %get3A_2 = arith.constant 1 : index
    %get3A_3 = arith.constant 0 : index
    %get3A_4 = vector.load %arg2[%get3A_2, %get3A_3] : memref<3x2560xf32, #tpu.memory_space<vmem>>, vector<1x2560xf32>
    %get3A_5 = arith.constant 2 : index
    %get3A_6 = arith.constant 0 : index
    %get3A_7 = vector.load %arg2[%get3A_5, %get3A_6] : memref<3x2560xf32, #tpu.memory_space<vmem>>, vector<1x2560xf32>
    %mul3A = arith.mulf %get3A_1, %get3A_1 : vector<1x2560xf32>
    %mul3A_8 = arith.mulf %get3A_4, %get3A_4 : vector<1x2560xf32>
    %add3A = arith.addf %mul3A, %mul3A_8 : vector<1x2560xf32>
    %mul3A_9 = arith.mulf %get3A_7, %get3A_7 : vector<1x2560xf32>
    %add3A_10 = arith.addf %add3A, %mul3A_9 : vector<1x2560xf32>
    %max3A = arith.constant 1.000000e-24 : f32
    %max3A_11 = vector.broadcast %max3A : f32 to vector<1x2560xf32>
    %max3A_12 = arith.maximumf %add3A_10, %max3A_11 : vector<1x2560xf32>
    %rsqrt3A = math.rsqrt %max3A_12 : vector<1x2560xf32>
    %mul3A_13 = arith.mulf %get3A_1, %rsqrt3A : vector<1x2560xf32>
    %mul3A_14 = arith.mulf %get3A_4, %rsqrt3A : vector<1x2560xf32>
    %mul3A_15 = arith.mulf %get3A_7, %rsqrt3A : vector<1x2560xf32>
    %mul3A_16 = arith.mulf %mul3A_13, %mul3A_13 : vector<1x2560xf32>
    %mul3A_17 = arith.mulf %mul3A_14, %mul3A_14 : vector<1x2560xf32>
    %mul3A_18 = arith.mulf %mul3A_15, %mul3A_15 : vector<1x2560xf32>
    %broadcast_in_dim3A = arith.constant 1.000000e+00 : f32
    %broadcast_in_dim3A_19 = vector.broadcast %broadcast_in_dim3A : f32 to vector<1x2560xf32>
    %mul3A_20 = arith.constant 0.282094806 : f32
    %mul3A_21 = vector.broadcast %mul3A_20 : f32 to vector<1x2560xf32>
    %mul3A_22 = arith.mulf %mul3A_21, %broadcast_in_dim3A_19 : vector<1x2560xf32>
    %mul3A_23 = arith.constant 0.488602519 : f32
    %mul3A_24 = vector.broadcast %mul3A_23 : f32 to vector<1x2560xf32>
    %mul3A_25 = arith.mulf %mul3A_24, %mul3A_14 : vector<1x2560xf32>
    %mul3A_26 = arith.constant 0.488602519 : f32
    %mul3A_27 = vector.broadcast %mul3A_26 : f32 to vector<1x2560xf32>
    %mul3A_28 = arith.mulf %mul3A_27, %mul3A_15 : vector<1x2560xf32>
    %mul3A_29 = arith.constant 0.488602519 : f32
    %mul3A_30 = vector.broadcast %mul3A_29 : f32 to vector<1x2560xf32>
    %mul3A_31 = arith.mulf %mul3A_30, %mul3A_13 : vector<1x2560xf32>
    %mul3A_32 = arith.constant 1.09254849 : f32
    %mul3A_33 = vector.broadcast %mul3A_32 : f32 to vector<1x2560xf32>
    %mul3A_34 = arith.mulf %mul3A_33, %mul3A_13 : vector<1x2560xf32>
    %mul3A_35 = arith.mulf %mul3A_34, %mul3A_14 : vector<1x2560xf32>
    %mul3A_36 = arith.constant 1.09254849 : f32
    %mul3A_37 = vector.broadcast %mul3A_36 : f32 to vector<1x2560xf32>
    %mul3A_38 = arith.mulf %mul3A_37, %mul3A_14 : vector<1x2560xf32>
    %mul3A_39 = arith.mulf %mul3A_38, %mul3A_15 : vector<1x2560xf32>
    %mul3A_40 = arith.constant 3.000000e+00 : f32
    %mul3A_41 = vector.broadcast %mul3A_40 : f32 to vector<1x2560xf32>
    %mul3A_42 = arith.mulf %mul3A_41, %mul3A_18 : vector<1x2560xf32>
    %sub3A = arith.constant 1.000000e+00 : f32
    %sub3A_43 = vector.broadcast %sub3A : f32 to vector<1x2560xf32>
    %sub3A_44 = arith.subf %mul3A_42, %sub3A_43 : vector<1x2560xf32>
    %mul3A_45 = arith.constant 0.31539157 : f32
    %mul3A_46 = vector.broadcast %mul3A_45 : f32 to vector<1x2560xf32>
    %mul3A_47 = arith.mulf %mul3A_46, %sub3A_44 : vector<1x2560xf32>
    %mul3A_48 = arith.constant 1.09254849 : f32
    %mul3A_49 = vector.broadcast %mul3A_48 : f32 to vector<1x2560xf32>
    %mul3A_50 = arith.mulf %mul3A_49, %mul3A_13 : vector<1x2560xf32>
    %mul3A_51 = arith.mulf %mul3A_50, %mul3A_15 : vector<1x2560xf32>
    %sub3A_52 = arith.subf %mul3A_16, %mul3A_17 : vector<1x2560xf32>
    %mul3A_53 = arith.constant 0.546274245 : f32
    %mul3A_54 = vector.broadcast %mul3A_53 : f32 to vector<1x2560xf32>
    %mul3A_55 = arith.mulf %mul3A_54, %sub3A_52 : vector<1x2560xf32>
    %mul3A_56 = arith.constant 0.590043604 : f32
    %mul3A_57 = vector.broadcast %mul3A_56 : f32 to vector<1x2560xf32>
    %mul3A_58 = arith.mulf %mul3A_57, %mul3A_14 : vector<1x2560xf32>
    %mul3A_59 = arith.constant 3.000000e+00 : f32
    %mul3A_60 = vector.broadcast %mul3A_59 : f32 to vector<1x2560xf32>
    %mul3A_61 = arith.mulf %mul3A_60, %mul3A_16 : vector<1x2560xf32>
    %sub3A_62 = arith.subf %mul3A_61, %mul3A_17 : vector<1x2560xf32>
    %mul3A_63 = arith.mulf %mul3A_58, %sub3A_62 : vector<1x2560xf32>
    %mul3A_64 = arith.constant 2.89061141 : f32
    %mul3A_65 = vector.broadcast %mul3A_64 : f32 to vector<1x2560xf32>
    %mul3A_66 = arith.mulf %mul3A_65, %mul3A_13 : vector<1x2560xf32>
    %mul3A_67 = arith.mulf %mul3A_66, %mul3A_14 : vector<1x2560xf32>
    %mul3A_68 = arith.mulf %mul3A_67, %mul3A_15 : vector<1x2560xf32>
    %mul3A_69 = arith.constant 0.457045794 : f32
    %mul3A_70 = vector.broadcast %mul3A_69 : f32 to vector<1x2560xf32>
    %mul3A_71 = arith.mulf %mul3A_70, %mul3A_14 : vector<1x2560xf32>
    %mul3A_72 = arith.constant 5.000000e+00 : f32
    %mul3A_73 = vector.broadcast %mul3A_72 : f32 to vector<1x2560xf32>
    %mul3A_74 = arith.mulf %mul3A_73, %mul3A_18 : vector<1x2560xf32>
    %sub3A_75 = arith.constant 1.000000e+00 : f32
    %sub3A_76 = vector.broadcast %sub3A_75 : f32 to vector<1x2560xf32>
    %sub3A_77 = arith.subf %mul3A_74, %sub3A_76 : vector<1x2560xf32>
    %mul3A_78 = arith.mulf %mul3A_71, %sub3A_77 : vector<1x2560xf32>
    %mul3A_79 = arith.constant 0.373176336 : f32
    %mul3A_80 = vector.broadcast %mul3A_79 : f32 to vector<1x2560xf32>
    %mul3A_81 = arith.mulf %mul3A_80, %mul3A_15 : vector<1x2560xf32>
    %mul3A_82 = arith.constant 5.000000e+00 : f32
    %mul3A_83 = vector.broadcast %mul3A_82 : f32 to vector<1x2560xf32>
    %mul3A_84 = arith.mulf %mul3A_83, %mul3A_18 : vector<1x2560xf32>
    %sub3A_85 = arith.constant 3.000000e+00 : f32
    %sub3A_86 = vector.broadcast %sub3A_85 : f32 to vector<1x2560xf32>
    %sub3A_87 = arith.subf %mul3A_84, %sub3A_86 : vector<1x2560xf32>
    %mul3A_88 = arith.mulf %mul3A_81, %sub3A_87 : vector<1x2560xf32>
    %mul3A_89 = arith.constant 0.457045794 : f32
    %mul3A_90 = vector.broadcast %mul3A_89 : f32 to vector<1x2560xf32>
    %mul3A_91 = arith.mulf %mul3A_90, %mul3A_13 : vector<1x2560xf32>
    %mul3A_92 = arith.constant 5.000000e+00 : f32
    %mul3A_93 = vector.broadcast %mul3A_92 : f32 to vector<1x2560xf32>
    %mul3A_94 = arith.mulf %mul3A_93, %mul3A_18 : vector<1x2560xf32>
    %sub3A_95 = arith.constant 1.000000e+00 : f32
    %sub3A_96 = vector.broadcast %sub3A_95 : f32 to vector<1x2560xf32>
    %sub3A_97 = arith.subf %mul3A_94, %sub3A_96 : vector<1x2560xf32>
    %mul3A_98 = arith.mulf %mul3A_91, %sub3A_97 : vector<1x2560xf32>
    %mul3A_99 = arith.constant 1.44530571 : f32
    %mul3A_100 = vector.broadcast %mul3A_99 : f32 to vector<1x2560xf32>
    %mul3A_101 = arith.mulf %mul3A_100, %mul3A_15 : vector<1x2560xf32>
    %sub3A_102 = arith.subf %mul3A_16, %mul3A_17 : vector<1x2560xf32>
    %mul3A_103 = arith.mulf %mul3A_101, %sub3A_102 : vector<1x2560xf32>
    %mul3A_104 = arith.constant 0.590043604 : f32
    %mul3A_105 = vector.broadcast %mul3A_104 : f32 to vector<1x2560xf32>
    %mul3A_106 = arith.mulf %mul3A_105, %mul3A_13 : vector<1x2560xf32>
    %mul3A_107 = arith.constant 3.000000e+00 : f32
    %mul3A_108 = vector.broadcast %mul3A_107 : f32 to vector<1x2560xf32>
    %mul3A_109 = arith.mulf %mul3A_108, %mul3A_17 : vector<1x2560xf32>
    %sub3A_110 = arith.subf %mul3A_16, %mul3A_109 : vector<1x2560xf32>
    %mul3A_111 = arith.mulf %mul3A_106, %sub3A_110 : vector<1x2560xf32>
    %concatenate3A = tpu.concatenate %mul3A_22, %mul3A_25, %mul3A_28, %mul3A_31, %mul3A_35, %mul3A_39, %mul3A_47, %mul3A_51, %mul3A_55, %mul3A_63, %mul3A_68, %mul3A_78, %mul3A_88, %mul3A_98, %mul3A_103, %mul3A_111 in 0 : vector<1x2560xf32>, vector<1x2560xf32>, vector<1x2560xf32>, vector<1x2560xf32>, vector<1x2560xf32>, vector<1x2560xf32>, vector<1x2560xf32>, vector<1x2560xf32>, vector<1x2560xf32>, vector<1x2560xf32>, vector<1x2560xf32>, vector<1x2560xf32>, vector<1x2560xf32>, vector<1x2560xf32>, vector<1x2560xf32>, vector<1x2560xf32> -> vector<16x2560xf32>
    %transpose3A = tpu.transpose %concatenate3A, [1, 0] : vector<16x2560xf32> -> vector<2560x16xf32>
    %convert_element_type3A = arith.truncf %transpose3A : vector<2560x16xf32> to vector<2560x16xbf16>
    %get3A_112 = arith.constant 0 : index
    %get3A_113 = arith.constant 0 : index
    %get3A_114 = vector.load %arg1[%get3A_112, %get3A_113] : memref<2560x64xf32, #tpu.memory_space<vmem>>, vector<640x64xf32>
    %convert_element_type3A_115 = arith.truncf %get3A_114 : vector<640x64xf32> to vector<640x64xbf16>
    %get3A_116 = arith.constant 0 : index
    %get3A_117 = arith.constant 0 : index
    %get3A_118 = vector.load %arg4[%get3A_116, %get3A_117] : memref<64x1024xbf16, #tpu.memory_space<vmem>>, vector<64x1024xbf16>
    %dot_general3A = arith.constant dense<0.000000e+00> : vector<640x1024xf32>
    %dot_general3A_119 = tpu.matmul %convert_element_type3A_115, %get3A_118, %dot_general3A {dimension_numbers = #tpu.dot_dimension_numbers<[1], [0], [0], [1], [0, 0, 1, 1], [], []>, transpose_lhs_hint = false} : vector<640x64xbf16>, vector<64x1024xbf16>, vector<640x1024xf32> -> vector<640x1024xf32>
    %slice3A = vector.extract_strided_slice %convert_element_type3A {offsets = [0, 0], sizes = [640, 16], strides = [1, 1]} : vector<2560x16xbf16> to vector<640x16xbf16>
    %get3A_120 = arith.constant 0 : index
    %get3A_121 = arith.constant 0 : index
    %get3A_122 = vector.load %arg5[%get3A_120, %get3A_121] : memref<16x1024xbf16, #tpu.memory_space<vmem>>, vector<16x1024xbf16>
    %dot_general3A_123 = arith.constant dense<0.000000e+00> : vector<640x1024xf32>
    %dot_general3A_124 = tpu.matmul %slice3A, %get3A_122, %dot_general3A_123 {dimension_numbers = #tpu.dot_dimension_numbers<[1], [0], [0], [1], [0, 0, 1, 1], [], []>, transpose_lhs_hint = false} : vector<640x16xbf16>, vector<16x1024xbf16>, vector<640x1024xf32> -> vector<640x1024xf32>
    %convert_element_type3A_125 = arith.truncf %dot_general3A_119 : vector<640x1024xf32> to vector<640x1024xbf16>
    %convert_element_type3A_126 = arith.truncf %dot_general3A_124 : vector<640x1024xf32> to vector<640x1024xbf16>
    %mul3A_127 = arith.mulf %convert_element_type3A_125, %convert_element_type3A_126 : vector<640x1024xbf16>
    %get3A_128 = arith.constant 0 : index
    %get3A_129 = arith.constant 0 : index
    %get3A_130 = vector.load %arg3[%get3A_128, %get3A_129] : memref<1024x128xbf16, #tpu.memory_space<vmem>>, vector<1024x128xbf16>
    %dot_general3A_131 = arith.constant dense<0.000000e+00> : vector<640x128xf32>
    %dot_general3A_132 = tpu.matmul %mul3A_127, %get3A_130, %dot_general3A_131 {dimension_numbers = #tpu.dot_dimension_numbers<[1], [0], [0], [1], [0, 0, 1, 1], [], []>, transpose_lhs_hint = false} : vector<640x1024xbf16>, vector<1024x128xbf16>, vector<640x128xf32> -> vector<640x128xf32>
    %swap3A = arith.constant 0 : index
    %swap3A_133 = arith.constant 0 : index
    %swap3A_134 = vector.load %arg6[%swap3A, %swap3A_133] : memref<2560x128xf32, #tpu.memory_space<vmem>>, vector<640x128xf32>
    tpu.vector_store %arg6[%swap3A, %swap3A_133], %dot_general3A_132 {strides = array<i32>} : memref<2560x128xf32, #tpu.memory_space<vmem>>, vector<640x128xf32>,
    %get3A_135 = arith.constant 640 : index
    %get3A_136 = arith.constant 0 : index
    %get3A_137 = vector.load %arg1[%get3A_135, %get3A_136] : memref<2560x64xf32, #tpu.memory_space<vmem>>, vector<640x64xf32>
    %convert_element_type3A_138 = arith.truncf %get3A_137 : vector<640x64xf32> to vector<640x64xbf16>
    %get3A_139 = arith.constant 0 : index
    %get3A_140 = arith.constant 0 : index
    %get3A_141 = vector.load %arg4[%get3A_139, %get3A_140] : memref<64x1024xbf16, #tpu.memory_space<vmem>>, vector<64x1024xbf16>
    %dot_general3A_142 = arith.constant dense<0.000000e+00> : vector<640x1024xf32>
    %dot_general3A_143 = tpu.matmul %convert_element_type3A_138, %get3A_141, %dot_general3A_142 {dimension_numbers = #tpu.dot_dimension_numbers<[1], [0], [0], [1], [0, 0, 1, 1], [], []>, transpose_lhs_hint = false} : vector<640x64xbf16>, vector<64x1024xbf16>, vector<640x1024xf32> -> vector<640x1024xf32>
    %slice3A_144 = vector.extract_strided_slice %convert_element_type3A {offsets = [640, 0], sizes = [640, 16], strides = [1, 1]} : vector<2560x16xbf16> to vector<640x16xbf16>
    %get3A_145 = arith.constant 0 : index
    %get3A_146 = arith.constant 0 : index
    %get3A_147 = vector.load %arg5[%get3A_145, %get3A_146] : memref<16x1024xbf16, #tpu.memory_space<vmem>>, vector<16x1024xbf16>
    %dot_general3A_148 = arith.constant dense<0.000000e+00> : vector<640x1024xf32>
    %dot_general3A_149 = tpu.matmul %slice3A_144, %get3A_147, %dot_general3A_148 {dimension_numbers = #tpu.dot_dimension_numbers<[1], [0], [0], [1], [0, 0, 1, 1], [], []>, transpose_lhs_hint = false} : vector<640x16xbf16>, vector<16x1024xbf16>, vector<640x1024xf32> -> vector<640x1024xf32>
    %convert_element_type3A_150 = arith.truncf %dot_general3A_143 : vector<640x1024xf32> to vector<640x1024xbf16>
    %convert_element_type3A_151 = arith.truncf %dot_general3A_149 : vector<640x1024xf32> to vector<640x1024xbf16>
    %mul3A_152 = arith.mulf %convert_element_type3A_150, %convert_element_type3A_151 : vector<640x1024xbf16>
    %get3A_153 = arith.constant 0 : index
    %get3A_154 = arith.constant 0 : index
    %get3A_155 = vector.load %arg3[%get3A_153, %get3A_154] : memref<1024x128xbf16, #tpu.memory_space<vmem>>, vector<1024x128xbf16>
    %dot_general3A_156 = arith.constant dense<0.000000e+00> : vector<640x128xf32>
    %dot_general3A_157 = tpu.matmul %mul3A_152, %get3A_155, %dot_general3A_156 {dimension_numbers = #tpu.dot_dimension_numbers<[1], [0], [0], [1], [0, 0, 1, 1], [], []>, transpose_lhs_hint = false} : vector<640x1024xbf16>, vector<1024x128xbf16>, vector<640x128xf32> -> vector<640x128xf32>
    %swap3A_158 = arith.constant 640 : index
    %swap3A_159 = arith.constant 0 : index
    %swap3A_160 = vector.load %arg6[%swap3A_158, %swap3A_159] : memref<2560x128xf32, #tpu.memory_space<vmem>>, vector<640x128xf32>
    tpu.vector_store %arg6[%swap3A_158, %swap3A_159], %dot_general3A_157 {strides = array<i32>} : memref<2560x128xf32, #tpu.memory_space<vmem>>, vector<640x128xf32>,
    %get3A_161 = arith.constant 1280 : index
    %get3A_162 = arith.constant 0 : index
    %get3A_163 = vector.load %arg1[%get3A_161, %get3A_162] : memref<2560x64xf32, #tpu.memory_space<vmem>>, vector<640x64xf32>
    %convert_element_type3A_164 = arith.truncf %get3A_163 : vector<640x64xf32> to vector<640x64xbf16>
    %get3A_165 = arith.constant 0 : index
    %get3A_166 = arith.constant 0 : index
    %get3A_167 = vector.load %arg4[%get3A_165, %get3A_166] : memref<64x1024xbf16, #tpu.memory_space<vmem>>, vector<64x1024xbf16>
    %dot_general3A_168 = arith.constant dense<0.000000e+00> : vector<640x1024xf32>
    %dot_general3A_169 = tpu.matmul %convert_element_type3A_164, %get3A_167, %dot_general3A_168 {dimension_numbers = #tpu.dot_dimension_numbers<[1], [0], [0], [1], [0, 0, 1, 1], [], []>, transpose_lhs_hint = false} : vector<640x64xbf16>, vector<64x1024xbf16>, vector<640x1024xf32> -> vector<640x1024xf32>
    %slice3A_170 = vector.extract_strided_slice %convert_element_type3A {offsets = [1280, 0], sizes = [640, 16], strides = [1, 1]} : vector<2560x16xbf16> to vector<640x16xbf16>
    %get3A_171 = arith.constant 0 : index
    %get3A_172 = arith.constant 0 : index
    %get3A_173 = vector.load %arg5[%get3A_171, %get3A_172] : memref<16x1024xbf16, #tpu.memory_space<vmem>>, vector<16x1024xbf16>
    %dot_general3A_174 = arith.constant dense<0.000000e+00> : vector<640x1024xf32>
    %dot_general3A_175 = tpu.matmul %slice3A_170, %get3A_173, %dot_general3A_174 {dimension_numbers = #tpu.dot_dimension_numbers<[1], [0], [0], [1], [0, 0, 1, 1], [], []>, transpose_lhs_hint = false} : vector<640x16xbf16>, vector<16x1024xbf16>, vector<640x1024xf32> -> vector<640x1024xf32>
    %convert_element_type3A_176 = arith.truncf %dot_general3A_169 : vector<640x1024xf32> to vector<640x1024xbf16>
    %convert_element_type3A_177 = arith.truncf %dot_general3A_175 : vector<640x1024xf32> to vector<640x1024xbf16>
    %mul3A_178 = arith.mulf %convert_element_type3A_176, %convert_element_type3A_177 : vector<640x1024xbf16>
    %get3A_179 = arith.constant 0 : index
    %get3A_180 = arith.constant 0 : index
    %get3A_181 = vector.load %arg3[%get3A_179, %get3A_180] : memref<1024x128xbf16, #tpu.memory_space<vmem>>, vector<1024x128xbf16>
    %dot_general3A_182 = arith.constant dense<0.000000e+00> : vector<640x128xf32>
    %dot_general3A_183 = tpu.matmul %mul3A_178, %get3A_181, %dot_general3A_182 {dimension_numbers = #tpu.dot_dimension_numbers<[1], [0], [0], [1], [0, 0, 1, 1], [], []>, transpose_lhs_hint = false} : vector<640x1024xbf16>, vector<1024x128xbf16>, vector<640x128xf32> -> vector<640x128xf32>
    %swap3A_184 = arith.constant 1280 : index
    %swap3A_185 = arith.constant 0 : index
    %swap3A_186 = vector.load %arg6[%swap3A_184, %swap3A_185] : memref<2560x128xf32, #tpu.memory_space<vmem>>, vector<640x128xf32>
    tpu.vector_store %arg6[%swap3A_184, %swap3A_185], %dot_general3A_183 {strides = array<i32>} : memref<2560x128xf32, #tpu.memory_space<vmem>>, vector<640x128xf32>,
    %get3A_187 = arith.constant 1920 : index
    %get3A_188 = arith.constant 0 : index
    %get3A_189 = vector.load %arg1[%get3A_187, %get3A_188] : memref<2560x64xf32, #tpu.memory_space<vmem>>, vector<640x64xf32>
    %convert_element_type3A_190 = arith.truncf %get3A_189 : vector<640x64xf32> to vector<640x64xbf16>
    %get3A_191 = arith.constant 0 : index
    %get3A_192 = arith.constant 0 : index
    %get3A_193 = vector.load %arg4[%get3A_191, %get3A_192] : memref<64x1024xbf16, #tpu.memory_space<vmem>>, vector<64x1024xbf16>
    %dot_general3A_194 = arith.constant dense<0.000000e+00> : vector<640x1024xf32>
    %dot_general3A_195 = tpu.matmul %convert_element_type3A_190, %get3A_193, %dot_general3A_194 {dimension_numbers = #tpu.dot_dimension_numbers<[1], [0], [0], [1], [0, 0, 1, 1], [], []>, transpose_lhs_hint = false} : vector<640x64xbf16>, vector<64x1024xbf16>, vector<640x1024xf32> -> vector<640x1024xf32>
    %slice3A_196 = vector.extract_strided_slice %convert_element_type3A {offsets = [1920, 0], sizes = [640, 16], strides = [1, 1]} : vector<2560x16xbf16> to vector<640x16xbf16>
    %get3A_197 = arith.constant 0 : index
    %get3A_198 = arith.constant 0 : index
    %get3A_199 = vector.load %arg5[%get3A_197, %get3A_198] : memref<16x1024xbf16, #tpu.memory_space<vmem>>, vector<16x1024xbf16>
    %dot_general3A_200 = arith.constant dense<0.000000e+00> : vector<640x1024xf32>
    %dot_general3A_201 = tpu.matmul %slice3A_196, %get3A_199, %dot_general3A_200 {dimension_numbers = #tpu.dot_dimension_numbers<[1], [0], [0], [1], [0, 0, 1, 1], [], []>, transpose_lhs_hint = false} : vector<640x16xbf16>, vector<16x1024xbf16>, vector<640x1024xf32> -> vector<640x1024xf32>
    %convert_element_type3A_202 = arith.truncf %dot_general3A_195 : vector<640x1024xf32> to vector<640x1024xbf16>
    %convert_element_type3A_203 = arith.truncf %dot_general3A_201 : vector<640x1024xf32> to vector<640x1024xbf16>
    %mul3A_204 = arith.mulf %convert_element_type3A_202, %convert_element_type3A_203 : vector<640x1024xbf16>
    %get3A_205 = arith.constant 0 : index
    %get3A_206 = arith.constant 0 : index
    %get3A_207 = vector.load %arg3[%get3A_205, %get3A_206] : memref<1024x128xbf16, #tpu.memory_space<vmem>>, vector<1024x128xbf16>
    %dot_general3A_208 = arith.constant dense<0.000000e+00> : vector<640x128xf32>
    %dot_general3A_209 = tpu.matmul %mul3A_204, %get3A_207, %dot_general3A_208 {dimension_numbers = #tpu.dot_dimension_numbers<[1], [0], [0], [1], [0, 0, 1, 1], [], []>, transpose_lhs_hint = false} : vector<640x1024xbf16>, vector<1024x128xbf16>, vector<640x128xf32> -> vector<640x128xf32>
    %swap3A_210 = arith.constant 1920 : index
    %swap3A_211 = arith.constant 0 : index
    %swap3A_212 = vector.load %arg6[%swap3A_210, %swap3A_211] : memref<2560x128xf32, #tpu.memory_space<vmem>>, vector<640x128xf32>
    tpu.vector_store %arg6[%swap3A_210, %swap3A_211], %dot_general3A_209 {strides = array<i32>} : memref<2560x128xf32, #tpu.memory_space<vmem>>, vector<640x128xf32>,
    return
  }
  func.func @transform_0(%arg0: i32) -> (i32, i32) {
    %c0_i32 = arith.constant 0 : i32
    %c0_i32_0 = arith.constant 0 : i32
    return %arg0, %c0_i32 : i32, i32
  }
  func.func @transform_1(%arg0: i32) -> (i32, i32) {
    %mul3A = arith.constant 2 : i32
    %mul3A_0 = arith.muli %mul3A, %arg0 : i32
    %add3A = arith.constant 0 : i32
    %add3A_1 = arith.addi %mul3A_0, %add3A : i32
    %c0_i32 = arith.constant 0 : i32
    %c0_i32_2 = arith.constant 0 : i32
    return %c0_i32, %add3A_1 : i32, i32
  }
  func.func @transform_2(%arg0: i32) -> (i32, i32) {
    %c0_i32 = arith.constant 0 : i32
    %c0_i32_0 = arith.constant 0 : i32
    %c0_i32_1 = arith.constant 0 : i32
    return %c0_i32, %c0_i32_0 : i32, i32
  }
  func.func @transform_3(%arg0: i32) -> (i32, i32) {
    %c0_i32 = arith.constant 0 : i32
    %c0_i32_0 = arith.constant 0 : i32
    %c0_i32_1 = arith.constant 0 : i32
    return %c0_i32, %c0_i32_0 : i32, i32
  }
  func.func @transform_4(%arg0: i32) -> (i32, i32) {
    %c0_i32 = arith.constant 0 : i32
    %c0_i32_0 = arith.constant 0 : i32
    %c0_i32_1 = arith.constant 0 : i32
    return %c0_i32, %c0_i32_0 : i32, i32
  }
  func.func @transform_5(%arg0: i32) -> (i32, i32) {
    %c0_i32 = arith.constant 0 : i32
    %c0_i32_0 = arith.constant 0 : i32
    return %arg0, %c0_i32 : i32, i32
  }
}

module attributes {stable_mosaic.version = 14 : i64} {
  func.func @_combine_body(%arg0: i32, %arg1: memref<1x2000x128xf32, #tpu.memory_space<vmem>>, %arg2: memref<1x2000x128xf32, #tpu.memory_space<vmem>>, %arg3: memref<1x2000x128xf32, #tpu.memory_space<vmem>>, %arg4: memref<1x2000x128xf32, #tpu.memory_space<vmem>>, %arg5: memref<1x128xf32, #tpu.memory_space<vmem>>, %arg6: memref<2000x128xf32, #tpu.memory_space<vmem>>) attributes {dimension_semantics = [#tpu.dimension_semantics<arbitrary>], iteration_bounds = array<i64: 5>, scalar_prefetch = 0 : i64, scratch_operands = 0 : i64, tpu.core_type = #tpu.core_type<tc>, window_params = [{transform_indices = @transform_0, window_bounds = array<i64: 1, 2000, 128>}, {transform_indices = @transform_1, window_bounds = array<i64: 1, 2000, 128>}, {transform_indices = @transform_2, window_bounds = array<i64: 1, 2000, 128>}, {transform_indices = @transform_3, window_bounds = array<i64: 1, 2000, 128>}, {pipeline_mode = #tpu.pipeline_mode<synchronous>, transform_indices = @transform_4, window_bounds = array<i64: 1, 128>}, {transform_indices = @transform_5, window_bounds = array<i64: 2000, 128>}]} {
    %get3A = arith.constant 0 : index
    %get3A_0 = arith.constant 0 : index
    %get3A_1 = arith.constant 0 : index
    %get3A_2 = vector.load %arg1[%get3A, %get3A_0, %get3A_1] : memref<1x2000x128xf32, #tpu.memory_space<vmem>>, vector<1x2000x128xf32>
    %get3A_3 = vector.shape_cast %get3A_2 : vector<1x2000x128xf32> to vector<2000x128xf32>
    %get3A_4 = arith.constant 0 : index
    %get3A_5 = arith.constant 0 : index
    %get3A_6 = arith.constant 0 : index
    %get3A_7 = vector.load %arg2[%get3A_4, %get3A_5, %get3A_6] : memref<1x2000x128xf32, #tpu.memory_space<vmem>>, vector<1x2000x128xf32>
    %get3A_8 = vector.shape_cast %get3A_7 : vector<1x2000x128xf32> to vector<2000x128xf32>
    %add3A = arith.addf %get3A_3, %get3A_8 : vector<2000x128xf32>
    %get3A_9 = arith.constant 0 : index
    %get3A_10 = arith.constant 0 : index
    %get3A_11 = arith.constant 0 : index
    %get3A_12 = vector.load %arg3[%get3A_9, %get3A_10, %get3A_11] : memref<1x2000x128xf32, #tpu.memory_space<vmem>>, vector<1x2000x128xf32>
    %get3A_13 = vector.shape_cast %get3A_12 : vector<1x2000x128xf32> to vector<2000x128xf32>
    %get3A_14 = arith.constant 0 : index
    %get3A_15 = arith.constant 0 : index
    %get3A_16 = arith.constant 0 : index
    %get3A_17 = vector.load %arg4[%get3A_14, %get3A_15, %get3A_16] : memref<1x2000x128xf32, #tpu.memory_space<vmem>>, vector<1x2000x128xf32>
    %get3A_18 = vector.shape_cast %get3A_17 : vector<1x2000x128xf32> to vector<2000x128xf32>
    %add3A_19 = arith.addf %get3A_13, %get3A_18 : vector<2000x128xf32>
    %add3A_20 = arith.addf %add3A, %add3A_19 : vector<2000x128xf32>
    %get3A_21 = arith.constant 0 : index
    %get3A_22 = arith.constant 0 : index
    %get3A_23 = vector.load %arg5[%get3A_21, %get3A_22] : memref<1x128xf32, #tpu.memory_space<vmem>>, vector<1x128xf32>
    %add3A_24 = vector.broadcast %get3A_23 : vector<1x128xf32> to vector<2000x128xf32>
    %add3A_25 = arith.addf %add3A_20, %add3A_24 : vector<2000x128xf32>
    %swap3A = arith.constant 0 : index
    %swap3A_26 = arith.constant 0 : index
    %swap3A_27 = vector.load %arg6[%swap3A, %swap3A_26] : memref<2000x128xf32, #tpu.memory_space<vmem>>, vector<2000x128xf32>
    tpu.vector_store %arg6[%swap3A, %swap3A_26], %add3A_25 {strides = array<i32>} : memref<2000x128xf32, #tpu.memory_space<vmem>>, vector<2000x128xf32>,
    return
  }
  func.func @transform_0(%arg0: i32) -> (i32, i32, i32) {
    %c0_i32 = arith.constant 0 : i32
    %c0_i32_0 = arith.constant 0 : i32
    %c0_i32_1 = arith.constant 0 : i32
    return %c0_i32, %arg0, %c0_i32_0 : i32, i32, i32
  }
  func.func @transform_1(%arg0: i32) -> (i32, i32, i32) {
    %c1_i32 = arith.constant 1 : i32
    %c0_i32 = arith.constant 0 : i32
    %c0_i32_0 = arith.constant 0 : i32
    return %c1_i32, %arg0, %c0_i32 : i32, i32, i32
  }
  func.func @transform_2(%arg0: i32) -> (i32, i32, i32) {
    %c0_i32 = arith.constant 0 : i32
    %c0_i32_0 = arith.constant 0 : i32
    %c0_i32_1 = arith.constant 0 : i32
    return %c0_i32, %arg0, %c0_i32_0 : i32, i32, i32
  }
  func.func @transform_3(%arg0: i32) -> (i32, i32, i32) {
    %c1_i32 = arith.constant 1 : i32
    %c0_i32 = arith.constant 0 : i32
    %c0_i32_0 = arith.constant 0 : i32
    return %c1_i32, %arg0, %c0_i32 : i32, i32, i32
  }
  func.func @transform_4(%arg0: i32) -> (i32, i32) {
    %c0_i32 = arith.constant 0 : i32
    %c0_i32_0 = arith.constant 0 : i32
    %c0_i32_1 = arith.constant 0 : i32
    return %c0_i32, %c0_i32_0 : i32, i32
  }
  func.func @transform_5(%arg0: i32) -> (i32, i32) {
    %c0_i32 = arith.constant 0 : i32
    %c0_i32_0 = arith.constant 0 : i32
    return %arg0, %c0_i32 : i32, i32
  }
}

</mosaic_0001>

<sc_bundles>
// kernel: kernel.12.cloned.1.call-start
scs
__scs_entry_jumppad:
0x0: {  	(pc) =	sbr.rel $0x88, $3  }
0x1: {  	(tag) =	ssettag $0x0;
	lr =	simm.s32 $0x1  }
0x2: {  	[smem:$0x3F9C] =	sst lr;
	_ =	strace $0xD0000000  }
0x3: {  	_ = 	snop  }
0x4: {  	_ = 	snop  }
0x5: {  	_ = 	snop  }
0x6: {  	_ = 	snop  }
0x7: {  	_ = 	snop  }
__scs_overlays_trampoline_lowered:
0x8: {  	[smem:$0x3FAB] =	sst s0  }
0x9: {  	[smem:$0x3FAC] =	sst s1  }
0xa: {  	[smem:$0x3FAD] =	sst s2  }
0xb: {  	[smem:$0x3FAE] =	sst s3  }
0xc: {  	[smem:$0x3FAF] =	sst s4  }
0xd: {  	[smem:$0x3FB0] =	sst s5  }
0xe: {  	[smem:$0x3FB1] =	sst s6  }
0xf: {  	[smem:$0x3FB2] =	sst s7  }
0x10: {  	[smem:$0x3FB3] =	sst s8  }
0x11: {  	[smem:$0x3FB4] =	sst s9;
	s0 =	simm.s32 @!p0 $0x0  }
0x12: {  	s1 =	sld [smem:$0x3F9A];
	s0 =	simm.s32 @p0 $0x1  }
0x13: {  	[smem:$0x3FB5] =	sst s0;
	s0 =	simm.s32 @!p1 $0x0  }
0x14: {  	s2 =	sld [smem:$0x3F99];
	s0 =	simm.s32 @p1 $0x1  }
0x15: {  	[smem:$0x3FB6] =	sst s0;
	s0 =	simm.s32 @!p2 $0x0  }
0x16: {  	s3 =	sld [smem:$0x3FDB];
	s0 =	simm.s32 @p2 $0x1  }
0x17: {  	s4 =	simm.s32 $0x1BF5;
	[smem:$0x3FB8] =	sst s0  }
0x18: {  	s0 =	sld [smem:$0x3F9B];
	_ =	swait.ge [sflag:s4], $0x0  }
0x19: {  	s7 =	sld [smem:$0x3F9C]  }
0x1a: {  	s8 =	sadd.s32 $0xFFFFE003, lr  }
0x1b: {  	s9 =	sadd.s32 $0xFFFFFEF7, lr;
	s5 =	simm.s32 $0xFFFFFFFF;
	p2 =	slt.u32 s8, $0xFFFFF086  }
0x1c: {  	p1 =	slt.u32 s9, $0xF7A;
	s5 =	simm.s32 @!p2 $0x0  }
0x1d: {  	s5 =	simm.s32 @p1 $0x1;
	p0 =	seq.s32 s7, s2  }
0x1e: {  	s7 =	smul.u32 @!p0 $0xF7A, s2;
	p2 =	seq.s32 @!p0 s5, $0x0  }
0x1f: {  	s9 =	smul.u32 $0xF7A, s1;
	s8 =	simm.s32 @!p0 $0x1BF5;
	p2 =	por !p2, p0  }
0x20: {  	[sflag:s8] =	ssyncset.s32 @!p0 $0xFFFFF086;
	s6 =	sadd.s32 @!p0 s3, s7;
	s7 =	simm.s32 @!p0 $0x108  }
0x21: {  	s3 =	sadd.s32 s3, s9;
	s6 =	sadd.s32 @!p0 $0x88, s6;
	s7 =	simm.s32 @p2 $0x1082  }
0x22: {  	[simem:s7], [sflag:s8] =	dma.local @!p0 [hbm:s6], $0xF7A  }
0x23: {  	s9 =	sor.u32 $0xD0000000, s2;
	s6 =	simm.s32 $0x108;
	_ =	swait.ge @!p0 [sflag:s8], $0x0  }
0x24: {  	s3 =	sadd.s32 $0x88, s3;
	s6 =	simm.s32 @!p1 $0x1082;
	[sflag:s4] =	ssyncset.s32 $0xFFFFF086  }
0x25: {  	[simem:s6], [sflag:s4] =	dma.local [hbm:s3], $0xF7A  }
0x26: {  	[smem:$0x3F9C] =	sst s1;
	(tag) =	ssettag s2;
	_ =	strace s9  }
0x27: {  	s1 =	sld [smem:$0x3FAC]  }
0x28: {  	s2 =	sld [smem:$0x3FAD]  }
0x29: {  	s4 =	sld [smem:$0x3FAF]  }
0x2a: {  	p0 =	seq.s32 s5, $0x0;
	s5 =	sld [smem:$0x3FB0]  }
0x2b: {  	s6 =	sld [smem:$0x3FB1]  }
0x2c: {  	s7 =	sld [smem:$0x3FB2]  }
0x2d: {  	s3 =	simm.s32 $0x108;
	s8 =	sld [smem:$0x3FB3]  }
0x2e: {  	s3 =	simm.s32 @!p0 $0x1082;
	s9 =	sld [smem:$0x3FB4]  }
0x2f: {  	lr =	sadd.s32 s0, s3;
	s0 =	sld [smem:$0x3FAB]  }
0x30: {  	s3 =	sld [smem:$0x3FAE]  }
0x31: {  	[smem:$0x3FB7] =	sst s10  }
0x32: {  	s10 =	sld [smem:$0x3FB5];
	_ =	sdelay $0x3  }
0x33: {  	p0 =	seq.s32 s10, $0x1;
	s10 =	sld [smem:$0x3FB7];
	_ =	sdelay $0x3  }
0x34: {  	[smem:$0x3FB7] =	sst s10  }
0x35: {  	s10 =	sld [smem:$0x3FB6];
	_ =	sdelay $0x3  }
0x36: {  	p1 =	seq.s32 s10, $0x1;
	s10 =	sld [smem:$0x3FB7];
	_ =	sdelay $0x3  }
0x37: {  	[smem:$0x3FB7] =	sst s10  }
0x38: {  	s10 =	sld [smem:$0x3FB8]  }
0x39: {  	_ = 	snop;
	(pc) =	sbr.ind lr, $3  }
0x3a: {  	_ = 	snop  }
0x3b: {  	_ = 	snop  }
0x3c: {  	p2 =	seq.s32 s10, $0x1;
	s10 =	sld [smem:$0x3FB7]  }
0x3d: {  	_ =	shalt  }
0x3e: {  	_ =	shalt  }
0x3f: {  	_ =	shalt  }
0x40: {  	_ =	shalt  }
0x41: {  	_ =	shalt  }
0x42: {  	_ =	shalt  }
0x43: {  	_ =	shalt  }
0x44: {  	_ =	shalt  }
0x45: {  	_ =	shalt  }
0x46: {  	_ =	shalt  }
0x47: {  	_ =	shalt  }
0x48: {  	_ =	shalt  }
0x49: {  	_ =	shalt  }
0x4a: {  	_ =	shalt  }
0x4b: {  	_ =	shalt  }
0x4c: {  	_ =	shalt  }
0x4d: {  	_ =	shalt  }
0x4e: {  	_ =	shalt  }
0x4f: {  	_ =	shalt  }
0x50: {  	_ =	shalt  }
0x51: {  	_ =	shalt  }
0x52: {  	_ =	shalt  }
0x53: {  	_ =	shalt  }
0x54: {  	_ =	shalt  }
0x55: {  	_ =	shalt  }
0x56: {  	_ =	shalt  }
0x57: {  	_ =	shalt  }
0x58: {  	_ =	shalt  }
0x59: {  	_ =	shalt  }
0x5a: {  	_ =	shalt  }
0x5b: {  	_ =	shalt  }
0x5c: {  	_ =	shalt  }
0x5d: {  	_ =	shalt  }
0x5e: {  	_ =	shalt  }
0x5f: {  	_ =	shalt  }
0x60: {  	_ =	shalt  }
0x61: {  	_ =	shalt  }
0x62: {  	_ =	shalt  }
0x63: {  	_ =	shalt  }
0x64: {  	_ =	shalt  }
0x65: {  	_ =	shalt  }
0x66: {  	_ =	shalt  }
0x67: {  	_ =	shalt  }
0x68: {  	_ =	shalt  }
0x69: {  	_ =	shalt  }
0x6a: {  	_ =	shalt  }
0x6b: {  	_ =	shalt  }
0x6c: {  	_ =	shalt  }
0x6d: {  	_ =	shalt  }
0x6e: {  	_ =	shalt  }
0x6f: {  	_ =	shalt  }
0x70: {  	_ =	shalt  }
0x71: {  	_ =	shalt  }
0x72: {  	_ =	shalt  }
0x73: {  	_ =	shalt  }
0x74: {  	_ =	shalt  }
0x75: {  	_ =	shalt  }
0x76: {  	_ =	shalt  }
0x77: {  	_ =	shalt  }
0x78: {  	_ =	shalt  }
0x79: {  	_ =	shalt  }
0x7a: {  	_ =	shalt  }
0x7b: {  	_ =	shalt  }
0x7c: {  	_ =	shalt  }
0x7d: {  	_ =	shalt  }
0x7e: {  	_ =	shalt  }
0x7f: {  	_ =	shalt  }
0x80: {  	_ =	shalt  }
0x81: {  	_ =	shalt  }
0x82: {  	_ =	shalt  }
0x83: {  	_ =	shalt  }
0x84: {  	_ =	shalt  }
0x85: {  	_ =	shalt  }
0x86: {  	_ =	shalt  }
0x87: {  	_ =	shalt  }
.Lfunc_end0:
.L_simem_size_0:
called_computation.1_lowered:
.L_overlay_start_0:
0x88: {  	s2 =	sld [smem:$0x3FD9]  }
0x89: {  	s3 =	sld [smem:$0x3FFE];
	_ =	sdelay $0x1  }
0x8a: {  	s1 =	srdreg.scid  }
0x8b: {  	s0 =	sand.u32 $0x1, s1  }
0x8c: {  	s17 =	sshll.u32 s0, $0xA;
	s2 =	sadd.s32 s3, s2  }
0x8d: {  	s2 =	sadd.s32 s2, s17  }
0x8e: {  	[smem:$0x3FC3] =	sst s2  }
0x8f: {  	_ = 	snop  }
0x90: {  	s2 =	sld [smem:$0x3FD0];
	(tm) =	ssettm $0x1  }
0x91: {  	s18 =	sld [smem:$0x3FFB];
	_ =	sdelay $0x3  }
0x92: {  	_ =	strace s18  }
0x93: {  	s3 =	sld [smem:$0x3FFC];
	_ =	sdelay $0x3  }
0x94: {  	_ =	strace s3  }
0x95: {  	s3 =	sld [smem:$0x3FFD];
	_ =	sdelay $0x3  }
0x96: {  	_ =	strace s3  }
0x97: {  	_ =	strace $0x8FFFFFFF  }
0x98: {  	s19 =	sld [smem:$0x3FDB];
	_ =	sdelay $0x1  }
0x99: {  	s4 =	simm.s32 $_scs_section_size  }
0x9a: {  	s5 =	simm.s32 $_size__tile_overlayer_lowered;
	s6 =	simm.s32 $_tile_overlayer_lowered  }
0x9b: {  	s22 =	simm.s32 $0x1BFF;
	s21 =	sshll.u32 s6, $0x1;
	s3 =	sadd.s32 s4, s19  }
0x9c: {  	s7 =	simm.s32 $0x0;
	s20 =	sshll.u32 s5, $0x1;
	s5 =	sadd.s32 s21, s3  }
0x9d: {  	[timem:s7], [sflag:s22] =	dma.local [hbm:s5], s20  }
0x9e: {  	_ =	swait.ge [sflag:s22], s20  }
0x9f: {  	s4 =	ssub.s32 $0x0, s20;
	[sflag:s22] =	ssyncset.done $0x0  }
0xa0: {  	[sflag:s22] =	ssyncadd.s32 s4;
	_ =	sdelay $0x1  }
0xa1: {  	s23 =	simm.s32 $0x1B8B  }
0xa2: {  	_ =	swait.ge [sflag:s23], $0x1  }
0xa3: {  	[sflag:s23] =	ssyncset.done $0x0  }
0xa4: {  	s25 =	simm.s32 $0x1B8E;
	s24 =	sld [smem:$0x3FFE];
	[sflag:s23] =	ssyncadd.s32 $0xFFFFFFFF  }
0xa5: {  	s26 =	simm.s32 $execute0_lowered;
	[smem:$0x3FD2] =	sst s25  }
0xa6: {  	s5 =	sshll.u32 s26, $0x1;
	_ =	strace $0x80000046;
	[dreg:$0x1] =	wrdreg $0xFFFFFFFF  }
0xa7: {  	s28 =	simm.s32 $_size_execute0_lowered;
	s3 =	sadd.s32 s3, s5;
	[dreg:$0x0] =	wrdreg $0x0  }
0xa8: {  	s5 =	sshll.u32 s28, $0x1;
	[dreg:$0x2] =	wrdreg s3  }
0xa9: {  	[dreg:$0x3] =	wrdreg s5  }
0xaa: {  	[dreg:$0x4] =	wrdreg $0xC0  }
0xab: {  	_ =	task [dreg:s7], $0x5FFFF  }
0xac: {  	[dreg:$0x1] =	wrdreg $0xFFFFFFFF  }
0xad: {  	[dreg:$0x0] =	wrdreg $0x60  }
0xae: {  	[dreg:$0x2] =	wrdreg s24  }
0xaf: {  	[dreg:$0x3] =	wrdreg s2  }
0xb0: {  	[dreg:$0x4] =	wrdreg $0xA  }
0xb1: {  	_ =	task.clear_ibuf [dreg:s7], $0x5FFFF;
	_ =	strace $0x90000046  }
0xb2: {  	s29 =	simm.s32 $0xA;
	_ =	strace $0x80000048  }
0xb3: {  	_ =	swait.ge [sflag:s29], $0x1  }
0xb4: {  	[sflag:s29] =	ssyncadd.s32 $0xFFFFFFFF  }
0xb5: {  	_ =	strace $0x90000048  }
0xb6: {  	_ =	sfence  }
0xb7: {  	s30 =	sld [smem:$0x0];
	_ =	sdelay $0x2  }
0xb8: {  	s31 =	sshll.u32 s1, $0xD;
	s1 =	sshrl.u32 s1, $0x2  }
0xb9: {  	s3 =	sand.u32 $0x4000, s31;
	s1 =	sadd.s32 s1, s30  }
0xba: {  	s0 =	sor.u32 s3, s0;
	s1 =	sshll.u32 s1, $0x11  }
0xbb: {  	s0 =	sor.u32 s1, s0  }
0xbc: {  	s0 =	sadd.s32 $0x8F2B, s0  }
0xbd: {  	[sflag:s0] =	ssyncadd.remote.s32 $0x1  }
0xbe: {  	_ =	sfence.sel $0xFFFF  }
0xbf: {  	[dreg:$0x0] =	wrdreg $0xFFFFFFFF;
	(pc) =	sbr.abs _section_cstart, $3  }
0xc0: {  	[dreg:$0x1] =	wrdreg $0xFFFFFFFF  }
0xc1: {  	_ =	task.clear_ibuf [dreg:s7], $0x2FFFF;
	_ =	strace $0x9FFFFFFF  }
0xc2: {  	(tm) =	ssettm $0x7FFFFFFF  }
0xc3: {  	_ =	shalt  }
tec
execute0_lowered:
.L_overlay_start_1:
0x0: {  	(tag) =	ssettag $0x1  }
0x1: {  	s0 =	rddreg [dreg:$0x0]  }
0x2: {  	s2 =	rddreg [dreg:$0x1]  }
0x3: {  	s3 =	simm.s32 $0x0;
	s1 =	srdreg.scid;
	s14 =	stileid.u32  }
0x4: {  	s29 =	simm.s32 $0x80;
	s30 =	simm.s32 $0xE00;
	s31 =	simm.s32 $0x2E00  }
0x5: {  	s28 =	simm.s32 $0x0;
	[smem:$0x7FF] =	sst s3;
	s1 =	sand.u32 $0x1, s1  }
0x6: {  	s4 =	sshll.u32 s14, $0x1;
	s7 =	smul.u32 $0x1400, s14;
	s8 =	sadd.s32 $0x1800, s0  }
0x7: {  	s5 =	sadd.s32 $0x4000, s0;
	s25 =	smul.u32 $0xA000, s14;
	_ =	strace $0x80000047  }
0x8: {  	s6 =	sor.u32 s1, s4;
	s9 =	ssub.s32 $0x2, s1;
	p0 =	sne.s32 s1, $0x0  }
0x9: {  	s1 =	simm.s32 $0x2;
	s4 =	smul.u32 $0xA00, s6;
	s17 =	sshrl.u32 s9, $0x1  }
0xa: {  	s10 =	sshrl.u32 s7, $0x3;
	s13 =	smul.u32 $0x5000, s6;
	s16 =	sadd.s32 $0x4000600, s7  }
0xb: {  	s26 =	sadd.s32 s5, s25;
	s25 =	sadd.s32 $0x9C00, s25;
	s10 =	sadd.s32 s8, s10  }
0xc: {  	s0 =	ssub.s32 s9, s17;
	s18 =	sadd.s32 $0x200, s10;
	s10 =	sadd.s32 s5, s13  }
0xd: {  	s9 =	sadd.s32 $0x4000680, s7;
	[dreg:$0x3] =	wrdreg s18;
	s19 =	sadd.s32 $0x400, s10  }
0xe: {  	s11 =	sshrl.u32 s4, $0x3;
	s20 =	sadd.s32 $0x800, s10;
	[dreg:$0x4] =	wrdreg s19  }
0xf: {  	s12 =	smax.u32 s0, $0x1;
	s21 =	sadd.s32 $0xC00, s10;
	[dreg:$0x5] =	wrdreg s20  }
0x10: {  	s0 =	simm.s32 $0x1;
	s22 =	sadd.s32 $0x1000, s10;
	[dreg:$0x6] =	wrdreg s21  }
.Ltmp0:
0x11: {  	s23 =	sadd.s32 $0x1400, s10;
	[dreg:$0x7] =	wrdreg s22;
	(pc) =	sbr.rel .LBB2_1-.Ltmp0, $4  }
0x12: {  	s6 =	sadd.s32 s8, s11;
	s24 =	sadd.s32 $0x1800, s10;
	[dreg:$0x8] =	wrdreg s23  }
0x13: {  	s11 =	sor.u32 $0x80, s4;
	[dreg:$0x9] =	wrdreg s24;
	s19 =	sadd.s32 $0x1C00, s10  }
0x14: {  	s20 =	sadd.s32 $0x2000, s10;
	s21 =	sadd.s32 $0x2400, s10;
	s22 =	sadd.s32 $0x2800, s10  }
0x15: {  	s23 =	sadd.s32 $0x2C00, s13;
	s24 =	sadd.s32 $0x9800, s26;
	s26 =	simm.s32 $0x3  }
.LBB2_5:
0x16: {  	[tilespmem:s30], [sflag:$0x1] =	stream.indirect.gather [hbm4b:s2+s29], $0x40, s3, s29, $0xb8;
	[tilespmem:$0x4E00] =	vst v63  }
0x17: {  	_ = 	snop  }
0x18: {  	[tilespmem:s31], [sflag:$0x2] =	stream.indirect.gather [hbm4b:s2+s29], $0x40, s29, s29, $0xb8;
	[tilespmem:$0x4E00] =	vst v63  }
0x19: {  	_ =	swait.ge [sflag:s0], $0x2000  }
0x1a: {  	[sflag:s0] =	ssyncset.done $0x0  }
0x1b: {  	[sflag:s0] =	ssyncadd.s32 $0xFFFFE000  }
0x1c: {  	[hbm4b:s10+s3] =	stream.linear.scatter [tilespmem:s30], [sflag:$0x3], $0x2000, $0x38;
	[tilespmem:$0x4E00] =	vst v63  }
0x1d: {  	_ =	swait.ge [sflag:s26], $0x2000  }
0x1e: {  	[sflag:s26] =	ssyncset.done $0x0  }
0x1f: {  	s7 =	simm.s32 $0x100;
	[sflag:s26] =	ssyncadd.s32 $0xFFFFE000  }
0x20: {  	[tilespmem:s30], [sflag:$0x1] =	stream.indirect.gather [hbm4b:s2+s29], $0x40, s7, s29, $0xb8;
	[tilespmem:$0x4E00] =	vst v63  }
0x21: {  	_ =	swait.ge [sflag:s1], $0x2000  }
0x22: {  	[sflag:s1] =	ssyncset.done $0x0  }
0x23: {  	s15 =	rddreg [dreg:$0x4];
	[sflag:s1] =	ssyncadd.s32 $0xFFFFE000  }
0x24: {  	[hbm4b:s15+s3] =	stream.linear.scatter [tilespmem:s31], [sflag:$0x3], $0x2000, $0x38;
	[tilespmem:$0x4E00] =	vst v63  }
0x25: {  	_ =	swait.ge [sflag:s26], $0x2000  }
0x26: {  	[sflag:s26] =	ssyncset.done $0x0  }
0x27: {  	s17 =	simm.s32 $0x180;
	[sflag:s26] =	ssyncadd.s32 $0xFFFFE000  }
0x28: {  	[tilespmem:s31], [sflag:$0x2] =	stream.indirect.gather [hbm4b:s2+s29], $0x40, s17, s29, $0xb8;
	[tilespmem:$0x4E00] =	vst v63  }
0x29: {  	_ =	swait.ge [sflag:s0], $0x2000  }
0x2a: {  	[sflag:s0] =	ssyncset.done $0x0  }
0x2b: {  	s18 =	rddreg [dreg:$0x5];
	[sflag:s0] =	ssyncadd.s32 $0xFFFFE000  }
0x2c: {  	[hbm4b:s18+s3] =	stream.linear.scatter [tilespmem:s30], [sflag:$0x3], $0x2000, $0x38;
	[tilespmem:$0x4E00] =	vst v63  }
0x2d: {  	_ =	swait.ge [sflag:s26], $0x2000  }
0x2e: {  	[sflag:s26] =	ssyncset.done $0x0  }
0x2f: {  	s8 =	simm.s32 $0x200;
	[sflag:s26] =	ssyncadd.s32 $0xFFFFE000  }
0x30: {  	[tilespmem:s30], [sflag:$0x1] =	stream.indirect.gather [hbm4b:s2+s29], $0x40, s8, s29, $0xb8;
	[tilespmem:$0x4E00] =	vst v63  }
0x31: {  	_ =	swait.ge [sflag:s1], $0x2000  }
0x32: {  	[sflag:s1] =	ssyncset.done $0x0  }
0x33: {  	s13 =	rddreg [dreg:$0x6];
	[sflag:s1] =	ssyncadd.s32 $0xFFFFE000  }
0x34: {  	[hbm4b:s13+s3] =	stream.linear.scatter [tilespmem:s31], [sflag:$0x3], $0x2000, $0x38;
	[tilespmem:$0x4E00] =	vst v63  }
0x35: {  	_ =	swait.ge [sflag:s26], $0x2000  }
0x36: {  	[sflag:s26] =	ssyncset.done $0x0  }
0x37: {  	s14 =	simm.s32 $0x280;
	[sflag:s26] =	ssyncadd.s32 $0xFFFFE000  }
0x38: {  	[tilespmem:s31], [sflag:$0x2] =	stream.indirect.gather [hbm4b:s2+s29], $0x40, s14, s29, $0xb8;
	[tilespmem:$0x4E00] =	vst v63  }
0x39: {  	_ =	swait.ge [sflag:s0], $0x2000  }
0x3a: {  	[sflag:s0] =	ssyncset.done $0x0  }
0x3b: {  	s15 =	rddreg [dreg:$0x7];
	[sflag:s0] =	ssyncadd.s32 $0xFFFFE000  }
0x3c: {  	[hbm4b:s15+s3] =	stream.linear.scatter [tilespmem:s30], [sflag:$0x3], $0x2000, $0x38;
	[tilespmem:$0x4E00] =	vst v63  }
0x3d: {  	_ =	swait.ge [sflag:s26], $0x2000  }
0x3e: {  	[sflag:s26] =	ssyncset.done $0x0  }
0x3f: {  	s17 =	simm.s32 $0x300;
	[sflag:s26] =	ssyncadd.s32 $0xFFFFE000  }
0x40: {  	[tilespmem:s30], [sflag:$0x1] =	stream.indirect.gather [hbm4b:s2+s29], $0x40, s17, s29, $0xb8;
	[tilespmem:$0x4E00] =	vst v63  }
0x41: {  	_ =	swait.ge [sflag:s1], $0x2000  }
0x42: {  	[sflag:s1] =	ssyncset.done $0x0  }
0x43: {  	s18 =	rddreg [dreg:$0x8];
	[sflag:s1] =	ssyncadd.s32 $0xFFFFE000  }
0x44: {  	[hbm4b:s18+s3] =	stream.linear.scatter [tilespmem:s31], [sflag:$0x3], $0x2000, $0x38;
	[tilespmem:$0x4E00] =	vst v63  }
0x45: {  	_ =	swait.ge [sflag:s26], $0x2000  }
0x46: {  	[sflag:s26] =	ssyncset.done $0x0  }
0x47: {  	s8 =	simm.s32 $0x380;
	[sflag:s26] =	ssyncadd.s32 $0xFFFFE000  }
0x48: {  	[tilespmem:s31], [sflag:$0x2] =	stream.indirect.gather [hbm4b:s2+s29], $0x40, s8, s29, $0xb8;
	[tilespmem:$0x4E00] =	vst v63  }
0x49: {  	_ =	swait.ge [sflag:s0], $0x2000  }
0x4a: {  	[sflag:s0] =	ssyncset.done $0x0  }
0x4b: {  	s13 =	rddreg [dreg:$0x9];
	[sflag:s0] =	ssyncadd.s32 $0xFFFFE000  }
0x4c: {  	[hbm4b:s13+s3] =	stream.linear.scatter [tilespmem:s30], [sflag:$0x3], $0x2000, $0x38;
	[tilespmem:$0x4E00] =	vst v63  }
0x4d: {  	_ =	swait.ge [sflag:s26], $0x2000  }
0x4e: {  	[sflag:s26] =	ssyncset.done $0x0  }
0x4f: {  	s14 =	simm.s32 $0x400;
	[sflag:s26] =	ssyncadd.s32 $0xFFFFE000  }
0x50: {  	[tilespmem:s30], [sflag:$0x1] =	stream.indirect.gather [hbm4b:s2+s29], $0x40, s14, s29, $0xb8;
	[tilespmem:$0x4E00] =	vst v63  }
0x51: {  	_ =	swait.ge [sflag:s1], $0x2000  }
0x52: {  	[sflag:s1] =	ssyncset.done $0x0  }
0x53: {  	[sflag:s1] =	ssyncadd.s32 $0xFFFFE000  }
0x54: {  	[hbm4b:s19+s3] =	stream.linear.scatter [tilespmem:s31], [sflag:$0x3], $0x2000, $0x38;
	[tilespmem:$0x4E00] =	vst v63  }
0x55: {  	_ =	swait.ge [sflag:s26], $0x2000  }
0x56: {  	[sflag:s26] =	ssyncset.done $0x0  }
0x57: {  	s15 =	simm.s32 $0x480;
	[sflag:s26] =	ssyncadd.s32 $0xFFFFE000  }
0x58: {  	[tilespmem:s31], [sflag:$0x2] =	stream.indirect.gather [hbm4b:s2+s29], $0x40, s15, s29, $0xb8;
	[tilespmem:$0x4E00] =	vst v63  }
0x59: {  	_ =	swait.ge [sflag:s0], $0x2000  }
0x5a: {  	[sflag:s0] =	ssyncset.done $0x0  }
0x5b: {  	[sflag:s0] =	ssyncadd.s32 $0xFFFFE000  }
0x5c: {  	[hbm4b:s20+s3] =	stream.linear.scatter [tilespmem:s30], [sflag:$0x3], $0x2000, $0x38;
	[tilespmem:$0x4E00] =	vst v63  }
0x5d: {  	_ =	swait.ge [sflag:s26], $0x2000  }
0x5e: {  	[sflag:s26] =	ssyncset.done $0x0  }
0x5f: {  	s17 =	simm.s32 $0x500;
	[sflag:s26] =	ssyncadd.s32 $0xFFFFE000  }
0x60: {  	[tilespmem:s30], [sflag:$0x1] =	stream.indirect.gather [hbm4b:s2+s29], $0x40, s17, s29, $0xb8;
	[tilespmem:$0x4E00] =	vst v63  }
0x61: {  	_ =	swait.ge [sflag:s1], $0x2000  }
0x62: {  	[sflag:s1] =	ssyncset.done $0x0  }
0x63: {  	[sflag:s1] =	ssyncadd.s32 $0xFFFFE000  }
0x64: {  	[hbm4b:s21+s3] =	stream.linear.scatter [tilespmem:s31], [sflag:$0x3], $0x2000, $0x38;
	[tilespmem:$0x4E00] =	vst v63  }
0x65: {  	_ =	swait.ge [sflag:s26], $0x2000  }
0x66: {  	s7 =	smov.u32 s23;
	[sflag:s26] =	ssyncset.done $0x0  }
0x67: {  	s18 =	simm.s32 $0x580;
	s13 =	smov.u32 s22;
	[sflag:s26] =	ssyncadd.s32 $0xFFFFE000  }
0x68: {  	[tilespmem:s31], [sflag:$0x2] =	stream.indirect.gather [hbm4b:s2+s29], $0x40, s18, s29, $0xb8;
	[tilespmem:$0x4E00] =	vst v63  }
.LBB2_6:
0x69: {  	_ =	swait.ge [sflag:s0], $0x2000  }
0x6a: {  	[sflag:s0] =	ssyncset.done $0x0  }
0x6b: {  	[sflag:s0] =	ssyncadd.s32 $0xFFFFE000  }
0x6c: {  	[hbm4b:s13+s3] =	stream.linear.scatter [tilespmem:s30], [sflag:$0x3], $0x2000, $0x38;
	[tilespmem:$0x4E00] =	vst v63  }
0x6d: {  	_ =	swait.ge [sflag:s26], $0x2000  }
0x6e: {  	[sflag:s26] =	ssyncset.done $0x0  }
0x6f: {  	[sflag:s26] =	ssyncadd.s32 $0xFFFFE000  }
0x70: {  	s28 =	sadd.s32 $0x1, s28;
	_ =	swait.ge [sflag:s1], $0x2000  }
0x71: {  	p1 =	sne.s32 s28, s12;
	[sflag:s1] =	ssyncset.done $0x0  }
.Ltmp1:
0x72: {  	s7 =	sadd.s32 s5, s7;
	[sflag:s1] =	ssyncadd.s32 $0xFFFFE000;
	(pc) =	sbr.rel @!p1 .LBB2_7-.Ltmp1, $4  }
0x73: {  	[hbm4b:s7+s3] =	stream.linear.scatter [tilespmem:s31], [sflag:$0x3], $0x2000, $0x38;
	[tilespmem:$0x4E00] =	vst v63  }
0x74: {  	_ =	swait.ge [sflag:s26], $0x2000  }
0x75: {  	[sflag:s26] =	ssyncset.done $0x0  }
0x76: {  	[sflag:s26] =	ssyncadd.s32 $0xFFFFE000  }
.LBB2_1:
.Ltmp2:
0x77: {  	(pc) =	sbr.rel @p0 .LBB2_5-.Ltmp2, $4  }
0x78: {  	[tilespmem:s3], [sflag:$0x3] =	stream.linear.gather [hbm4b:s6+s3], $0xA00, $0x38;
	[tilespmem:$0x4E00] =	vst v63  }
0x79: {  	_ =	swait.ge [sflag:s26], $0xA00  }
0x7a: {  	[sflag:s26] =	ssyncset.done $0x0  }
0x7b: {  	[sflag:s26] =	ssyncadd.s32 $0xFFFFF600  }
0x7c: {  	s7 =	simm.s32 $0x0;
	s8 =	rddreg [dreg:$0x3];
	s13 =	simm.s32 $0xA00  }
0x7d: {  	[tilespmem:s13], [sflag:$0x3] =	stream.linear.gather [hbm4b:s8+s7], $0x400, $0x38;
	[tilespmem:$0x4E00] =	vst v63  }
0x7e: {  	_ =	swait.ge [sflag:s26], $0x400  }
0x7f: {  	p1 =	por $0x1, $0x1;
	s13 =	smov.u32 s16;
	[sflag:s26] =	ssyncset.done $0x0  }
0x80: {  	s13 =	smov.u32 @p1 s4;
	[sflag:s26] =	ssyncadd.s32 $0xFFFFFC00  }
0x81: {  	[tilespmem:s30], [sflag:$0x1] =	stream.indirect.gather [hbm4b:s2+s29], $0x40, s7, s29, $0xb8;
	[tilespmem:$0x4E00] =	vst v63  }
0x82: {  	s13 =	sadd.s32 $0x0, s13  }
0x83: {  	[tilespmem:s31], [sflag:$0x2] =	stream.indirect.gather [hbm4b:s2+s29], $0x40, s29, s29, $0xb8;
	[tilespmem:$0x4E00] =	vst v63  }
0x84: {  	s13 =	sshll.u32 s13, $0x3;
	_ =	swait.ge [sflag:s0], $0x2000  }
0x85: {  	s13 =	sand.u32 $0x1FFFF800, s13;
	[sflag:s0] =	ssyncset.done $0x0  }
0x86: {  	s13 =	sadd.s32 s5, s13;
	[sflag:s0] =	ssyncadd.s32 $0xFFFFE000  }
0x87: {  	[hbm4b:s13+s3] =	stream.linear.scatter [tilespmem:s30], [sflag:$0x3], $0x2000, $0x38;
	[tilespmem:$0x4E00] =	vst v63  }
0x88: {  	s13 =	smov.u32 s9;
	_ =	swait.ge [sflag:s26], $0x2000  }
0x89: {  	s13 =	smov.u32 @p1 s11;
	[sflag:s26] =	ssyncset.done $0x0  }
0x8a: {  	s14 =	simm.s32 $0x100;
	s13 =	sadd.s32 $0x0, s13;
	[sflag:s26] =	ssyncadd.s32 $0xFFFFE000  }
0x8b: {  	[tilespmem:s30], [sflag:$0x1] =	stream.indirect.gather [hbm4b:s2+s29], $0x40, s14, s29, $0xb8;
	[tilespmem:$0x4E00] =	vst v63  }
0x8c: {  	s13 =	sshll.u32 s13, $0x3;
	_ =	swait.ge [sflag:s1], $0x2000  }
0x8d: {  	s13 =	sand.u32 $0x1FFFFC00, s13;
	[sflag:s1] =	ssyncset.done $0x0  }
0x8e: {  	s15 =	simm.s32 $0x2;
	s13 =	sadd.s32 s5, s13;
	[sflag:s1] =	ssyncadd.s32 $0xFFFFE000  }
0x8f: {  	[hbm4b:s13+s3] =	stream.linear.scatter [tilespmem:s31], [sflag:$0x3], $0x2000, $0x38;
	[tilespmem:$0x4E00] =	vst v63  }
0x90: {  	p1 =	por $0x1, $0x1;
	s14 =	simm.s32 $0x180;
	s13 =	simm.s32 $0x280  }
.LBB2_3:
0x91: {  	s8 =	smov.u32 s16;
	s7 =	sadd.s32 $0x100, s7  }
0x92: {  	s17 =	smov.u32 s15;
	s18 =	sadd.s32 $0x1, s15;
	s8 =	smov.u32 @p1 s4  }
0x93: {  	p2 =	seq.s32 s15, $0xC;
	s8 =	sadd.s32 s7, s8;
	_ =	swait.ge [sflag:s26], $0x2000  }
0x94: {  	s8 =	sshll.u32 s8, $0x3;
	[sflag:s26] =	ssyncset.done $0x0  }
0x95: {  	s8 =	sand.u32 $0x1FFFF800, s8;
	[sflag:s26] =	ssyncadd.s32 $0xFFFFE000  }
0x96: {  	[tilespmem:s31], [sflag:$0x2] =	stream.indirect.gather [hbm4b:s2+s29], $0x40, s14, s29, $0xb8;
	[tilespmem:$0x4E00] =	vst v63  }
0x97: {  	s14 =	smov.u32 s13;
	_ =	swait.ge [sflag:s0], $0x2000  }
0x98: {  	[sflag:s0] =	ssyncset.done $0x0  }
0x99: {  	s8 =	sadd.s32 s5, s8;
	[sflag:s0] =	ssyncadd.s32 $0xFFFFE000  }
0x9a: {  	[hbm4b:s8+s3] =	stream.linear.scatter [tilespmem:s30], [sflag:$0x3], $0x2000, $0x38;
	[tilespmem:$0x4E00] =	vst v63  }
0x9b: {  	s8 =	smov.u32 s9;
	_ =	swait.ge [sflag:s26], $0x2000  }
0x9c: {  	s8 =	smov.u32 @p1 s11;
	[sflag:s26] =	ssyncset.done $0x0  }
0x9d: {  	s15 =	sadd.s32 $0xFFFFFF80, s13;
	s8 =	sadd.s32 s7, s8;
	[sflag:s26] =	ssyncadd.s32 $0xFFFFE000  }
0x9e: {  	[tilespmem:s30], [sflag:$0x1] =	stream.indirect.gather [hbm4b:s2+s29], $0x40, s15, s29, $0xb8;
	[tilespmem:$0x4E00] =	vst v63  }
.Ltmp3:
0x9f: {  	_ = 	snop;
	(pc) =	sbr.rel @!p2 .LBB2_3-.Ltmp3, $4  }
0xa0: {  	s13 =	sadd.s32 $0x100, s13;
	s8 =	sshll.u32 s8, $0x3;
	_ =	swait.ge [sflag:s1], $0x2000  }
0xa1: {  	p1 =	slt.u32 s17, $0xA;
	s8 =	sand.u32 $0x1FFFFC00, s8;
	[sflag:s1] =	ssyncset.done $0x0  }
0xa2: {  	s15 =	smov.u32 s18;
	s8 =	sadd.s32 s5, s8;
	[sflag:s1] =	ssyncadd.s32 $0xFFFFE000  }
0xa3: {  	[hbm4b:s8+s3] =	stream.linear.scatter [tilespmem:s31], [sflag:$0x3], $0x2000, $0x38;
	[tilespmem:$0x4E00] =	vst v63  }
0xa4: {  	s8 =	smov.u32 s16;
	_ =	swait.ge [sflag:s26], $0x2000  }
0xa5: {  	s7 =	sadd.s32 $0x100, s7;
	s8 =	smov.u32 @p1 s4;
	[sflag:s26] =	ssyncset.done $0x0  }
0xa6: {  	s8 =	sadd.s32 s7, s8;
	[sflag:s26] =	ssyncadd.s32 $0xFFFFE000  }
0xa7: {  	[tilespmem:s31], [sflag:$0x2] =	stream.indirect.gather [hbm4b:s2+s29], $0x40, s14, s29, $0xb8;
	[tilespmem:$0x4E00] =	vst v63  }
0xa8: {  	s8 =	sshll.u32 s8, $0x3;
	_ =	swait.ge [sflag:s0], $0x2000  }
0xa9: {  	s8 =	sand.u32 $0x1FFFF800, s8;
	[sflag:s0] =	ssyncset.done $0x0  }
0xaa: {  	s8 =	sadd.s32 s5, s8;
	[sflag:s0] =	ssyncadd.s32 $0xFFFFE000  }
0xab: {  	[hbm4b:s8+s3] =	stream.linear.scatter [tilespmem:s30], [sflag:$0x3], $0x2000, $0x38;
	[tilespmem:$0x4E00] =	vst v63  }
0xac: {  	s8 =	smov.u32 s9;
	_ =	swait.ge [sflag:s26], $0x2000  }
0xad: {  	s8 =	smov.u32 @p1 s11;
	[sflag:s26] =	ssyncset.done $0x0  }
0xae: {  	s18 =	sadd.s32 $0xFFFFFF80, s13;
	s7 =	sadd.s32 s7, s8;
	[sflag:s26] =	ssyncadd.s32 $0xFFFFE000  }
0xaf: {  	[tilespmem:s30], [sflag:$0x1] =	stream.indirect.gather [hbm4b:s2+s29], $0x40, s18, s29, $0xb8;
	[tilespmem:$0x4E00] =	vst v63  }
0xb0: {  	s7 =	sshll.u32 s7, $0x3;
	_ =	swait.ge [sflag:s1], $0x2000  }
0xb1: {  	s7 =	sand.u32 $0x1FFFFC00, s7;
	[sflag:s1] =	ssyncset.done $0x0  }
0xb2: {  	s7 =	sadd.s32 s5, s7;
	[sflag:s1] =	ssyncadd.s32 $0xFFFFE000  }
0xb3: {  	[hbm4b:s7+s3] =	stream.linear.scatter [tilespmem:s31], [sflag:$0x3], $0x2000, $0x38;
	[tilespmem:$0x4E00] =	vst v63  }
.Ltmp4:
0xb4: {  	_ =	swait.ge [sflag:s26], $0x2000;
	(pc) =	sbr.rel .LBB2_6-.Ltmp4, $4  }
0xb5: {  	[sflag:s26] =	ssyncset.done $0x0  }
0xb6: {  	[sflag:s26] =	ssyncadd.s32 $0xFFFFE000  }
0xb7: {  	[tilespmem:s31], [sflag:$0x2] =	stream.indirect.gather [hbm4b:s2+s29], $0x40, s13, s29, $0xb8;
	[tilespmem:$0x4E00] =	vst v63  }
0xb8: {  	s7 =	smov.u32 s25;
	s13 =	smov.u32 s24  }
.LBB2_7:
0xb9: {  	_ =	sfence.sel $0x180000  }
0xba: {  	[bflag:$0x0] =	sbarrier.arrive $0xFFFF  }
0xbb: {  	_ =	strace $0x90000047  }
0xbc: {  	s0 =	stileid.u32;
	[bflag:$0x2] =	sbarrier.arrive $0xFFFF  }
0xbd: {  	p0 =	sne.s32 s0, $0x0;
	s0 =	rddreg [dreg:$0x2]  }
0xbe: {  	s0 =	sadd.s32 @!p0 $0x100000, s0  }
0xbf: {  	[sflag:s0] =	ssyncadd.tile.s32 @!p0 $0x1;
	_ =	shalt  }
.Lfunc_end2:
_tile_overlayer_lowered:
.L_overlay_start_2:
0xc0: {  	(tag) =	ssettag $0x2  }
0xc1: {  	s0 =	rddreg [dreg:$0x0];
	s2 =	stileid.u32  }
0xc2: {  	s1 =	rddreg [dreg:$0x1];
	p0 =	sne.s32 s2, $0x0  }
0xc3: {  	s3 =	rddreg [dreg:$0x2];
	[bflag:$0x3] =	sbarrier.arrive $0xFFFF;
	s2 =	simm.s32 @!p0 $0x1C03  }
0xc4: {  	[timem:s3], [sflag:s2] =	dma.local @!p0 [hbm:s0], s1  }
0xc5: {  	s0 =	simm.s32 @!p0 $0x3  }
0xc6: {  	_ =	swait.ge @!p0 [sflag:s0], s1  }
0xc7: {  	s1 =	ssub.s32 @!p0 $0x0, s1;
	[sflag:s0] =	ssyncset.done @!p0 $0x0  }
0xc8: {  	[sflag:s0] =	ssyncadd.s32 @!p0 s1  }
0xc9: {  	[bflag:$0x3] =	sbarrier.arrive $0xFFFF  }
0xca: {  	_ =	shalt  }

// kernel: kernel.15.cloned.1.call-start
scs
__scs_entry_jumppad:
0x0: {  	(pc) =	sbr.rel $0x88, $3  }
0x1: {  	(tag) =	ssettag $0x0;
	lr =	simm.s32 $0x1  }
0x2: {  	[smem:$0x3F9C] =	sst lr;
	_ =	strace $0xD0000000  }
0x3: {  	_ = 	snop  }
0x4: {  	_ = 	snop  }
0x5: {  	_ = 	snop  }
0x6: {  	_ = 	snop  }
0x7: {  	_ = 	snop  }
__scs_overlays_trampoline_lowered:
0x8: {  	[smem:$0x3FAB] =	sst s0  }
0x9: {  	[smem:$0x3FAC] =	sst s1  }
0xa: {  	[smem:$0x3FAD] =	sst s2  }
0xb: {  	[smem:$0x3FAE] =	sst s3  }
0xc: {  	[smem:$0x3FAF] =	sst s4  }
0xd: {  	[smem:$0x3FB0] =	sst s5  }
0xe: {  	[smem:$0x3FB1] =	sst s6  }
0xf: {  	[smem:$0x3FB2] =	sst s7  }
0x10: {  	[smem:$0x3FB3] =	sst s8  }
0x11: {  	[smem:$0x3FB4] =	sst s9;
	s0 =	simm.s32 @!p0 $0x0  }
0x12: {  	s1 =	sld [smem:$0x3F9A];
	s0 =	simm.s32 @p0 $0x1  }
0x13: {  	[smem:$0x3FB5] =	sst s0;
	s0 =	simm.s32 @!p1 $0x0  }
0x14: {  	s2 =	sld [smem:$0x3F99];
	s0 =	simm.s32 @p1 $0x1  }
0x15: {  	[smem:$0x3FB6] =	sst s0;
	s0 =	simm.s32 @!p2 $0x0  }
0x16: {  	s3 =	sld [smem:$0x3FDB];
	s0 =	simm.s32 @p2 $0x1  }
0x17: {  	s4 =	simm.s32 $0x1BF5;
	[smem:$0x3FB8] =	sst s0  }
0x18: {  	s0 =	sld [smem:$0x3F9B];
	_ =	swait.ge [sflag:s4], $0x0  }
0x19: {  	s7 =	sld [smem:$0x3F9C]  }
0x1a: {  	s8 =	sadd.s32 $0xFFFFE003, lr  }
0x1b: {  	s9 =	sadd.s32 $0xFFFFFEF7, lr;
	s5 =	simm.s32 $0xFFFFFFFF;
	p2 =	slt.u32 s8, $0xFFFFF086  }
0x1c: {  	p1 =	slt.u32 s9, $0xF7A;
	s5 =	simm.s32 @!p2 $0x0  }
0x1d: {  	s5 =	simm.s32 @p1 $0x1;
	p0 =	seq.s32 s7, s2  }
0x1e: {  	s7 =	smul.u32 @!p0 $0xF7A, s2;
	p2 =	seq.s32 @!p0 s5, $0x0  }
0x1f: {  	s9 =	smul.u32 $0xF7A, s1;
	s8 =	simm.s32 @!p0 $0x1BF5;
	p2 =	por !p2, p0  }
0x20: {  	[sflag:s8] =	ssyncset.s32 @!p0 $0xFFFFF086;
	s6 =	sadd.s32 @!p0 s3, s7;
	s7 =	simm.s32 @!p0 $0x108  }
0x21: {  	s3 =	sadd.s32 s3, s9;
	s6 =	sadd.s32 @!p0 $0x88, s6;
	s7 =	simm.s32 @p2 $0x1082  }
0x22: {  	[simem:s7], [sflag:s8] =	dma.local @!p0 [hbm:s6], $0xF7A  }
0x23: {  	s9 =	sor.u32 $0xD0000000, s2;
	s6 =	simm.s32 $0x108;
	_ =	swait.ge @!p0 [sflag:s8], $0x0  }
0x24: {  	s3 =	sadd.s32 $0x88, s3;
	s6 =	simm.s32 @!p1 $0x1082;
	[sflag:s4] =	ssyncset.s32 $0xFFFFF086  }
0x25: {  	[simem:s6], [sflag:s4] =	dma.local [hbm:s3], $0xF7A  }
0x26: {  	[smem:$0x3F9C] =	sst s1;
	(tag) =	ssettag s2;
	_ =	strace s9  }
0x27: {  	s1 =	sld [smem:$0x3FAC]  }
0x28: {  	s2 =	sld [smem:$0x3FAD]  }
0x29: {  	s4 =	sld [smem:$0x3FAF]  }
0x2a: {  	p0 =	seq.s32 s5, $0x0;
	s5 =	sld [smem:$0x3FB0]  }
0x2b: {  	s6 =	sld [smem:$0x3FB1]  }
0x2c: {  	s7 =	sld [smem:$0x3FB2]  }
0x2d: {  	s3 =	simm.s32 $0x108;
	s8 =	sld [smem:$0x3FB3]  }
0x2e: {  	s3 =	simm.s32 @!p0 $0x1082;
	s9 =	sld [smem:$0x3FB4]  }
0x2f: {  	lr =	sadd.s32 s0, s3;
	s0 =	sld [smem:$0x3FAB]  }
0x30: {  	s3 =	sld [smem:$0x3FAE]  }
0x31: {  	[smem:$0x3FB7] =	sst s10  }
0x32: {  	s10 =	sld [smem:$0x3FB5];
	_ =	sdelay $0x3  }
0x33: {  	p0 =	seq.s32 s10, $0x1;
	s10 =	sld [smem:$0x3FB7];
	_ =	sdelay $0x3  }
0x34: {  	[smem:$0x3FB7] =	sst s10  }
0x35: {  	s10 =	sld [smem:$0x3FB6];
	_ =	sdelay $0x3  }
0x36: {  	p1 =	seq.s32 s10, $0x1;
	s10 =	sld [smem:$0x3FB7];
	_ =	sdelay $0x3  }
0x37: {  	[smem:$0x3FB7] =	sst s10  }
0x38: {  	s10 =	sld [smem:$0x3FB8]  }
0x39: {  	_ = 	snop;
	(pc) =	sbr.ind lr, $3  }
0x3a: {  	_ = 	snop  }
0x3b: {  	_ = 	snop  }
0x3c: {  	p2 =	seq.s32 s10, $0x1;
	s10 =	sld [smem:$0x3FB7]  }
0x3d: {  	_ =	shalt  }
0x3e: {  	_ =	shalt  }
0x3f: {  	_ =	shalt  }
0x40: {  	_ =	shalt  }
0x41: {  	_ =	shalt  }
0x42: {  	_ =	shalt  }
0x43: {  	_ =	shalt  }
0x44: {  	_ =	shalt  }
0x45: {  	_ =	shalt  }
0x46: {  	_ =	shalt  }
0x47: {  	_ =	shalt  }
0x48: {  	_ =	shalt  }
0x49: {  	_ =	shalt  }
0x4a: {  	_ =	shalt  }
0x4b: {  	_ =	shalt  }
0x4c: {  	_ =	shalt  }
0x4d: {  	_ =	shalt  }
0x4e: {  	_ =	shalt  }
0x4f: {  	_ =	shalt  }
0x50: {  	_ =	shalt  }
0x51: {  	_ =	shalt  }
0x52: {  	_ =	shalt  }
0x53: {  	_ =	shalt  }
0x54: {  	_ =	shalt  }
0x55: {  	_ =	shalt  }
0x56: {  	_ =	shalt  }
0x57: {  	_ =	shalt  }
0x58: {  	_ =	shalt  }
0x59: {  	_ =	shalt  }
0x5a: {  	_ =	shalt  }
0x5b: {  	_ =	shalt  }
0x5c: {  	_ =	shalt  }
0x5d: {  	_ =	shalt  }
0x5e: {  	_ =	shalt  }
0x5f: {  	_ =	shalt  }
0x60: {  	_ =	shalt  }
0x61: {  	_ =	shalt  }
0x62: {  	_ =	shalt  }
0x63: {  	_ =	shalt  }
0x64: {  	_ =	shalt  }
0x65: {  	_ =	shalt  }
0x66: {  	_ =	shalt  }
0x67: {  	_ =	shalt  }
0x68: {  	_ =	shalt  }
0x69: {  	_ =	shalt  }
0x6a: {  	_ =	shalt  }
0x6b: {  	_ =	shalt  }
0x6c: {  	_ =	shalt  }
0x6d: {  	_ =	shalt  }
0x6e: {  	_ =	shalt  }
0x6f: {  	_ =	shalt  }
0x70: {  	_ =	shalt  }
0x71: {  	_ =	shalt  }
0x72: {  	_ =	shalt  }
0x73: {  	_ =	shalt  }
0x74: {  	_ =	shalt  }
0x75: {  	_ =	shalt  }
0x76: {  	_ =	shalt  }
0x77: {  	_ =	shalt  }
0x78: {  	_ =	shalt  }
0x79: {  	_ =	shalt  }
0x7a: {  	_ =	shalt  }
0x7b: {  	_ =	shalt  }
0x7c: {  	_ =	shalt  }
0x7d: {  	_ =	shalt  }
0x7e: {  	_ =	shalt  }
0x7f: {  	_ =	shalt  }
0x80: {  	_ =	shalt  }
0x81: {  	_ =	shalt  }
0x82: {  	_ =	shalt  }
0x83: {  	_ =	shalt  }
0x84: {  	_ =	shalt  }
0x85: {  	_ =	shalt  }
0x86: {  	_ =	shalt  }
0x87: {  	_ =	shalt  }
.Lfunc_end0:
.L_simem_size_0:
called_computation.2_lowered:
.L_overlay_start_0:
0x88: {  	s2 =	sld [smem:$0x3FD9]  }
0x89: {  	s3 =	sld [smem:$0x3FFE];
	_ =	sdelay $0x1  }
0x8a: {  	s1 =	srdreg.scid  }
0x8b: {  	s0 =	sand.u32 $0x1, s1  }
0x8c: {  	s17 =	sshll.u32 s0, $0xA;
	s2 =	sadd.s32 s3, s2  }
0x8d: {  	s2 =	sadd.s32 s2, s17  }
0x8e: {  	[smem:$0x3FC3] =	sst s2  }
0x8f: {  	_ = 	snop  }
0x90: {  	(tm) =	ssettm $0x1  }
0x91: {  	s18 =	sld [smem:$0x3FFB];
	_ =	sdelay $0x3  }
0x92: {  	_ =	strace s18  }
0x93: {  	s2 =	sld [smem:$0x3FFC];
	_ =	sdelay $0x3  }
0x94: {  	_ =	strace s2  }
0x95: {  	s2 =	sld [smem:$0x3FFD];
	_ =	sdelay $0x3  }
0x96: {  	_ =	strace s2  }
0x97: {  	_ =	strace $0x8FFFFFFF  }
0x98: {  	s19 =	sld [smem:$0x3FDB];
	_ =	sdelay $0x1  }
0x99: {  	s20 =	simm.s32 $_scs_section_size  }
0x9a: {  	s4 =	simm.s32 $_size__tile_overlayer_lowered;
	s5 =	simm.s32 $_tile_overlayer_lowered  }
0x9b: {  	s6 =	simm.s32 $0x1BFF;
	s21 =	sshll.u32 s5, $0x1;
	s3 =	sadd.s32 s20, s19  }
0x9c: {  	s22 =	simm.s32 $0x0;
	s4 =	sshll.u32 s4, $0x1;
	s5 =	sadd.s32 s21, s3  }
0x9d: {  	[timem:s22], [sflag:s6] =	dma.local [hbm:s5], s4  }
0x9e: {  	_ =	swait.ge [sflag:s6], s4  }
0x9f: {  	s4 =	ssub.s32 $0x0, s4;
	[sflag:s6] =	ssyncset.done $0x0  }
0xa0: {  	[sflag:s6] =	ssyncadd.s32 s4;
	_ =	sdelay $0x1  }
0xa1: {  	s23 =	simm.s32 $0x1B8B  }
0xa2: {  	_ =	swait.ge [sflag:s23], $0x1  }
0xa3: {  	[sflag:s23] =	ssyncset.done $0x0  }
0xa4: {  	[sflag:s23] =	ssyncadd.s32 $0xFFFFFFFF  }
0xa5: {  	s4 =	sld [smem:$0x0]  }
0xa6: {  	s5 =	sand.u32 $0xFFFFFFFE, s1  }
0xa7: {  	p0 =	sne.s32 s1, s5  }
0xa8: {  	s5 =	sshll.u32 @p0 s5, $0xE  }
0xa9: {  	s5 =	sadd.s32 @p0 $0x11B8D, s5;
	s6 =	sshll.u32 @p0 s4, $0x11  }
0xaa: {  	s5 =	sor.u32 @p0 s6, s5  }
0xab: {  	[sflag:s5] =	ssyncadd.remote.s32 @p0 $0x1;
	_ =	sdelay $0x1  }
0xac: {  	s5 =	simm.s32 @p0 $0x1B8D  }
0xad: {  	_ =	swait.eq @p0 [sflag:s5], $0x1  }
0xae: {  	[sflag:s5] =	ssyncadd.s32 @p0 $0xFFFFFFFF  }
0xaf: {  	s6 =	sshll.u32 @!p0 s1, $0xE  }
0xb0: {  	s6 =	sor.u32 @!p0 $0x4000, s6;
	s5 =	simm.s32 @!p0 $0x1B8D  }
0xb1: {  	s4 =	sshll.u32 @!p0 s4, $0x11;
	s6 =	sadd.s32 @!p0 $0x11B8D, s6;
	_ =	swait.eq @!p0 [sflag:s5], $0x1  }
0xb2: {  	s4 =	sor.u32 @!p0 s4, s6;
	[sflag:s5] =	ssyncadd.s32 @!p0 $0xFFFFFFFF  }
0xb3: {  	s25 =	simm.s32 $0x1B8E;
	s24 =	sld [smem:$0x3FFE];
	[sflag:s4] =	ssyncadd.remote.s32 @!p0 $0x1  }
0xb4: {  	s26 =	simm.s32 $execute0_lowered;
	[smem:$0x3FD2] =	sst s25  }
0xb5: {  	s5 =	sshll.u32 s26, $0x1;
	_ =	strace $0x8000004F;
	[dreg:$0x1] =	wrdreg $0xFFFFFFFF  }
0xb6: {  	s28 =	simm.s32 $_size_execute0_lowered;
	s3 =	sadd.s32 s3, s5;
	[dreg:$0x0] =	wrdreg $0x0  }
0xb7: {  	s5 =	sshll.u32 s28, $0x1;
	[dreg:$0x2] =	wrdreg s3  }
0xb8: {  	[dreg:$0x3] =	wrdreg s5  }
0xb9: {  	[dreg:$0x4] =	wrdreg $0xC0  }
0xba: {  	_ =	task [dreg:s22], $0x5FFFF  }
0xbb: {  	[dreg:$0x1] =	wrdreg $0xFFFFFFFF  }
0xbc: {  	[dreg:$0x0] =	wrdreg $0x60  }
0xbd: {  	[dreg:$0x2] =	wrdreg s24  }
0xbe: {  	[dreg:$0x3] =	wrdreg $0x8C000  }
0xbf: {  	[dreg:$0x4] =	wrdreg $0x9  }
0xc0: {  	_ =	task.clear_ibuf [dreg:s22], $0x5FFFF;
	_ =	strace $0x9000004F  }
0xc1: {  	s29 =	simm.s32 $0x9;
	_ =	strace $0x80000051  }
0xc2: {  	_ =	swait.ge [sflag:s29], $0x1  }
0xc3: {  	[sflag:s29] =	ssyncadd.s32 $0xFFFFFFFF  }
0xc4: {  	_ =	strace $0x90000051  }
0xc5: {  	_ =	sfence  }
0xc6: {  	s30 =	sld [smem:$0x0];
	_ =	sdelay $0x2  }
0xc7: {  	s31 =	sshll.u32 s1, $0xD;
	s1 =	sshrl.u32 s1, $0x2  }
0xc8: {  	s4 =	sand.u32 $0x4000, s31;
	s1 =	sadd.s32 s1, s30  }
0xc9: {  	s0 =	sor.u32 s4, s0;
	s1 =	sshll.u32 s1, $0x11  }
0xca: {  	s0 =	sor.u32 s1, s0  }
0xcb: {  	s0 =	sadd.s32 $0x8F2B, s0  }
0xcc: {  	[sflag:s0] =	ssyncadd.remote.s32 $0x1  }
0xcd: {  	_ =	sfence.sel $0xFFFF  }
0xce: {  	[dreg:$0x0] =	wrdreg $0xFFFFFFFF;
	(pc) =	sbr.abs _section_cstart, $3  }
0xcf: {  	[dreg:$0x1] =	wrdreg $0xFFFFFFFF  }
0xd0: {  	_ =	task.clear_ibuf [dreg:s22], $0x2FFFF;
	_ =	strace $0x9FFFFFFF  }
0xd1: {  	(tm) =	ssettm $0x7FFFFFFF  }
tec
execute0_lowered:
.L_overlay_start_1:
0x0: {  	(tag) =	ssettag $0x1  }
0x1: {  	s1 =	srdreg.scid;
	s5 =	rddreg [dreg:$0x0]  }
0x2: {  	s0 =	stileid.u32;
	s2 =	rddreg [dreg:$0x1]  }
0x3: {  	s3 =	simm.s32 $0x0;
	s16 =	simm.s32 $0x4C00;
	s17 =	simm.s32 $0x1  }
0x4: {  	s18 =	simm.s32 $0x80;
	s19 =	simm.s32 $0x2;
	s20 =	simm.s32 $0x900  }
0x5: {  	s21 =	simm.s32 $0x980;
	s4 =	sand.u32 $0x1, s1;
	s8 =	smul.u32 $0x14000, s0  }
0x6: {  	s22 =	sshll.u32 s0, $0x1;
	s1 =	rddreg [dreg:$0x2];
	s11 =	smul.u32 $0x50000, s0  }
0x7: {  	[smem:$0x7FF] =	sst s3;
	s12 =	sadd.s32 $0x3CC800, s5;
	s26 =	smul.u32 $0xA0000, s0  }
0x8: {  	s28 =	sshll.u32 s0, $0x6;
	s6 =	sor.u32 s4, s22;
	s9 =	smul.u32 $0x140000, s4  }
0x9: {  	_ =	strace $0x80000050;
	s23 =	ssub.s32 $0x2, s4;
	s29 =	smul.u32 $0x50000, s4  }
0xa: {  	s22 =	simm.s32 $0x0;
	s7 =	smul.u32 $0x180, s6;
	s10 =	sshrl.u32 s8, $0x3  }
0xb: {  	s24 =	sshrl.u32 s23, $0x1;
	s6 =	smul.u32 $0xA000, s6;
	s25 =	sshrl.u32 s11, $0x2  }
0xc: {  	s10 =	sadd.s32 s10, s5;
	s8 =	sadd.s32 s8, s9;
	s14 =	ssub.s32 s23, s24  }
0xd: {  	s15 =	sadd.s32 s25, s2;
	s30 =	sadd.s32 s29, s26;
	s7 =	sadd.s32 s7, s5  }
0xe: {  	s8 =	sshrl.u32 s8, $0x3;
	s4 =	sadd.s32 $0x1800, s10;
	s6 =	sadd.s32 s12, s6  }
0xf: {  	s11 =	sor.u32 $0xC000, s30;
	s31 =	sor.u32 $0x8000, s30;
	s10 =	smax.u32 s14, $0x1  }
0x10: {  	s14 =	simm.s32 $0x3;
	s13 =	sadd.s32 s8, s5;
	s5 =	sor.u32 $0x1C03, s28  }
0x11: {  	s7 =	sadd.s32 $0x149800, s7;
	s8 =	sadd.s32 $0x800, s6;
	s11 =	sshrl.u32 s11, $0x3  }
0x12: {  	s9 =	sadd.s32 $0x79800, s13;
	s13 =	sshrl.u32 s31, $0x3;
	s11 =	sadd.s32 s11, s12  }
0x13: {  	s12 =	sadd.s32 s13, s12;
	s13 =	sshrl.u32 s15, $0x3;
	s15 =	simm.s32 $0xC00  }
.LBB2_1:
0x14: {  	[spmem:s13], [sflag:s5] =	dma.local [hbm:s4], $0x2800  }
0x15: {  	_ =	swait.ge [sflag:s14], $0x2800  }
0x16: {  	[sflag:s14] =	ssyncset.done $0x0  }
0x17: {  	[sflag:s14] =	ssyncadd.s32 $0xFFFFD800  }
0x18: {  	[tilespmem:s3], [sflag:$0x3] =	stream.linear.gather [hbm4b:s7+s3], $0xA00, $0x38;
	[tilespmem:$0x1CC00] =	vst v63  }
0x19: {  	_ =	swait.ge [sflag:s14], $0xA00  }
0x1a: {  	[sflag:s14] =	ssyncset.done $0x0  }
0x1b: {  	[sflag:s14] =	ssyncadd.s32 $0xFFFFF600  }
0x1c: {  	[bflag:$0x0] =	sbarrier.arrive $0xFFFF  }
0x1d: {  	[tilespmem:s15], [sflag:$0x1] =	stream.linear.gather [hbm4b:s6+s3], $0x4000, $0x38;
	[tilespmem:$0x1CC00] =	vst v63  }
0x1e: {  	_ = 	snop  }
0x1f: {  	[tilespmem:s16], [sflag:$0x2] =	stream.linear.gather [hbm4b:s8+s3], $0x4000, $0x38;
	[tilespmem:$0x1CC00] =	vst v63  }
0x20: {  	_ =	swait.ge [sflag:s17], $0x4000  }
0x21: {  	[sflag:s17] =	ssyncset.done $0x0  }
0x22: {  	s23 =	simm.s32 $0x0;
	[sflag:s17] =	ssyncadd.s32 $0xFFFFC000  }
0x23: {  	[spmem:s2] =	stream.indirect.scatter.add.f32 [tilespmem:s15], [sflag:$0x3], $0x80, s23, s18, $0xb8;
	[tilespmem:$0x1CC00] =	vst v63  }
0x24: {  	_ =	swait.ge [sflag:s14], $0x4000  }
0x25: {  	[sflag:s14] =	ssyncset.done $0x0  }
0x26: {  	s31 =	sadd.s32 $0x0, s12;
	[sflag:s14] =	ssyncadd.s32 $0xFFFFC000  }
0x27: {  	[tilespmem:s15], [sflag:$0x1] =	stream.linear.gather [hbm4b:s31+s3], $0x4000, $0x38;
	[tilespmem:$0x1CC00] =	vst v63  }
0x28: {  	_ =	swait.ge [sflag:s19], $0x4000  }
0x29: {  	[sflag:s19] =	ssyncset.done $0x0  }
0x2a: {  	[sflag:s19] =	ssyncadd.s32 $0xFFFFC000  }
0x2b: {  	[spmem:s2] =	stream.indirect.scatter.add.f32 [tilespmem:s16], [sflag:$0x3], $0x80, s18, s18, $0xb8;
	[tilespmem:$0x1CC00] =	vst v63  }
0x2c: {  	_ =	swait.ge [sflag:s14], $0x4000  }
0x2d: {  	s25 =	sadd.s32 $0x0, s11;
	[sflag:s14] =	ssyncset.done $0x0  }
0x2e: {  	s24 =	simm.s32 $0x180;
	s23 =	simm.s32 $0x1000;
	[sflag:s14] =	ssyncadd.s32 $0xFFFFC000  }
.LBB2_2:
0x2f: {  	[tilespmem:s16], [sflag:$0x2] =	stream.linear.gather [hbm4b:s25+s3], $0x4000, $0x38;
	[tilespmem:$0x1CC00] =	vst v63  }
0x30: {  	s25 =	smov.u32 s23  }
0x31: {  	p0 =	sne.s32 s23, $0x8000;
	s23 =	sadd.s32 $0x1000, s23;
	_ =	swait.ge [sflag:s17], $0x4000  }
0x32: {  	[sflag:s17] =	ssyncset.done $0x0  }
0x33: {  	s26 =	sadd.s32 $0xFFFFFF80, s24;
	[sflag:s17] =	ssyncadd.s32 $0xFFFFC000  }
0x34: {  	[spmem:s2] =	stream.indirect.scatter.add.f32 [tilespmem:s15], [sflag:$0x3], $0x80, s26, s18, $0xb8;
	[tilespmem:$0x1CC00] =	vst v63  }
0x35: {  	_ =	swait.ge [sflag:s14], $0x4000  }
0x36: {  	[sflag:s14] =	ssyncset.done $0x0  }
0x37: {  	s26 =	sadd.s32 s25, s12;
	[sflag:s14] =	ssyncadd.s32 $0xFFFFC000  }
0x38: {  	[tilespmem:s15], [sflag:$0x1] =	stream.linear.gather [hbm4b:s26+s3], $0x4000, $0x38;
	[tilespmem:$0x1CC00] =	vst v63  }
0x39: {  	_ =	swait.ge [sflag:s19], $0x4000  }
0x3a: {  	[sflag:s19] =	ssyncset.done $0x0  }
.Ltmp0:
0x3b: {  	[sflag:s19] =	ssyncadd.s32 $0xFFFFC000;
	(pc) =	sbr.rel @p0 .LBB2_2-.Ltmp0, $4  }
0x3c: {  	[spmem:s2] =	stream.indirect.scatter.add.f32 [tilespmem:s16], [sflag:$0x3], $0x80, s24, s18, $0xb8;
	[tilespmem:$0x1CC00] =	vst v63  }
0x3d: {  	_ =	swait.ge [sflag:s14], $0x4000  }
0x3e: {  	[sflag:s14] =	ssyncset.done $0x0  }
0x3f: {  	s25 =	sadd.s32 s25, s11;
	s24 =	sadd.s32 $0x100, s24;
	[sflag:s14] =	ssyncadd.s32 $0xFFFFC000  }
0x40: {  	[tilespmem:s16], [sflag:$0x2] =	stream.linear.gather [hbm4b:s25+s3], $0x4000, $0x38;
	[tilespmem:$0x1CC00] =	vst v63  }
0x41: {  	_ =	swait.ge [sflag:s17], $0x4000  }
0x42: {  	[sflag:s17] =	ssyncset.done $0x0  }
0x43: {  	[sflag:s17] =	ssyncadd.s32 $0xFFFFC000  }
0x44: {  	[spmem:s2] =	stream.indirect.scatter.add.f32 [tilespmem:s15], [sflag:$0x3], $0x80, s20, s18, $0xb8;
	[tilespmem:$0x1CC00] =	vst v63  }
0x45: {  	_ =	swait.ge [sflag:s14], $0x4000  }
0x46: {  	[sflag:s14] =	ssyncset.done $0x0  }
0x47: {  	[sflag:s14] =	ssyncadd.s32 $0xFFFFC000  }
0x48: {  	_ =	swait.ge [sflag:s19], $0x4000  }
0x49: {  	[sflag:s19] =	ssyncset.done $0x0  }
0x4a: {  	[sflag:s19] =	ssyncadd.s32 $0xFFFFC000  }
0x4b: {  	[spmem:s2] =	stream.indirect.scatter.add.f32 [tilespmem:s16], [sflag:$0x3], $0x80, s21, s18, $0xb8;
	[tilespmem:$0x1CC00] =	vst v63  }
0x4c: {  	_ =	swait.ge [sflag:s14], $0x4000  }
0x4d: {  	s22 =	sadd.s32 $0x1, s22;
	[sflag:s14] =	ssyncset.done $0x0  }
0x4e: {  	p0 =	sne.s32 s22, s10;
	[sflag:s14] =	ssyncadd.s32 $0xFFFFC000  }
.Ltmp1:
0x4f: {  	[bflag:$0x0] =	sbarrier.arrive $0xFFFF;
	(pc) =	sbr.rel @p0 .LBB2_1-.Ltmp1, $4  }
0x50: {  	[hbm:s9], [sflag:s5] =	dma.local [spmem:s13], $0x2800  }
0x51: {  	_ =	swait.ge [sflag:s14], $0x2800  }
0x52: {  	[sflag:s14] =	ssyncset.done $0x0  }
0x53: {  	[sflag:s14] =	ssyncadd.s32 $0xFFFFD800  }
0x54: {  	_ =	sfence.sel $0x180000  }
0x55: {  	[bflag:$0x0] =	sbarrier.arrive $0xFFFF  }
0x56: {  	p0 =	sne.s32 s0, $0x0;
	_ =	strace $0x90000050  }
0x57: {  	s0 =	sadd.s32 @!p0 $0x100000, s1;
	[bflag:$0x2] =	sbarrier.arrive $0xFFFF  }
0x58: {  	[sflag:s0] =	ssyncadd.tile.s32 @!p0 $0x1;
	_ =	shalt  }
.Lfunc_end2:
_tile_overlayer_lowered:
.L_overlay_start_2:
0x59: {  	(tag) =	ssettag $0x2  }
0x5a: {  	s0 =	rddreg [dreg:$0x0];
	s2 =	stileid.u32  }
0x5b: {  	s1 =	rddreg [dreg:$0x1];
	p0 =	sne.s32 s2, $0x0  }
0x5c: {  	s3 =	rddreg [dreg:$0x2];
	[bflag:$0x3] =	sbarrier.arrive $0xFFFF;
	s2 =	simm.s32 @!p0 $0x1C03  }
0x5d: {  	[timem:s3], [sflag:s2] =	dma.local @!p0 [hbm:s0], s1  }
0x5e: {  	s0 =	simm.s32 @!p0 $0x3  }
0x5f: {  	_ =	swait.ge @!p0 [sflag:s0], s1  }
0x60: {  	s1 =	ssub.s32 @!p0 $0x0, s1;
	[sflag:s0] =	ssyncset.done @!p0 $0x0  }
0x61: {  	[sflag:s0] =	ssyncadd.s32 @!p0 s1  }
0x62: {  	[bflag:$0x3] =	sbarrier.arrive $0xFFFF  }
0x63: {  	_ =	shalt  }

// kernel: kernel.18.cloned.1.call-start
scs
__scs_entry_jumppad:
0x0: {  	(pc) =	sbr.rel $0x88, $3  }
0x1: {  	(tag) =	ssettag $0x0;
	lr =	simm.s32 $0x1  }
0x2: {  	[smem:$0x3F9C] =	sst lr;
	_ =	strace $0xD0000000  }
0x3: {  	_ = 	snop  }
0x4: {  	_ = 	snop  }
0x5: {  	_ = 	snop  }
0x6: {  	_ = 	snop  }
0x7: {  	_ = 	snop  }
__scs_overlays_trampoline_lowered:
0x8: {  	[smem:$0x3FAB] =	sst s0  }
0x9: {  	[smem:$0x3FAC] =	sst s1  }
0xa: {  	[smem:$0x3FAD] =	sst s2  }
0xb: {  	[smem:$0x3FAE] =	sst s3  }
0xc: {  	[smem:$0x3FAF] =	sst s4  }
0xd: {  	[smem:$0x3FB0] =	sst s5  }
0xe: {  	[smem:$0x3FB1] =	sst s6  }
0xf: {  	[smem:$0x3FB2] =	sst s7  }
0x10: {  	[smem:$0x3FB3] =	sst s8  }
0x11: {  	[smem:$0x3FB4] =	sst s9;
	s0 =	simm.s32 @!p0 $0x0  }
0x12: {  	s1 =	sld [smem:$0x3F9A];
	s0 =	simm.s32 @p0 $0x1  }
0x13: {  	[smem:$0x3FB5] =	sst s0;
	s0 =	simm.s32 @!p1 $0x0  }
0x14: {  	s2 =	sld [smem:$0x3F99];
	s0 =	simm.s32 @p1 $0x1  }
0x15: {  	[smem:$0x3FB6] =	sst s0;
	s0 =	simm.s32 @!p2 $0x0  }
0x16: {  	s3 =	sld [smem:$0x3FDB];
	s0 =	simm.s32 @p2 $0x1  }
0x17: {  	s4 =	simm.s32 $0x1BF5;
	[smem:$0x3FB8] =	sst s0  }
0x18: {  	s0 =	sld [smem:$0x3F9B];
	_ =	swait.ge [sflag:s4], $0x0  }
0x19: {  	s7 =	sld [smem:$0x3F9C]  }
0x1a: {  	s8 =	sadd.s32 $0xFFFFE003, lr  }
0x1b: {  	s9 =	sadd.s32 $0xFFFFFEF7, lr;
	s5 =	simm.s32 $0xFFFFFFFF;
	p2 =	slt.u32 s8, $0xFFFFF086  }
0x1c: {  	p1 =	slt.u32 s9, $0xF7A;
	s5 =	simm.s32 @!p2 $0x0  }
0x1d: {  	s5 =	simm.s32 @p1 $0x1;
	p0 =	seq.s32 s7, s2  }
0x1e: {  	s7 =	smul.u32 @!p0 $0xF7A, s2;
	p2 =	seq.s32 @!p0 s5, $0x0  }
0x1f: {  	s9 =	smul.u32 $0xF7A, s1;
	s8 =	simm.s32 @!p0 $0x1BF5;
	p2 =	por !p2, p0  }
0x20: {  	[sflag:s8] =	ssyncset.s32 @!p0 $0xFFFFF086;
	s6 =	sadd.s32 @!p0 s3, s7;
	s7 =	simm.s32 @!p0 $0x108  }
0x21: {  	s3 =	sadd.s32 s3, s9;
	s6 =	sadd.s32 @!p0 $0x88, s6;
	s7 =	simm.s32 @p2 $0x1082  }
0x22: {  	[simem:s7], [sflag:s8] =	dma.local @!p0 [hbm:s6], $0xF7A  }
0x23: {  	s9 =	sor.u32 $0xD0000000, s2;
	s6 =	simm.s32 $0x108;
	_ =	swait.ge @!p0 [sflag:s8], $0x0  }
0x24: {  	s3 =	sadd.s32 $0x88, s3;
	s6 =	simm.s32 @!p1 $0x1082;
	[sflag:s4] =	ssyncset.s32 $0xFFFFF086  }
0x25: {  	[simem:s6], [sflag:s4] =	dma.local [hbm:s3], $0xF7A  }
0x26: {  	[smem:$0x3F9C] =	sst s1;
	(tag) =	ssettag s2;
	_ =	strace s9  }
0x27: {  	s1 =	sld [smem:$0x3FAC]  }
0x28: {  	s2 =	sld [smem:$0x3FAD]  }
0x29: {  	s4 =	sld [smem:$0x3FAF]  }
0x2a: {  	p0 =	seq.s32 s5, $0x0;
	s5 =	sld [smem:$0x3FB0]  }
0x2b: {  	s6 =	sld [smem:$0x3FB1]  }
0x2c: {  	s7 =	sld [smem:$0x3FB2]  }
0x2d: {  	s3 =	simm.s32 $0x108;
	s8 =	sld [smem:$0x3FB3]  }
0x2e: {  	s3 =	simm.s32 @!p0 $0x1082;
	s9 =	sld [smem:$0x3FB4]  }
0x2f: {  	lr =	sadd.s32 s0, s3;
	s0 =	sld [smem:$0x3FAB]  }
0x30: {  	s3 =	sld [smem:$0x3FAE]  }
0x31: {  	[smem:$0x3FB7] =	sst s10  }
0x32: {  	s10 =	sld [smem:$0x3FB5];
	_ =	sdelay $0x3  }
0x33: {  	p0 =	seq.s32 s10, $0x1;
	s10 =	sld [smem:$0x3FB7];
	_ =	sdelay $0x3  }
0x34: {  	[smem:$0x3FB7] =	sst s10  }
0x35: {  	s10 =	sld [smem:$0x3FB6];
	_ =	sdelay $0x3  }
0x36: {  	p1 =	seq.s32 s10, $0x1;
	s10 =	sld [smem:$0x3FB7];
	_ =	sdelay $0x3  }
0x37: {  	[smem:$0x3FB7] =	sst s10  }
0x38: {  	s10 =	sld [smem:$0x3FB8]  }
0x39: {  	_ = 	snop;
	(pc) =	sbr.ind lr, $3  }
0x3a: {  	_ = 	snop  }
0x3b: {  	_ = 	snop  }
0x3c: {  	p2 =	seq.s32 s10, $0x1;
	s10 =	sld [smem:$0x3FB7]  }
0x3d: {  	_ =	shalt  }
0x3e: {  	_ =	shalt  }
0x3f: {  	_ =	shalt  }
0x40: {  	_ =	shalt  }
0x41: {  	_ =	shalt  }
0x42: {  	_ =	shalt  }
0x43: {  	_ =	shalt  }
0x44: {  	_ =	shalt  }
0x45: {  	_ =	shalt  }
0x46: {  	_ =	shalt  }
0x47: {  	_ =	shalt  }
0x48: {  	_ =	shalt  }
0x49: {  	_ =	shalt  }
0x4a: {  	_ =	shalt  }
0x4b: {  	_ =	shalt  }
0x4c: {  	_ =	shalt  }
0x4d: {  	_ =	shalt  }
0x4e: {  	_ =	shalt  }
0x4f: {  	_ =	shalt  }
0x50: {  	_ =	shalt  }
0x51: {  	_ =	shalt  }
0x52: {  	_ =	shalt  }
0x53: {  	_ =	shalt  }
0x54: {  	_ =	shalt  }
0x55: {  	_ =	shalt  }
0x56: {  	_ =	shalt  }
0x57: {  	_ =	shalt  }
0x58: {  	_ =	shalt  }
0x59: {  	_ =	shalt  }
0x5a: {  	_ =	shalt  }
0x5b: {  	_ =	shalt  }
0x5c: {  	_ =	shalt  }
0x5d: {  	_ =	shalt  }
0x5e: {  	_ =	shalt  }
0x5f: {  	_ =	shalt  }
0x60: {  	_ =	shalt  }
0x61: {  	_ =	shalt  }
0x62: {  	_ =	shalt  }
0x63: {  	_ =	shalt  }
0x64: {  	_ =	shalt  }
0x65: {  	_ =	shalt  }
0x66: {  	_ =	shalt  }
0x67: {  	_ =	shalt  }
0x68: {  	_ =	shalt  }
0x69: {  	_ =	shalt  }
0x6a: {  	_ =	shalt  }
0x6b: {  	_ =	shalt  }
0x6c: {  	_ =	shalt  }
0x6d: {  	_ =	shalt  }
0x6e: {  	_ =	shalt  }
0x6f: {  	_ =	shalt  }
0x70: {  	_ =	shalt  }
0x71: {  	_ =	shalt  }
0x72: {  	_ =	shalt  }
0x73: {  	_ =	shalt  }
0x74: {  	_ =	shalt  }
0x75: {  	_ =	shalt  }
0x76: {  	_ =	shalt  }
0x77: {  	_ =	shalt  }
0x78: {  	_ =	shalt  }
0x79: {  	_ =	shalt  }
0x7a: {  	_ =	shalt  }
0x7b: {  	_ =	shalt  }
0x7c: {  	_ =	shalt  }
0x7d: {  	_ =	shalt  }
0x7e: {  	_ =	shalt  }
0x7f: {  	_ =	shalt  }
0x80: {  	_ =	shalt  }
0x81: {  	_ =	shalt  }
0x82: {  	_ =	shalt  }
0x83: {  	_ =	shalt  }
0x84: {  	_ =	shalt  }
0x85: {  	_ =	shalt  }
0x86: {  	_ =	shalt  }
0x87: {  	_ =	shalt  }
.Lfunc_end0:
.L_simem_size_0:
called_computation.3_lowered:
.L_overlay_start_0:
0x88: {  	s2 =	sld [smem:$0x3FD9]  }
0x89: {  	s3 =	sld [smem:$0x3FFE];
	_ =	sdelay $0x1  }
0x8a: {  	s1 =	srdreg.scid  }
0x8b: {  	s0 =	sand.u32 $0x1, s1  }
0x8c: {  	s17 =	sshll.u32 s0, $0xA;
	s2 =	sadd.s32 s3, s2  }
0x8d: {  	s2 =	sadd.s32 s2, s17  }
0x8e: {  	[smem:$0x3FC3] =	sst s2  }
0x8f: {  	_ = 	snop  }
0x90: {  	(tm) =	ssettm $0x1  }
0x91: {  	s18 =	sld [smem:$0x3FFB];
	_ =	sdelay $0x3  }
0x92: {  	_ =	strace s18  }
0x93: {  	s2 =	sld [smem:$0x3FFC];
	_ =	sdelay $0x3  }
0x94: {  	_ =	strace s2  }
0x95: {  	s2 =	sld [smem:$0x3FFD];
	_ =	sdelay $0x3  }
0x96: {  	_ =	strace s2  }
0x97: {  	_ =	strace $0x8FFFFFFF  }
0x98: {  	s19 =	sld [smem:$0x3FDB];
	_ =	sdelay $0x1  }
0x99: {  	s20 =	simm.s32 $_scs_section_size  }
0x9a: {  	s4 =	simm.s32 $_size__tile_overlayer_lowered;
	s5 =	simm.s32 $_tile_overlayer_lowered  }
0x9b: {  	s6 =	simm.s32 $0x1BFF;
	s21 =	sshll.u32 s5, $0x1;
	s3 =	sadd.s32 s20, s19  }
0x9c: {  	s22 =	simm.s32 $0x0;
	s4 =	sshll.u32 s4, $0x1;
	s5 =	sadd.s32 s21, s3  }
0x9d: {  	[timem:s22], [sflag:s6] =	dma.local [hbm:s5], s4  }
0x9e: {  	_ =	swait.ge [sflag:s6], s4  }
0x9f: {  	s4 =	ssub.s32 $0x0, s4;
	[sflag:s6] =	ssyncset.done $0x0  }
0xa0: {  	[sflag:s6] =	ssyncadd.s32 s4;
	_ =	sdelay $0x1  }
0xa1: {  	s23 =	simm.s32 $0x1B8B  }
0xa2: {  	_ =	swait.ge [sflag:s23], $0x1  }
0xa3: {  	[sflag:s23] =	ssyncset.done $0x0  }
0xa4: {  	[sflag:s23] =	ssyncadd.s32 $0xFFFFFFFF  }
0xa5: {  	s4 =	sld [smem:$0x0]  }
0xa6: {  	s5 =	sand.u32 $0xFFFFFFFE, s1  }
0xa7: {  	p0 =	sne.s32 s1, s5  }
0xa8: {  	s5 =	sshll.u32 @p0 s5, $0xE  }
0xa9: {  	s5 =	sadd.s32 @p0 $0x11B8D, s5;
	s6 =	sshll.u32 @p0 s4, $0x11  }
0xaa: {  	s5 =	sor.u32 @p0 s6, s5  }
0xab: {  	[sflag:s5] =	ssyncadd.remote.s32 @p0 $0x1;
	_ =	sdelay $0x1  }
0xac: {  	s5 =	simm.s32 @p0 $0x1B8D  }
0xad: {  	_ =	swait.eq @p0 [sflag:s5], $0x1  }
0xae: {  	[sflag:s5] =	ssyncadd.s32 @p0 $0xFFFFFFFF  }
0xaf: {  	s6 =	sshll.u32 @!p0 s1, $0xE  }
0xb0: {  	s6 =	sor.u32 @!p0 $0x4000, s6;
	s5 =	simm.s32 @!p0 $0x1B8D  }
0xb1: {  	s4 =	sshll.u32 @!p0 s4, $0x11;
	s6 =	sadd.s32 @!p0 $0x11B8D, s6;
	_ =	swait.eq @!p0 [sflag:s5], $0x1  }
0xb2: {  	s4 =	sor.u32 @!p0 s4, s6;
	[sflag:s5] =	ssyncadd.s32 @!p0 $0xFFFFFFFF  }
0xb3: {  	s25 =	simm.s32 $0x1B8E;
	s24 =	sld [smem:$0x3FFE];
	[sflag:s4] =	ssyncadd.remote.s32 @!p0 $0x1  }
0xb4: {  	s26 =	simm.s32 $execute0_lowered;
	[smem:$0x3FD2] =	sst s25  }
0xb5: {  	s5 =	sshll.u32 s26, $0x1;
	_ =	strace $0x8000004C;
	[dreg:$0x1] =	wrdreg $0xFFFFFFFF  }
0xb6: {  	s28 =	simm.s32 $_size_execute0_lowered;
	s3 =	sadd.s32 s3, s5;
	[dreg:$0x0] =	wrdreg $0x0  }
0xb7: {  	s5 =	sshll.u32 s28, $0x1;
	[dreg:$0x2] =	wrdreg s3  }
0xb8: {  	[dreg:$0x3] =	wrdreg s5  }
0xb9: {  	[dreg:$0x4] =	wrdreg $0xC0  }
0xba: {  	_ =	task [dreg:s22], $0x5FFFF  }
0xbb: {  	[dreg:$0x1] =	wrdreg $0xFFFFFFFF  }
0xbc: {  	[dreg:$0x0] =	wrdreg $0x60  }
0xbd: {  	[dreg:$0x2] =	wrdreg s24  }
0xbe: {  	[dreg:$0x3] =	wrdreg $0x8C000  }
0xbf: {  	[dreg:$0x4] =	wrdreg $0xA  }
0xc0: {  	_ =	task.clear_ibuf [dreg:s22], $0x5FFFF;
	_ =	strace $0x9000004C  }
0xc1: {  	s29 =	simm.s32 $0xA;
	_ =	strace $0x8000004E  }
0xc2: {  	_ =	swait.ge [sflag:s29], $0x1  }
0xc3: {  	[sflag:s29] =	ssyncadd.s32 $0xFFFFFFFF  }
0xc4: {  	_ =	strace $0x9000004E  }
0xc5: {  	_ =	sfence  }
0xc6: {  	s30 =	sld [smem:$0x0];
	_ =	sdelay $0x2  }
0xc7: {  	s31 =	sshll.u32 s1, $0xD;
	s1 =	sshrl.u32 s1, $0x2  }
0xc8: {  	s4 =	sand.u32 $0x4000, s31;
	s1 =	sadd.s32 s1, s30  }
0xc9: {  	s0 =	sor.u32 s4, s0;
	s1 =	sshll.u32 s1, $0x11  }
0xca: {  	s0 =	sor.u32 s1, s0  }
0xcb: {  	s0 =	sadd.s32 $0x8F2B, s0  }
0xcc: {  	[sflag:s0] =	ssyncadd.remote.s32 $0x1  }
0xcd: {  	_ =	sfence.sel $0xFFFF  }
0xce: {  	[dreg:$0x0] =	wrdreg $0xFFFFFFFF;
	(pc) =	sbr.abs _section_cstart, $3  }
0xcf: {  	[dreg:$0x1] =	wrdreg $0xFFFFFFFF  }
0xd0: {  	_ =	task.clear_ibuf [dreg:s22], $0x2FFFF;
	_ =	strace $0x9FFFFFFF  }
0xd1: {  	(tm) =	ssettm $0x7FFFFFFF  }
tec
execute0_lowered:
.L_overlay_start_1:
0x0: {  	(tag) =	ssettag $0x1  }
0x1: {  	s1 =	srdreg.scid;
	s5 =	rddreg [dreg:$0x0]  }
0x2: {  	s0 =	stileid.u32;
	s2 =	rddreg [dreg:$0x1]  }
0x3: {  	s3 =	simm.s32 $0x0;
	s16 =	simm.s32 $0x4C00;
	s17 =	simm.s32 $0x1  }
0x4: {  	s18 =	simm.s32 $0x80;
	s19 =	simm.s32 $0x2;
	s20 =	simm.s32 $0x900  }
0x5: {  	s21 =	simm.s32 $0x980;
	s4 =	sand.u32 $0x1, s1;
	s8 =	smul.u32 $0x14000, s0  }
0x6: {  	s22 =	sshll.u32 s0, $0x1;
	s1 =	rddreg [dreg:$0x2];
	s11 =	smul.u32 $0x50000, s0  }
0x7: {  	[smem:$0x7FF] =	sst s3;
	s12 =	sadd.s32 $0x28C800, s5;
	s26 =	smul.u32 $0xA0000, s0  }
0x8: {  	s28 =	sshll.u32 s0, $0x6;
	s6 =	sor.u32 s4, s22;
	s9 =	smul.u32 $0x140000, s4  }
0x9: {  	_ =	strace $0x8000004D;
	s23 =	ssub.s32 $0x2, s4;
	s29 =	smul.u32 $0x50000, s4  }
0xa: {  	s22 =	simm.s32 $0x0;
	s7 =	smul.u32 $0x180, s6;
	s10 =	sshrl.u32 s8, $0x3  }
0xb: {  	s24 =	sshrl.u32 s23, $0x1;
	s6 =	smul.u32 $0xA000, s6;
	s25 =	sshrl.u32 s11, $0x2  }
0xc: {  	s10 =	sadd.s32 s10, s5;
	s8 =	sadd.s32 s8, s9;
	s14 =	ssub.s32 s23, s24  }
0xd: {  	s15 =	sadd.s32 s25, s2;
	s30 =	sadd.s32 s29, s26;
	s7 =	sadd.s32 s7, s5  }
0xe: {  	s8 =	sshrl.u32 s8, $0x3;
	s4 =	sadd.s32 $0x1800, s10;
	s6 =	sadd.s32 s12, s6  }
0xf: {  	s11 =	sor.u32 $0xC000, s30;
	s31 =	sor.u32 $0x8000, s30;
	s10 =	smax.u32 s14, $0x1  }
0x10: {  	s14 =	simm.s32 $0x3;
	s13 =	sadd.s32 s8, s5;
	s5 =	sor.u32 $0x1C03, s28  }
0x11: {  	s7 =	sadd.s32 $0x146800, s7;
	s8 =	sadd.s32 $0x800, s6;
	s11 =	sshrl.u32 s11, $0x3  }
0x12: {  	s9 =	sadd.s32 $0x29800, s13;
	s13 =	sshrl.u32 s31, $0x3;
	s11 =	sadd.s32 s11, s12  }
0x13: {  	s12 =	sadd.s32 s13, s12;
	s13 =	sshrl.u32 s15, $0x3;
	s15 =	simm.s32 $0xC00  }
.LBB2_1:
0x14: {  	[spmem:s13], [sflag:s5] =	dma.local [hbm:s4], $0x2800  }
0x15: {  	_ =	swait.ge [sflag:s14], $0x2800  }
0x16: {  	[sflag:s14] =	ssyncset.done $0x0  }
0x17: {  	[sflag:s14] =	ssyncadd.s32 $0xFFFFD800  }
0x18: {  	[tilespmem:s3], [sflag:$0x3] =	stream.linear.gather [hbm4b:s7+s3], $0xA00, $0x38;
	[tilespmem:$0x1CC00] =	vst v63  }
0x19: {  	_ =	swait.ge [sflag:s14], $0xA00  }
0x1a: {  	[sflag:s14] =	ssyncset.done $0x0  }
0x1b: {  	[sflag:s14] =	ssyncadd.s32 $0xFFFFF600  }
0x1c: {  	[bflag:$0x0] =	sbarrier.arrive $0xFFFF  }
0x1d: {  	[tilespmem:s15], [sflag:$0x1] =	stream.linear.gather [hbm4b:s6+s3], $0x4000, $0x38;
	[tilespmem:$0x1CC00] =	vst v63  }
0x1e: {  	_ = 	snop  }
0x1f: {  	[tilespmem:s16], [sflag:$0x2] =	stream.linear.gather [hbm4b:s8+s3], $0x4000, $0x38;
	[tilespmem:$0x1CC00] =	vst v63  }
0x20: {  	_ =	swait.ge [sflag:s17], $0x4000  }
0x21: {  	[sflag:s17] =	ssyncset.done $0x0  }
0x22: {  	s23 =	simm.s32 $0x0;
	[sflag:s17] =	ssyncadd.s32 $0xFFFFC000  }
0x23: {  	[spmem:s2] =	stream.indirect.scatter.add.f32 [tilespmem:s15], [sflag:$0x3], $0x80, s23, s18, $0xb8;
	[tilespmem:$0x1CC00] =	vst v63  }
0x24: {  	_ =	swait.ge [sflag:s14], $0x4000  }
0x25: {  	[sflag:s14] =	ssyncset.done $0x0  }
0x26: {  	s31 =	sadd.s32 $0x0, s12;
	[sflag:s14] =	ssyncadd.s32 $0xFFFFC000  }
0x27: {  	[tilespmem:s15], [sflag:$0x1] =	stream.linear.gather [hbm4b:s31+s3], $0x4000, $0x38;
	[tilespmem:$0x1CC00] =	vst v63  }
0x28: {  	_ =	swait.ge [sflag:s19], $0x4000  }
0x29: {  	[sflag:s19] =	ssyncset.done $0x0  }
0x2a: {  	[sflag:s19] =	ssyncadd.s32 $0xFFFFC000  }
0x2b: {  	[spmem:s2] =	stream.indirect.scatter.add.f32 [tilespmem:s16], [sflag:$0x3], $0x80, s18, s18, $0xb8;
	[tilespmem:$0x1CC00] =	vst v63  }
0x2c: {  	_ =	swait.ge [sflag:s14], $0x4000  }
0x2d: {  	s25 =	sadd.s32 $0x0, s11;
	[sflag:s14] =	ssyncset.done $0x0  }
0x2e: {  	s24 =	simm.s32 $0x180;
	s23 =	simm.s32 $0x1000;
	[sflag:s14] =	ssyncadd.s32 $0xFFFFC000  }
.LBB2_2:
0x2f: {  	[tilespmem:s16], [sflag:$0x2] =	stream.linear.gather [hbm4b:s25+s3], $0x4000, $0x38;
	[tilespmem:$0x1CC00] =	vst v63  }
0x30: {  	s25 =	smov.u32 s23  }
0x31: {  	p0 =	sne.s32 s23, $0x8000;
	s23 =	sadd.s32 $0x1000, s23;
	_ =	swait.ge [sflag:s17], $0x4000  }
0x32: {  	[sflag:s17] =	ssyncset.done $0x0  }
0x33: {  	s26 =	sadd.s32 $0xFFFFFF80, s24;
	[sflag:s17] =	ssyncadd.s32 $0xFFFFC000  }
0x34: {  	[spmem:s2] =	stream.indirect.scatter.add.f32 [tilespmem:s15], [sflag:$0x3], $0x80, s26, s18, $0xb8;
	[tilespmem:$0x1CC00] =	vst v63  }
0x35: {  	_ =	swait.ge [sflag:s14], $0x4000  }
0x36: {  	[sflag:s14] =	ssyncset.done $0x0  }
0x37: {  	s26 =	sadd.s32 s25, s12;
	[sflag:s14] =	ssyncadd.s32 $0xFFFFC000  }
0x38: {  	[tilespmem:s15], [sflag:$0x1] =	stream.linear.gather [hbm4b:s26+s3], $0x4000, $0x38;
	[tilespmem:$0x1CC00] =	vst v63  }
0x39: {  	_ =	swait.ge [sflag:s19], $0x4000  }
0x3a: {  	[sflag:s19] =	ssyncset.done $0x0  }
.Ltmp0:
0x3b: {  	[sflag:s19] =	ssyncadd.s32 $0xFFFFC000;
	(pc) =	sbr.rel @p0 .LBB2_2-.Ltmp0, $4  }
0x3c: {  	[spmem:s2] =	stream.indirect.scatter.add.f32 [tilespmem:s16], [sflag:$0x3], $0x80, s24, s18, $0xb8;
	[tilespmem:$0x1CC00] =	vst v63  }
0x3d: {  	_ =	swait.ge [sflag:s14], $0x4000  }
0x3e: {  	[sflag:s14] =	ssyncset.done $0x0  }
0x3f: {  	s25 =	sadd.s32 s25, s11;
	s24 =	sadd.s32 $0x100, s24;
	[sflag:s14] =	ssyncadd.s32 $0xFFFFC000  }
0x40: {  	[tilespmem:s16], [sflag:$0x2] =	stream.linear.gather [hbm4b:s25+s3], $0x4000, $0x38;
	[tilespmem:$0x1CC00] =	vst v63  }
0x41: {  	_ =	swait.ge [sflag:s17], $0x4000  }
0x42: {  	[sflag:s17] =	ssyncset.done $0x0  }
0x43: {  	[sflag:s17] =	ssyncadd.s32 $0xFFFFC000  }
0x44: {  	[spmem:s2] =	stream.indirect.scatter.add.f32 [tilespmem:s15], [sflag:$0x3], $0x80, s20, s18, $0xb8;
	[tilespmem:$0x1CC00] =	vst v63  }
0x45: {  	_ =	swait.ge [sflag:s14], $0x4000  }
0x46: {  	[sflag:s14] =	ssyncset.done $0x0  }
0x47: {  	[sflag:s14] =	ssyncadd.s32 $0xFFFFC000  }
0x48: {  	_ =	swait.ge [sflag:s19], $0x4000  }
0x49: {  	[sflag:s19] =	ssyncset.done $0x0  }
0x4a: {  	[sflag:s19] =	ssyncadd.s32 $0xFFFFC000  }
0x4b: {  	[spmem:s2] =	stream.indirect.scatter.add.f32 [tilespmem:s16], [sflag:$0x3], $0x80, s21, s18, $0xb8;
	[tilespmem:$0x1CC00] =	vst v63  }
0x4c: {  	_ =	swait.ge [sflag:s14], $0x4000  }
0x4d: {  	s22 =	sadd.s32 $0x1, s22;
	[sflag:s14] =	ssyncset.done $0x0  }
0x4e: {  	p0 =	sne.s32 s22, s10;
	[sflag:s14] =	ssyncadd.s32 $0xFFFFC000  }
.Ltmp1:
0x4f: {  	[bflag:$0x0] =	sbarrier.arrive $0xFFFF;
	(pc) =	sbr.rel @p0 .LBB2_1-.Ltmp1, $4  }
0x50: {  	[hbm:s9], [sflag:s5] =	dma.local [spmem:s13], $0x2800  }
0x51: {  	_ =	swait.ge [sflag:s14], $0x2800  }
0x52: {  	[sflag:s14] =	ssyncset.done $0x0  }
0x53: {  	[sflag:s14] =	ssyncadd.s32 $0xFFFFD800  }
0x54: {  	_ =	sfence.sel $0x180000  }
0x55: {  	[bflag:$0x0] =	sbarrier.arrive $0xFFFF  }
0x56: {  	p0 =	sne.s32 s0, $0x0;
	_ =	strace $0x9000004D  }
0x57: {  	s0 =	sadd.s32 @!p0 $0x100000, s1;
	[bflag:$0x2] =	sbarrier.arrive $0xFFFF  }
0x58: {  	[sflag:s0] =	ssyncadd.tile.s32 @!p0 $0x1;
	_ =	shalt  }
.Lfunc_end2:
_tile_overlayer_lowered:
.L_overlay_start_2:
0x59: {  	(tag) =	ssettag $0x2  }
0x5a: {  	s0 =	rddreg [dreg:$0x0];
	s2 =	stileid.u32  }
0x5b: {  	s1 =	rddreg [dreg:$0x1];
	p0 =	sne.s32 s2, $0x0  }
0x5c: {  	s3 =	rddreg [dreg:$0x2];
	[bflag:$0x3] =	sbarrier.arrive $0xFFFF;
	s2 =	simm.s32 @!p0 $0x1C03  }
0x5d: {  	[timem:s3], [sflag:s2] =	dma.local @!p0 [hbm:s0], s1  }
0x5e: {  	s0 =	simm.s32 @!p0 $0x3  }
0x5f: {  	_ =	swait.ge @!p0 [sflag:s0], s1  }
0x60: {  	s1 =	ssub.s32 @!p0 $0x0, s1;
	[sflag:s0] =	ssyncset.done @!p0 $0x0  }
0x61: {  	[sflag:s0] =	ssyncadd.s32 @!p0 s1  }
0x62: {  	[bflag:$0x3] =	sbarrier.arrive $0xFFFF  }
0x63: {  	_ =	shalt  }

// kernel: kernel.9.cloned.1.call-start
scs
__scs_entry_jumppad:
0x0: {  	(pc) =	sbr.rel $0x88, $3  }
0x1: {  	(tag) =	ssettag $0x0;
	lr =	simm.s32 $0x1  }
0x2: {  	[smem:$0x3F9C] =	sst lr;
	_ =	strace $0xD0000000  }
0x3: {  	_ = 	snop  }
0x4: {  	_ = 	snop  }
0x5: {  	_ = 	snop  }
0x6: {  	_ = 	snop  }
0x7: {  	_ = 	snop  }
__scs_overlays_trampoline_lowered:
0x8: {  	[smem:$0x3FAB] =	sst s0  }
0x9: {  	[smem:$0x3FAC] =	sst s1  }
0xa: {  	[smem:$0x3FAD] =	sst s2  }
0xb: {  	[smem:$0x3FAE] =	sst s3  }
0xc: {  	[smem:$0x3FAF] =	sst s4  }
0xd: {  	[smem:$0x3FB0] =	sst s5  }
0xe: {  	[smem:$0x3FB1] =	sst s6  }
0xf: {  	[smem:$0x3FB2] =	sst s7  }
0x10: {  	[smem:$0x3FB3] =	sst s8  }
0x11: {  	[smem:$0x3FB4] =	sst s9;
	s0 =	simm.s32 @!p0 $0x0  }
0x12: {  	s1 =	sld [smem:$0x3F9A];
	s0 =	simm.s32 @p0 $0x1  }
0x13: {  	[smem:$0x3FB5] =	sst s0;
	s0 =	simm.s32 @!p1 $0x0  }
0x14: {  	s2 =	sld [smem:$0x3F99];
	s0 =	simm.s32 @p1 $0x1  }
0x15: {  	[smem:$0x3FB6] =	sst s0;
	s0 =	simm.s32 @!p2 $0x0  }
0x16: {  	s3 =	sld [smem:$0x3FDB];
	s0 =	simm.s32 @p2 $0x1  }
0x17: {  	s4 =	simm.s32 $0x1BF5;
	[smem:$0x3FB8] =	sst s0  }
0x18: {  	s0 =	sld [smem:$0x3F9B];
	_ =	swait.ge [sflag:s4], $0x0  }
0x19: {  	s7 =	sld [smem:$0x3F9C]  }
0x1a: {  	s8 =	sadd.s32 $0xFFFFE003, lr  }
0x1b: {  	s9 =	sadd.s32 $0xFFFFFEF7, lr;
	s5 =	simm.s32 $0xFFFFFFFF;
	p2 =	slt.u32 s8, $0xFFFFF086  }
0x1c: {  	p1 =	slt.u32 s9, $0xF7A;
	s5 =	simm.s32 @!p2 $0x0  }
0x1d: {  	s5 =	simm.s32 @p1 $0x1;
	p0 =	seq.s32 s7, s2  }
0x1e: {  	s7 =	smul.u32 @!p0 $0xF7A, s2;
	p2 =	seq.s32 @!p0 s5, $0x0  }
0x1f: {  	s9 =	smul.u32 $0xF7A, s1;
	s8 =	simm.s32 @!p0 $0x1BF5;
	p2 =	por !p2, p0  }
0x20: {  	[sflag:s8] =	ssyncset.s32 @!p0 $0xFFFFF086;
	s6 =	sadd.s32 @!p0 s3, s7;
	s7 =	simm.s32 @!p0 $0x108  }
0x21: {  	s3 =	sadd.s32 s3, s9;
	s6 =	sadd.s32 @!p0 $0x88, s6;
	s7 =	simm.s32 @p2 $0x1082  }
0x22: {  	[simem:s7], [sflag:s8] =	dma.local @!p0 [hbm:s6], $0xF7A  }
0x23: {  	s9 =	sor.u32 $0xD0000000, s2;
	s6 =	simm.s32 $0x108;
	_ =	swait.ge @!p0 [sflag:s8], $0x0  }
0x24: {  	s3 =	sadd.s32 $0x88, s3;
	s6 =	simm.s32 @!p1 $0x1082;
	[sflag:s4] =	ssyncset.s32 $0xFFFFF086  }
0x25: {  	[simem:s6], [sflag:s4] =	dma.local [hbm:s3], $0xF7A  }
0x26: {  	[smem:$0x3F9C] =	sst s1;
	(tag) =	ssettag s2;
	_ =	strace s9  }
0x27: {  	s1 =	sld [smem:$0x3FAC]  }
0x28: {  	s2 =	sld [smem:$0x3FAD]  }
0x29: {  	s4 =	sld [smem:$0x3FAF]  }
0x2a: {  	p0 =	seq.s32 s5, $0x0;
	s5 =	sld [smem:$0x3FB0]  }
0x2b: {  	s6 =	sld [smem:$0x3FB1]  }
0x2c: {  	s7 =	sld [smem:$0x3FB2]  }
0x2d: {  	s3 =	simm.s32 $0x108;
	s8 =	sld [smem:$0x3FB3]  }
0x2e: {  	s3 =	simm.s32 @!p0 $0x1082;
	s9 =	sld [smem:$0x3FB4]  }
0x2f: {  	lr =	sadd.s32 s0, s3;
	s0 =	sld [smem:$0x3FAB]  }
0x30: {  	s3 =	sld [smem:$0x3FAE]  }
0x31: {  	[smem:$0x3FB7] =	sst s10  }
0x32: {  	s10 =	sld [smem:$0x3FB5];
	_ =	sdelay $0x3  }
0x33: {  	p0 =	seq.s32 s10, $0x1;
	s10 =	sld [smem:$0x3FB7];
	_ =	sdelay $0x3  }
0x34: {  	[smem:$0x3FB7] =	sst s10  }
0x35: {  	s10 =	sld [smem:$0x3FB6];
	_ =	sdelay $0x3  }
0x36: {  	p1 =	seq.s32 s10, $0x1;
	s10 =	sld [smem:$0x3FB7];
	_ =	sdelay $0x3  }
0x37: {  	[smem:$0x3FB7] =	sst s10  }
0x38: {  	s10 =	sld [smem:$0x3FB8]  }
0x39: {  	_ = 	snop;
	(pc) =	sbr.ind lr, $3  }
0x3a: {  	_ = 	snop  }
0x3b: {  	_ = 	snop  }
0x3c: {  	p2 =	seq.s32 s10, $0x1;
	s10 =	sld [smem:$0x3FB7]  }
0x3d: {  	_ =	shalt  }
0x3e: {  	_ =	shalt  }
0x3f: {  	_ =	shalt  }
0x40: {  	_ =	shalt  }
0x41: {  	_ =	shalt  }
0x42: {  	_ =	shalt  }
0x43: {  	_ =	shalt  }
0x44: {  	_ =	shalt  }
0x45: {  	_ =	shalt  }
0x46: {  	_ =	shalt  }
0x47: {  	_ =	shalt  }
0x48: {  	_ =	shalt  }
0x49: {  	_ =	shalt  }
0x4a: {  	_ =	shalt  }
0x4b: {  	_ =	shalt  }
0x4c: {  	_ =	shalt  }
0x4d: {  	_ =	shalt  }
0x4e: {  	_ =	shalt  }
0x4f: {  	_ =	shalt  }
0x50: {  	_ =	shalt  }
0x51: {  	_ =	shalt  }
0x52: {  	_ =	shalt  }
0x53: {  	_ =	shalt  }
0x54: {  	_ =	shalt  }
0x55: {  	_ =	shalt  }
0x56: {  	_ =	shalt  }
0x57: {  	_ =	shalt  }
0x58: {  	_ =	shalt  }
0x59: {  	_ =	shalt  }
0x5a: {  	_ =	shalt  }
0x5b: {  	_ =	shalt  }
0x5c: {  	_ =	shalt  }
0x5d: {  	_ =	shalt  }
0x5e: {  	_ =	shalt  }
0x5f: {  	_ =	shalt  }
0x60: {  	_ =	shalt  }
0x61: {  	_ =	shalt  }
0x62: {  	_ =	shalt  }
0x63: {  	_ =	shalt  }
0x64: {  	_ =	shalt  }
0x65: {  	_ =	shalt  }
0x66: {  	_ =	shalt  }
0x67: {  	_ =	shalt  }
0x68: {  	_ =	shalt  }
0x69: {  	_ =	shalt  }
0x6a: {  	_ =	shalt  }
0x6b: {  	_ =	shalt  }
0x6c: {  	_ =	shalt  }
0x6d: {  	_ =	shalt  }
0x6e: {  	_ =	shalt  }
0x6f: {  	_ =	shalt  }
0x70: {  	_ =	shalt  }
0x71: {  	_ =	shalt  }
0x72: {  	_ =	shalt  }
0x73: {  	_ =	shalt  }
0x74: {  	_ =	shalt  }
0x75: {  	_ =	shalt  }
0x76: {  	_ =	shalt  }
0x77: {  	_ =	shalt  }
0x78: {  	_ =	shalt  }
0x79: {  	_ =	shalt  }
0x7a: {  	_ =	shalt  }
0x7b: {  	_ =	shalt  }
0x7c: {  	_ =	shalt  }
0x7d: {  	_ =	shalt  }
0x7e: {  	_ =	shalt  }
0x7f: {  	_ =	shalt  }
0x80: {  	_ =	shalt  }
0x81: {  	_ =	shalt  }
0x82: {  	_ =	shalt  }
0x83: {  	_ =	shalt  }
0x84: {  	_ =	shalt  }
0x85: {  	_ =	shalt  }
0x86: {  	_ =	shalt  }
0x87: {  	_ =	shalt  }
.Lfunc_end0:
.L_simem_size_0:
called_computation_lowered:
.L_overlay_start_0:
0x88: {  	s2 =	sld [smem:$0x3FD9]  }
0x89: {  	s3 =	sld [smem:$0x3FFE];
	_ =	sdelay $0x1  }
0x8a: {  	s1 =	srdreg.scid  }
0x8b: {  	s0 =	sand.u32 $0x1, s1  }
0x8c: {  	s17 =	sshll.u32 s0, $0xA;
	s2 =	sadd.s32 s3, s2  }
0x8d: {  	s2 =	sadd.s32 s2, s17  }
0x8e: {  	[smem:$0x3FC3] =	sst s2  }
0x8f: {  	_ = 	snop  }
0x90: {  	s18 =	sld [smem:$0x3FD0];
	(tm) =	ssettm $0x1  }
0x91: {  	s19 =	sld [smem:$0x3FFB];
	_ =	sdelay $0x3  }
0x92: {  	_ =	strace s19  }
0x93: {  	s2 =	sld [smem:$0x3FFC];
	_ =	sdelay $0x3  }
0x94: {  	_ =	strace s2  }
0x95: {  	s2 =	sld [smem:$0x3FFD];
	_ =	sdelay $0x3  }
0x96: {  	_ =	strace s2  }
0x97: {  	_ =	strace $0x8FFFFFFF  }
0x98: {  	s20 =	sld [smem:$0x3FDB];
	_ =	sdelay $0x1  }
0x99: {  	s4 =	simm.s32 $_scs_section_size  }
0x9a: {  	s5 =	simm.s32 $_size__tile_overlayer_lowered;
	s6 =	simm.s32 $_tile_overlayer_lowered  }
0x9b: {  	s7 =	simm.s32 $0x1BFF;
	s21 =	sshll.u32 s6, $0x1;
	s4 =	sadd.s32 s4, s20  }
0x9c: {  	s22 =	simm.s32 $0x0;
	s5 =	sshll.u32 s5, $0x1;
	s6 =	sadd.s32 s21, s4  }
0x9d: {  	[timem:s22], [sflag:s7] =	dma.local [hbm:s6], s5  }
0x9e: {  	_ =	swait.ge [sflag:s7], s5  }
0x9f: {  	s5 =	ssub.s32 $0x0, s5;
	[sflag:s7] =	ssyncset.done $0x0  }
0xa0: {  	[sflag:s7] =	ssyncadd.s32 s5;
	_ =	sdelay $0x1  }
0xa1: {  	s23 =	simm.s32 $0x1B8B  }
0xa2: {  	_ =	swait.ge [sflag:s23], $0x1  }
0xa3: {  	[sflag:s23] =	ssyncset.done $0x0  }
0xa4: {  	[sflag:s23] =	ssyncadd.s32 $0xFFFFFFFF  }
0xa5: {  	s5 =	sld [smem:$0x0]  }
0xa6: {  	s6 =	sand.u32 $0xFFFFFFFE, s1  }
0xa7: {  	p0 =	sne.s32 s1, s6  }
0xa8: {  	s6 =	sshll.u32 @p0 s6, $0xE  }
0xa9: {  	s6 =	sadd.s32 @p0 $0x11B8D, s6;
	s7 =	sshll.u32 @p0 s5, $0x11  }
0xaa: {  	s6 =	sor.u32 @p0 s7, s6  }
0xab: {  	[sflag:s6] =	ssyncadd.remote.s32 @p0 $0x1;
	_ =	sdelay $0x1  }
0xac: {  	s6 =	simm.s32 @p0 $0x1B8D  }
0xad: {  	_ =	swait.eq @p0 [sflag:s6], $0x1  }
0xae: {  	[sflag:s6] =	ssyncadd.s32 @p0 $0xFFFFFFFF  }
0xaf: {  	s7 =	sshll.u32 @!p0 s1, $0xE  }
0xb0: {  	s7 =	sor.u32 @!p0 $0x4000, s7;
	s6 =	simm.s32 @!p0 $0x1B8D  }
0xb1: {  	s5 =	sshll.u32 @!p0 s5, $0x11;
	s7 =	sadd.s32 @!p0 $0x11B8D, s7;
	_ =	swait.eq @!p0 [sflag:s6], $0x1  }
0xb2: {  	s5 =	sor.u32 @!p0 s5, s7;
	[sflag:s6] =	ssyncadd.s32 @!p0 $0xFFFFFFFF  }
0xb3: {  	s25 =	simm.s32 $0x1B8E;
	s24 =	sld [smem:$0x3FFE];
	[sflag:s5] =	ssyncadd.remote.s32 @!p0 $0x1  }
0xb4: {  	s26 =	simm.s32 $execute0_lowered;
	[smem:$0x3FD2] =	sst s25  }
0xb5: {  	s6 =	sshll.u32 s26, $0x1;
	_ =	strace $0x80000049;
	[dreg:$0x1] =	wrdreg $0xFFFFFFFF  }
0xb6: {  	s28 =	simm.s32 $_size_execute0_lowered;
	s4 =	sadd.s32 s4, s6;
	[dreg:$0x0] =	wrdreg $0x0  }
0xb7: {  	s6 =	sshll.u32 s28, $0x1;
	[dreg:$0x2] =	wrdreg s4  }
0xb8: {  	[dreg:$0x3] =	wrdreg s6  }
0xb9: {  	[dreg:$0x4] =	wrdreg $0xC0  }
0xba: {  	_ =	task [dreg:s22], $0x5FFFF  }
0xbb: {  	[dreg:$0x1] =	wrdreg $0xFFFFFFFF  }
0xbc: {  	[dreg:$0x0] =	wrdreg $0x60  }
0xbd: {  	[dreg:$0x2] =	wrdreg s24  }
0xbe: {  	[dreg:$0x3] =	wrdreg s18  }
0xbf: {  	[dreg:$0x4] =	wrdreg $0x9  }
0xc0: {  	_ =	task.clear_ibuf [dreg:s22], $0x5FFFF;
	_ =	strace $0x90000049  }
0xc1: {  	s29 =	simm.s32 $0x9;
	_ =	strace $0x8000004B  }
0xc2: {  	_ =	swait.ge [sflag:s29], $0x1  }
0xc3: {  	[sflag:s29] =	ssyncadd.s32 $0xFFFFFFFF  }
0xc4: {  	_ =	strace $0x9000004B  }
0xc5: {  	_ =	sfence  }
0xc6: {  	s30 =	sld [smem:$0x0];
	_ =	sdelay $0x2  }
0xc7: {  	s31 =	sshll.u32 s1, $0xD;
	s1 =	sshrl.u32 s1, $0x2  }
0xc8: {  	s4 =	sand.u32 $0x4000, s31;
	s1 =	sadd.s32 s1, s30  }
0xc9: {  	s0 =	sor.u32 s4, s0;
	s1 =	sshll.u32 s1, $0x11  }
0xca: {  	s0 =	sor.u32 s1, s0  }
0xcb: {  	s0 =	sadd.s32 $0x8F2B, s0  }
0xcc: {  	[sflag:s0] =	ssyncadd.remote.s32 $0x1  }
0xcd: {  	_ =	sfence.sel $0xFFFF  }
0xce: {  	[dreg:$0x0] =	wrdreg $0xFFFFFFFF;
	(pc) =	sbr.abs _section_cstart, $3  }
0xcf: {  	[dreg:$0x1] =	wrdreg $0xFFFFFFFF  }
0xd0: {  	_ =	task.clear_ibuf [dreg:s22], $0x2FFFF;
	_ =	strace $0x9FFFFFFF  }
0xd1: {  	(tm) =	ssettm $0x7FFFFFFF  }
tec
execute0_lowered:
.L_overlay_start_1:
0x0: {  	(tag) =	ssettag $0x1  }
0x1: {  	s0 =	rddreg [dreg:$0x0]  }
0x2: {  	s2 =	rddreg [dreg:$0x1]  }
0x3: {  	s3 =	simm.s32 $0x0;
	s1 =	srdreg.scid;
	s14 =	stileid.u32  }
0x4: {  	s29 =	simm.s32 $0x80;
	s30 =	simm.s32 $0xE00;
	s31 =	simm.s32 $0x2E00  }
0x5: {  	s28 =	simm.s32 $0x0;
	[smem:$0x7FF] =	sst s3;
	s1 =	sand.u32 $0x1, s1  }
0x6: {  	s4 =	sshll.u32 s14, $0x1;
	s7 =	smul.u32 $0x1400, s14;
	s8 =	sadd.s32 $0xA4000, s0  }
0x7: {  	s5 =	sadd.s32 $0xA6800, s0;
	s25 =	smul.u32 $0xA000, s14;
	_ =	strace $0x8000004A  }
0x8: {  	s6 =	sor.u32 s1, s4;
	s9 =	ssub.s32 $0x2, s1;
	p0 =	sne.s32 s1, $0x0  }
0x9: {  	s1 =	simm.s32 $0x2;
	s4 =	smul.u32 $0xA00, s6;
	s17 =	sshrl.u32 s9, $0x1  }
0xa: {  	s10 =	sshrl.u32 s7, $0x3;
	s13 =	smul.u32 $0x5000, s6;
	s16 =	sadd.s32 $0x4000600, s7  }
0xb: {  	s26 =	sadd.s32 s5, s25;
	s25 =	sadd.s32 $0x9C00, s25;
	s10 =	sadd.s32 s8, s10  }
0xc: {  	s0 =	ssub.s32 s9, s17;
	s18 =	sadd.s32 $0x200, s10;
	s10 =	sadd.s32 s5, s13  }
0xd: {  	s9 =	sadd.s32 $0x4000680, s7;
	[dreg:$0x3] =	wrdreg s18;
	s19 =	sadd.s32 $0x400, s10  }
0xe: {  	s11 =	sshrl.u32 s4, $0x3;
	s20 =	sadd.s32 $0x800, s10;
	[dreg:$0x4] =	wrdreg s19  }
0xf: {  	s12 =	smax.u32 s0, $0x1;
	s21 =	sadd.s32 $0xC00, s10;
	[dreg:$0x5] =	wrdreg s20  }
0x10: {  	s0 =	simm.s32 $0x1;
	s22 =	sadd.s32 $0x1000, s10;
	[dreg:$0x6] =	wrdreg s21  }
.Ltmp0:
0x11: {  	s23 =	sadd.s32 $0x1400, s10;
	[dreg:$0x7] =	wrdreg s22;
	(pc) =	sbr.rel .LBB2_1-.Ltmp0, $4  }
0x12: {  	s6 =	sadd.s32 s8, s11;
	s24 =	sadd.s32 $0x1800, s10;
	[dreg:$0x8] =	wrdreg s23  }
0x13: {  	s11 =	sor.u32 $0x80, s4;
	[dreg:$0x9] =	wrdreg s24;
	s19 =	sadd.s32 $0x1C00, s10  }
0x14: {  	s20 =	sadd.s32 $0x2000, s10;
	s21 =	sadd.s32 $0x2400, s10;
	s22 =	sadd.s32 $0x2800, s10  }
0x15: {  	s23 =	sadd.s32 $0x2C00, s13;
	s24 =	sadd.s32 $0x9800, s26;
	s26 =	simm.s32 $0x3  }
.LBB2_5:
0x16: {  	[tilespmem:s30], [sflag:$0x1] =	stream.indirect.gather [hbm4b:s2+s29], $0x40, s3, s29, $0xb8;
	[tilespmem:$0x4E00] =	vst v63  }
0x17: {  	_ = 	snop  }
0x18: {  	[tilespmem:s31], [sflag:$0x2] =	stream.indirect.gather [hbm4b:s2+s29], $0x40, s29, s29, $0xb8;
	[tilespmem:$0x4E00] =	vst v63  }
0x19: {  	_ =	swait.ge [sflag:s0], $0x2000  }
0x1a: {  	[sflag:s0] =	ssyncset.done $0x0  }
0x1b: {  	[sflag:s0] =	ssyncadd.s32 $0xFFFFE000  }
0x1c: {  	[hbm4b:s10+s3] =	stream.linear.scatter [tilespmem:s30], [sflag:$0x3], $0x2000, $0x38;
	[tilespmem:$0x4E00] =	vst v63  }
0x1d: {  	_ =	swait.ge [sflag:s26], $0x2000  }
0x1e: {  	[sflag:s26] =	ssyncset.done $0x0  }
0x1f: {  	s7 =	simm.s32 $0x100;
	[sflag:s26] =	ssyncadd.s32 $0xFFFFE000  }
0x20: {  	[tilespmem:s30], [sflag:$0x1] =	stream.indirect.gather [hbm4b:s2+s29], $0x40, s7, s29, $0xb8;
	[tilespmem:$0x4E00] =	vst v63  }
0x21: {  	_ =	swait.ge [sflag:s1], $0x2000  }
0x22: {  	[sflag:s1] =	ssyncset.done $0x0  }
0x23: {  	s15 =	rddreg [dreg:$0x4];
	[sflag:s1] =	ssyncadd.s32 $0xFFFFE000  }
0x24: {  	[hbm4b:s15+s3] =	stream.linear.scatter [tilespmem:s31], [sflag:$0x3], $0x2000, $0x38;
	[tilespmem:$0x4E00] =	vst v63  }
0x25: {  	_ =	swait.ge [sflag:s26], $0x2000  }
0x26: {  	[sflag:s26] =	ssyncset.done $0x0  }
0x27: {  	s17 =	simm.s32 $0x180;
	[sflag:s26] =	ssyncadd.s32 $0xFFFFE000  }
0x28: {  	[tilespmem:s31], [sflag:$0x2] =	stream.indirect.gather [hbm4b:s2+s29], $0x40, s17, s29, $0xb8;
	[tilespmem:$0x4E00] =	vst v63  }
0x29: {  	_ =	swait.ge [sflag:s0], $0x2000  }
0x2a: {  	[sflag:s0] =	ssyncset.done $0x0  }
0x2b: {  	s18 =	rddreg [dreg:$0x5];
	[sflag:s0] =	ssyncadd.s32 $0xFFFFE000  }
0x2c: {  	[hbm4b:s18+s3] =	stream.linear.scatter [tilespmem:s30], [sflag:$0x3], $0x2000, $0x38;
	[tilespmem:$0x4E00] =	vst v63  }
0x2d: {  	_ =	swait.ge [sflag:s26], $0x2000  }
0x2e: {  	[sflag:s26] =	ssyncset.done $0x0  }
0x2f: {  	s8 =	simm.s32 $0x200;
	[sflag:s26] =	ssyncadd.s32 $0xFFFFE000  }
0x30: {  	[tilespmem:s30], [sflag:$0x1] =	stream.indirect.gather [hbm4b:s2+s29], $0x40, s8, s29, $0xb8;
	[tilespmem:$0x4E00] =	vst v63  }
0x31: {  	_ =	swait.ge [sflag:s1], $0x2000  }
0x32: {  	[sflag:s1] =	ssyncset.done $0x0  }
0x33: {  	s13 =	rddreg [dreg:$0x6];
	[sflag:s1] =	ssyncadd.s32 $0xFFFFE000  }
0x34: {  	[hbm4b:s13+s3] =	stream.linear.scatter [tilespmem:s31], [sflag:$0x3], $0x2000, $0x38;
	[tilespmem:$0x4E00] =	vst v63  }
0x35: {  	_ =	swait.ge [sflag:s26], $0x2000  }
0x36: {  	[sflag:s26] =	ssyncset.done $0x0  }
0x37: {  	s14 =	simm.s32 $0x280;
	[sflag:s26] =	ssyncadd.s32 $0xFFFFE000  }
0x38: {  	[tilespmem:s31], [sflag:$0x2] =	stream.indirect.gather [hbm4b:s2+s29], $0x40, s14, s29, $0xb8;
	[tilespmem:$0x4E00] =	vst v63  }
0x39: {  	_ =	swait.ge [sflag:s0], $0x2000  }
0x3a: {  	[sflag:s0] =	ssyncset.done $0x0  }
0x3b: {  	s15 =	rddreg [dreg:$0x7];
	[sflag:s0] =	ssyncadd.s32 $0xFFFFE000  }
0x3c: {  	[hbm4b:s15+s3] =	stream.linear.scatter [tilespmem:s30], [sflag:$0x3], $0x2000, $0x38;
	[tilespmem:$0x4E00] =	vst v63  }
0x3d: {  	_ =	swait.ge [sflag:s26], $0x2000  }
0x3e: {  	[sflag:s26] =	ssyncset.done $0x0  }
0x3f: {  	s17 =	simm.s32 $0x300;
	[sflag:s26] =	ssyncadd.s32 $0xFFFFE000  }
0x40: {  	[tilespmem:s30], [sflag:$0x1] =	stream.indirect.gather [hbm4b:s2+s29], $0x40, s17, s29, $0xb8;
	[tilespmem:$0x4E00] =	vst v63  }
0x41: {  	_ =	swait.ge [sflag:s1], $0x2000  }
0x42: {  	[sflag:s1] =	ssyncset.done $0x0  }
0x43: {  	s18 =	rddreg [dreg:$0x8];
	[sflag:s1] =	ssyncadd.s32 $0xFFFFE000  }
0x44: {  	[hbm4b:s18+s3] =	stream.linear.scatter [tilespmem:s31], [sflag:$0x3], $0x2000, $0x38;
	[tilespmem:$0x4E00] =	vst v63  }
0x45: {  	_ =	swait.ge [sflag:s26], $0x2000  }
0x46: {  	[sflag:s26] =	ssyncset.done $0x0  }
0x47: {  	s8 =	simm.s32 $0x380;
	[sflag:s26] =	ssyncadd.s32 $0xFFFFE000  }
0x48: {  	[tilespmem:s31], [sflag:$0x2] =	stream.indirect.gather [hbm4b:s2+s29], $0x40, s8, s29, $0xb8;
	[tilespmem:$0x4E00] =	vst v63  }
0x49: {  	_ =	swait.ge [sflag:s0], $0x2000  }
0x4a: {  	[sflag:s0] =	ssyncset.done $0x0  }
0x4b: {  	s13 =	rddreg [dreg:$0x9];
	[sflag:s0] =	ssyncadd.s32 $0xFFFFE000  }
0x4c: {  	[hbm4b:s13+s3] =	stream.linear.scatter [tilespmem:s30], [sflag:$0x3], $0x2000, $0x38;
	[tilespmem:$0x4E00] =	vst v63  }
0x4d: {  	_ =	swait.ge [sflag:s26], $0x2000  }
0x4e: {  	[sflag:s26] =	ssyncset.done $0x0  }
0x4f: {  	s14 =	simm.s32 $0x400;
	[sflag:s26] =	ssyncadd.s32 $0xFFFFE000  }
0x50: {  	[tilespmem:s30], [sflag:$0x1] =	stream.indirect.gather [hbm4b:s2+s29], $0x40, s14, s29, $0xb8;
	[tilespmem:$0x4E00] =	vst v63  }
0x51: {  	_ =	swait.ge [sflag:s1], $0x2000  }
0x52: {  	[sflag:s1] =	ssyncset.done $0x0  }
0x53: {  	[sflag:s1] =	ssyncadd.s32 $0xFFFFE000  }
0x54: {  	[hbm4b:s19+s3] =	stream.linear.scatter [tilespmem:s31], [sflag:$0x3], $0x2000, $0x38;
	[tilespmem:$0x4E00] =	vst v63  }
0x55: {  	_ =	swait.ge [sflag:s26], $0x2000  }
0x56: {  	[sflag:s26] =	ssyncset.done $0x0  }
0x57: {  	s15 =	simm.s32 $0x480;
	[sflag:s26] =	ssyncadd.s32 $0xFFFFE000  }
0x58: {  	[tilespmem:s31], [sflag:$0x2] =	stream.indirect.gather [hbm4b:s2+s29], $0x40, s15, s29, $0xb8;
	[tilespmem:$0x4E00] =	vst v63  }
0x59: {  	_ =	swait.ge [sflag:s0], $0x2000  }
0x5a: {  	[sflag:s0] =	ssyncset.done $0x0  }
0x5b: {  	[sflag:s0] =	ssyncadd.s32 $0xFFFFE000  }
0x5c: {  	[hbm4b:s20+s3] =	stream.linear.scatter [tilespmem:s30], [sflag:$0x3], $0x2000, $0x38;
	[tilespmem:$0x4E00] =	vst v63  }
0x5d: {  	_ =	swait.ge [sflag:s26], $0x2000  }
0x5e: {  	[sflag:s26] =	ssyncset.done $0x0  }
0x5f: {  	s17 =	simm.s32 $0x500;
	[sflag:s26] =	ssyncadd.s32 $0xFFFFE000  }
0x60: {  	[tilespmem:s30], [sflag:$0x1] =	stream.indirect.gather [hbm4b:s2+s29], $0x40, s17, s29, $0xb8;
	[tilespmem:$0x4E00] =	vst v63  }
0x61: {  	_ =	swait.ge [sflag:s1], $0x2000  }
0x62: {  	[sflag:s1] =	ssyncset.done $0x0  }
0x63: {  	[sflag:s1] =	ssyncadd.s32 $0xFFFFE000  }
0x64: {  	[hbm4b:s21+s3] =	stream.linear.scatter [tilespmem:s31], [sflag:$0x3], $0x2000, $0x38;
	[tilespmem:$0x4E00] =	vst v63  }
0x65: {  	_ =	swait.ge [sflag:s26], $0x2000  }
0x66: {  	s7 =	smov.u32 s23;
	[sflag:s26] =	ssyncset.done $0x0  }
0x67: {  	s18 =	simm.s32 $0x580;
	s13 =	smov.u32 s22;
	[sflag:s26] =	ssyncadd.s32 $0xFFFFE000  }
0x68: {  	[tilespmem:s31], [sflag:$0x2] =	stream.indirect.gather [hbm4b:s2+s29], $0x40, s18, s29, $0xb8;
	[tilespmem:$0x4E00] =	vst v63  }
.LBB2_6:
0x69: {  	_ =	swait.ge [sflag:s0], $0x2000  }
0x6a: {  	[sflag:s0] =	ssyncset.done $0x0  }
0x6b: {  	[sflag:s0] =	ssyncadd.s32 $0xFFFFE000  }
0x6c: {  	[hbm4b:s13+s3] =	stream.linear.scatter [tilespmem:s30], [sflag:$0x3], $0x2000, $0x38;
	[tilespmem:$0x4E00] =	vst v63  }
0x6d: {  	_ =	swait.ge [sflag:s26], $0x2000  }
0x6e: {  	[sflag:s26] =	ssyncset.done $0x0  }
0x6f: {  	[sflag:s26] =	ssyncadd.s32 $0xFFFFE000  }
0x70: {  	s28 =	sadd.s32 $0x1, s28;
	_ =	swait.ge [sflag:s1], $0x2000  }
0x71: {  	p1 =	sne.s32 s28, s12;
	[sflag:s1] =	ssyncset.done $0x0  }
.Ltmp1:
0x72: {  	s7 =	sadd.s32 s5, s7;
	[sflag:s1] =	ssyncadd.s32 $0xFFFFE000;
	(pc) =	sbr.rel @!p1 .LBB2_7-.Ltmp1, $4  }
0x73: {  	[hbm4b:s7+s3] =	stream.linear.scatter [tilespmem:s31], [sflag:$0x3], $0x2000, $0x38;
	[tilespmem:$0x4E00] =	vst v63  }
0x74: {  	_ =	swait.ge [sflag:s26], $0x2000  }
0x75: {  	[sflag:s26] =	ssyncset.done $0x0  }
0x76: {  	[sflag:s26] =	ssyncadd.s32 $0xFFFFE000  }
.LBB2_1:
.Ltmp2:
0x77: {  	(pc) =	sbr.rel @p0 .LBB2_5-.Ltmp2, $4  }
0x78: {  	[tilespmem:s3], [sflag:$0x3] =	stream.linear.gather [hbm4b:s6+s3], $0xA00, $0x38;
	[tilespmem:$0x4E00] =	vst v63  }
0x79: {  	_ =	swait.ge [sflag:s26], $0xA00  }
0x7a: {  	[sflag:s26] =	ssyncset.done $0x0  }
0x7b: {  	[sflag:s26] =	ssyncadd.s32 $0xFFFFF600  }
0x7c: {  	s7 =	simm.s32 $0x0;
	s8 =	rddreg [dreg:$0x3];
	s13 =	simm.s32 $0xA00  }
0x7d: {  	[tilespmem:s13], [sflag:$0x3] =	stream.linear.gather [hbm4b:s8+s7], $0x400, $0x38;
	[tilespmem:$0x4E00] =	vst v63  }
0x7e: {  	_ =	swait.ge [sflag:s26], $0x400  }
0x7f: {  	p1 =	por $0x1, $0x1;
	s13 =	smov.u32 s16;
	[sflag:s26] =	ssyncset.done $0x0  }
0x80: {  	s13 =	smov.u32 @p1 s4;
	[sflag:s26] =	ssyncadd.s32 $0xFFFFFC00  }
0x81: {  	[tilespmem:s30], [sflag:$0x1] =	stream.indirect.gather [hbm4b:s2+s29], $0x40, s7, s29, $0xb8;
	[tilespmem:$0x4E00] =	vst v63  }
0x82: {  	s13 =	sadd.s32 $0x0, s13  }
0x83: {  	[tilespmem:s31], [sflag:$0x2] =	stream.indirect.gather [hbm4b:s2+s29], $0x40, s29, s29, $0xb8;
	[tilespmem:$0x4E00] =	vst v63  }
0x84: {  	s13 =	sshll.u32 s13, $0x3;
	_ =	swait.ge [sflag:s0], $0x2000  }
0x85: {  	s13 =	sand.u32 $0x1FFFF800, s13;
	[sflag:s0] =	ssyncset.done $0x0  }
0x86: {  	s13 =	sadd.s32 s5, s13;
	[sflag:s0] =	ssyncadd.s32 $0xFFFFE000  }
0x87: {  	[hbm4b:s13+s3] =	stream.linear.scatter [tilespmem:s30], [sflag:$0x3], $0x2000, $0x38;
	[tilespmem:$0x4E00] =	vst v63  }
0x88: {  	s13 =	smov.u32 s9;
	_ =	swait.ge [sflag:s26], $0x2000  }
0x89: {  	s13 =	smov.u32 @p1 s11;
	[sflag:s26] =	ssyncset.done $0x0  }
0x8a: {  	s14 =	simm.s32 $0x100;
	s13 =	sadd.s32 $0x0, s13;
	[sflag:s26] =	ssyncadd.s32 $0xFFFFE000  }
0x8b: {  	[tilespmem:s30], [sflag:$0x1] =	stream.indirect.gather [hbm4b:s2+s29], $0x40, s14, s29, $0xb8;
	[tilespmem:$0x4E00] =	vst v63  }
0x8c: {  	s13 =	sshll.u32 s13, $0x3;
	_ =	swait.ge [sflag:s1], $0x2000  }
0x8d: {  	s13 =	sand.u32 $0x1FFFFC00, s13;
	[sflag:s1] =	ssyncset.done $0x0  }
0x8e: {  	s15 =	simm.s32 $0x2;
	s13 =	sadd.s32 s5, s13;
	[sflag:s1] =	ssyncadd.s32 $0xFFFFE000  }
0x8f: {  	[hbm4b:s13+s3] =	stream.linear.scatter [tilespmem:s31], [sflag:$0x3], $0x2000, $0x38;
	[tilespmem:$0x4E00] =	vst v63  }
0x90: {  	p1 =	por $0x1, $0x1;
	s14 =	simm.s32 $0x180;
	s13 =	simm.s32 $0x280  }
.LBB2_3:
0x91: {  	s8 =	smov.u32 s16;
	s7 =	sadd.s32 $0x100, s7  }
0x92: {  	s17 =	smov.u32 s15;
	s18 =	sadd.s32 $0x1, s15;
	s8 =	smov.u32 @p1 s4  }
0x93: {  	p2 =	seq.s32 s15, $0xC;
	s8 =	sadd.s32 s7, s8;
	_ =	swait.ge [sflag:s26], $0x2000  }
0x94: {  	s8 =	sshll.u32 s8, $0x3;
	[sflag:s26] =	ssyncset.done $0x0  }
0x95: {  	s8 =	sand.u32 $0x1FFFF800, s8;
	[sflag:s26] =	ssyncadd.s32 $0xFFFFE000  }
0x96: {  	[tilespmem:s31], [sflag:$0x2] =	stream.indirect.gather [hbm4b:s2+s29], $0x40, s14, s29, $0xb8;
	[tilespmem:$0x4E00] =	vst v63  }
0x97: {  	s14 =	smov.u32 s13;
	_ =	swait.ge [sflag:s0], $0x2000  }
0x98: {  	[sflag:s0] =	ssyncset.done $0x0  }
0x99: {  	s8 =	sadd.s32 s5, s8;
	[sflag:s0] =	ssyncadd.s32 $0xFFFFE000  }
0x9a: {  	[hbm4b:s8+s3] =	stream.linear.scatter [tilespmem:s30], [sflag:$0x3], $0x2000, $0x38;
	[tilespmem:$0x4E00] =	vst v63  }
0x9b: {  	s8 =	smov.u32 s9;
	_ =	swait.ge [sflag:s26], $0x2000  }
0x9c: {  	s8 =	smov.u32 @p1 s11;
	[sflag:s26] =	ssyncset.done $0x0  }
0x9d: {  	s15 =	sadd.s32 $0xFFFFFF80, s13;
	s8 =	sadd.s32 s7, s8;
	[sflag:s26] =	ssyncadd.s32 $0xFFFFE000  }
0x9e: {  	[tilespmem:s30], [sflag:$0x1] =	stream.indirect.gather [hbm4b:s2+s29], $0x40, s15, s29, $0xb8;
	[tilespmem:$0x4E00] =	vst v63  }
.Ltmp3:
0x9f: {  	_ = 	snop;
	(pc) =	sbr.rel @!p2 .LBB2_3-.Ltmp3, $4  }
0xa0: {  	s13 =	sadd.s32 $0x100, s13;
	s8 =	sshll.u32 s8, $0x3;
	_ =	swait.ge [sflag:s1], $0x2000  }
0xa1: {  	p1 =	slt.u32 s17, $0xA;
	s8 =	sand.u32 $0x1FFFFC00, s8;
	[sflag:s1] =	ssyncset.done $0x0  }
0xa2: {  	s15 =	smov.u32 s18;
	s8 =	sadd.s32 s5, s8;
	[sflag:s1] =	ssyncadd.s32 $0xFFFFE000  }
0xa3: {  	[hbm4b:s8+s3] =	stream.linear.scatter [tilespmem:s31], [sflag:$0x3], $0x2000, $0x38;
	[tilespmem:$0x4E00] =	vst v63  }
0xa4: {  	s8 =	smov.u32 s16;
	_ =	swait.ge [sflag:s26], $0x2000  }
0xa5: {  	s7 =	sadd.s32 $0x100, s7;
	s8 =	smov.u32 @p1 s4;
	[sflag:s26] =	ssyncset.done $0x0  }
0xa6: {  	s8 =	sadd.s32 s7, s8;
	[sflag:s26] =	ssyncadd.s32 $0xFFFFE000  }
0xa7: {  	[tilespmem:s31], [sflag:$0x2] =	stream.indirect.gather [hbm4b:s2+s29], $0x40, s14, s29, $0xb8;
	[tilespmem:$0x4E00] =	vst v63  }
0xa8: {  	s8 =	sshll.u32 s8, $0x3;
	_ =	swait.ge [sflag:s0], $0x2000  }
0xa9: {  	s8 =	sand.u32 $0x1FFFF800, s8;
	[sflag:s0] =	ssyncset.done $0x0  }
0xaa: {  	s8 =	sadd.s32 s5, s8;
	[sflag:s0] =	ssyncadd.s32 $0xFFFFE000  }
0xab: {  	[hbm4b:s8+s3] =	stream.linear.scatter [tilespmem:s30], [sflag:$0x3], $0x2000, $0x38;
	[tilespmem:$0x4E00] =	vst v63  }
0xac: {  	s8 =	smov.u32 s9;
	_ =	swait.ge [sflag:s26], $0x2000  }
0xad: {  	s8 =	smov.u32 @p1 s11;
	[sflag:s26] =	ssyncset.done $0x0  }
0xae: {  	s18 =	sadd.s32 $0xFFFFFF80, s13;
	s7 =	sadd.s32 s7, s8;
	[sflag:s26] =	ssyncadd.s32 $0xFFFFE000  }
0xaf: {  	[tilespmem:s30], [sflag:$0x1] =	stream.indirect.gather [hbm4b:s2+s29], $0x40, s18, s29, $0xb8;
	[tilespmem:$0x4E00] =	vst v63  }
0xb0: {  	s7 =	sshll.u32 s7, $0x3;
	_ =	swait.ge [sflag:s1], $0x2000  }
0xb1: {  	s7 =	sand.u32 $0x1FFFFC00, s7;
	[sflag:s1] =	ssyncset.done $0x0  }
0xb2: {  	s7 =	sadd.s32 s5, s7;
	[sflag:s1] =	ssyncadd.s32 $0xFFFFE000  }
0xb3: {  	[hbm4b:s7+s3] =	stream.linear.scatter [tilespmem:s31], [sflag:$0x3], $0x2000, $0x38;
	[tilespmem:$0x4E00] =	vst v63  }
.Ltmp4:
0xb4: {  	_ =	swait.ge [sflag:s26], $0x2000;
	(pc) =	sbr.rel .LBB2_6-.Ltmp4, $4  }
0xb5: {  	[sflag:s26] =	ssyncset.done $0x0  }
0xb6: {  	[sflag:s26] =	ssyncadd.s32 $0xFFFFE000  }
0xb7: {  	[tilespmem:s31], [sflag:$0x2] =	stream.indirect.gather [hbm4b:s2+s29], $0x40, s13, s29, $0xb8;
	[tilespmem:$0x4E00] =	vst v63  }
0xb8: {  	s7 =	smov.u32 s25;
	s13 =	smov.u32 s24  }
.LBB2_7:
0xb9: {  	_ =	sfence.sel $0x180000  }
0xba: {  	[bflag:$0x0] =	sbarrier.arrive $0xFFFF  }
0xbb: {  	_ =	strace $0x9000004A  }
0xbc: {  	s0 =	stileid.u32;
	[bflag:$0x2] =	sbarrier.arrive $0xFFFF  }
0xbd: {  	p0 =	sne.s32 s0, $0x0;
	s0 =	rddreg [dreg:$0x2]  }
0xbe: {  	s0 =	sadd.s32 @!p0 $0x100000, s0  }
0xbf: {  	[sflag:s0] =	ssyncadd.tile.s32 @!p0 $0x1;
	_ =	shalt  }
.Lfunc_end2:
_tile_overlayer_lowered:
.L_overlay_start_2:
0xc0: {  	(tag) =	ssettag $0x2  }
0xc1: {  	s0 =	rddreg [dreg:$0x0];
	s2 =	stileid.u32  }
0xc2: {  	s1 =	rddreg [dreg:$0x1];
	p0 =	sne.s32 s2, $0x0  }
0xc3: {  	s3 =	rddreg [dreg:$0x2];
	[bflag:$0x3] =	sbarrier.arrive $0xFFFF;
	s2 =	simm.s32 @!p0 $0x1C03  }
0xc4: {  	[timem:s3], [sflag:s2] =	dma.local @!p0 [hbm:s0], s1  }
0xc5: {  	s0 =	simm.s32 @!p0 $0x3  }
0xc6: {  	_ =	swait.ge @!p0 [sflag:s0], s1  }
0xc7: {  	s1 =	ssub.s32 @!p0 $0x0, s1;
	[sflag:s0] =	ssyncset.done @!p0 $0x0  }
0xc8: {  	[sflag:s0] =	ssyncadd.s32 @!p0 s1  }
0xc9: {  	[bflag:$0x3] =	sbarrier.arrive $0xFFFF  }
0xca: {  	_ =	shalt  }

</sc_bundles>
